<compile_context>
chip_gen: v7x
topology: tpu7x:2x2x1
jax: 0.10.2.dev20260603
libtpu: 0.0.44.dev20260713+nightly
codegen_flags: <defaults>
</compile_context>

<pallas_src>
import functools

import jax
import jax.numpy as jnp
from jax import lax
from jax.experimental import pallas as pl
from jax.experimental.pallas import tpu as pltpu
from jax.experimental.pallas import tpu_sc as plsc

NF = 26
V = 100000
D = 50
BATCH = 16384
NUMF = 13

NC = 2
NS = 16
NW = NC * NS
ROWS = NF * D
CB = 4096
NCH = BATCH // CB
GRP = 8

BASE = ROWS // NW
REM = ROWS % NW


@functools.cache
def _get_sc_gather():
    mesh = plsc.VectorSubcoreMesh(
        core_axis_name="c", subcore_axis_name="s",
        num_cores=NC, num_subcores=NS)

    @functools.partial(
        pl.kernel,
        out_type=jax.ShapeDtypeStruct((ROWS, BATCH), jnp.float32),
        mesh=mesh,
        scratch_types=[
            pltpu.VMEM((V,), jnp.float32),
            pltpu.VMEM((BATCH,), jnp.int32),
            pltpu.VMEM((2, CB), jnp.float32),
            pltpu.SemaphoreType.DMA,
            pltpu.SemaphoreType.DMA,
            pltpu.SemaphoreType.DMA,
            pltpu.SemaphoreType.DMA,
        ],
        compiler_params=pltpu.CompilerParams(needs_layout_passes=False),
    )
    def _sc_gather(tab_hbm, idx_hbm, out_hbm, m_v, idx_v, out_v,
                   sem_m, sem_i, sem_o0, sem_o1):
        sem_o = [sem_o0, sem_o1]
        wid = lax.axis_index("c") * NS + lax.axis_index("s")
        lo = wid * BASE + jnp.minimum(wid, REM)
        hi = lo + BASE + jnp.where(wid < REM, 1, 0)
        f_lo = lo // D
        f_hi = (hi - 1) // D

        def field_body(f, carry):
            d0 = jnp.maximum(lo - f * D, 0)
            d1 = jnp.minimum(hi - f * D, D)
            pltpu.async_copy(idx_hbm.at[f], idx_v, sem_i).wait()

            def row_body(d, carry1):
                r = f * D + d
                pltpu.async_copy(tab_hbm.at[f, d], m_v, sem_m).wait()
                for c in range(NCH):
                    b = c % 2

                    def gather_body(g, carry2):
                        base = c * CB + g * GRP * 16
                        vals = [
                            plsc.load_gather(
                                m_v, [idx_v[pl.ds(base + k * 16, 16)]])
                            for k in range(GRP)
                        ]
                        obase = g * GRP * 16
                        for k in range(GRP):
                            out_v[b, pl.ds(obase + k * 16, 16)] = vals[k]
                        return carry2

                    if c >= 2:
                        pltpu.make_async_copy(
                            out_v.at[b],
                            out_hbm.at[r, pl.ds((c - 2) * CB, CB)],
                            sem_o[b]).wait()
                    lax.fori_loop(0, CB // (16 * GRP), gather_body, 0)
                    pltpu.async_copy(
                        out_v.at[b], out_hbm.at[r, pl.ds(c * CB, CB)],
                        sem_o[b])
                for c in range(NCH - 2, NCH):
                    pltpu.make_async_copy(
                        out_v.at[c % 2],
                        out_hbm.at[r, pl.ds(c * CB, CB)], sem_o[c % 2]).wait()
                return carry1

            lax.fori_loop(d0, d1, row_body, 0)
            return carry

        lax.fori_loop(f_lo, f_hi + 1, field_body, 0)

    return _sc_gather


def _mlp_t_body(act_ref, xn_ref, w1a_ref, w1b_ref, b1_ref, w2_ref, b2_ref,
                w3_ref, b3_ref, w4_ref, b4_ref, wskip_ref, out_ref):
    x = act_ref[...]
    xn = xn_ref[...]
    h = jnp.dot(w1a_ref[...], x, preferred_element_type=jnp.float32)
    h += jnp.dot(w1b_ref[...], xn, preferred_element_type=jnp.float32)
    h = jnp.maximum(h + b1_ref[...], 0.0)
    h = jnp.maximum(
        jnp.dot(w2_ref[...], h, preferred_element_type=jnp.float32)
        + b2_ref[...], 0.0)
    h = jnp.maximum(
        jnp.dot(w3_ref[...], h, preferred_element_type=jnp.float32)
        + b3_ref[...], 0.0)
    out = jnp.dot(w4_ref[...], h, preferred_element_type=jnp.float32)
    out_ref[...] = out + b4_ref[...] + xn[0:1, :] * wskip_ref[0, 0]


def _tc_mlp_t(act_t, xn_t, W1aT, W1bT, b1, W2T, b2, W3T, b3, W4T, b4, Wskip):
    BB = 2048
    grid = (BATCH // BB,)
    full = lambda shape: pl.BlockSpec(shape, lambda i: (0,) * len(shape))
    return pl.pallas_call(
        _mlp_t_body,
        grid=grid,
        in_specs=[
            pl.BlockSpec((ROWS, BB), lambda i: (0, i)),
            pl.BlockSpec((NUMF, BB), lambda i: (0, i)),
            full(W1aT.shape),
            full(W1bT.shape),
            full(b1.shape),
            full(W2T.shape),
            full(b2.shape),
            full(W3T.shape),
            full(b3.shape),
            full(W4T.shape),
            full(b4.shape),
            full(Wskip.shape),
        ],
        out_specs=pl.BlockSpec((1, BB), lambda i: (0, i)),
        out_shape=jax.ShapeDtypeStruct((1, BATCH), jnp.float32),
    )(act_t, xn_t, W1aT, W1bT, b1, W2T, b2, W3T, b3, W4T, b4, Wskip)


@jax.jit
def kernel(x_cat, x_num, tables, W1, b1, W2, b2, W3, b3, W4, b4, Wskip):
    tab_t = jnp.transpose(tables, (0, 2, 1))
    idx_t = x_cat.T
    xn_t = x_num.T
    act_t = _get_sc_gather()(tab_t, idx_t)
    out_t = _tc_mlp_t(
        act_t, xn_t,
        W1[:ROWS].T, W1[ROWS:].T, b1[:, None],
        W2.T, b2[:, None], W3.T, b3[:, None], W4.T, b4[:, None], Wskip)
    return out_t.T

# --- scband reference (transcript-rebuilt; emitter-appended) ---
"""Pipeline reference for scband-car-price-predictor-62414464745629 (READ-ONLY COPY).

The authoritative reference and input builder live on the scoring server;
editing this copy changes nothing except your own understanding.
"""

import jax, jax.numpy as jnp
import numpy as np

N_FIELDS = 26
VOCAB = 100000
EMB_DIM = 50  # min(50, (100000 + 1) // 2)
NUM_FEATURES = 13
BATCH = 16384
TOTAL_EMB = N_FIELDS * EMB_DIM  # 1300
IN_DIM = TOTAL_EMB + NUM_FEATURES  # 1313


def setup_inputs(seed: int = 0) -> dict:
    key = jax.random.key(seed)
    ks = jax.random.split(key, 12)
    x_cat = jax.random.randint(ks[0], (BATCH, N_FIELDS), 0, VOCAB, dtype=jnp.int32)
    x_num = jax.random.normal(ks[1], (BATCH, NUM_FEATURES), dtype=jnp.float32)
    tables = jax.random.normal(ks[2], (N_FIELDS, VOCAB, EMB_DIM), dtype=jnp.float32) * 0.02
    W1 = jax.random.normal(ks[3], (IN_DIM, 256), dtype=jnp.float32) * (1.0 / np.sqrt(IN_DIM))
    b1 = jnp.zeros((256,), dtype=jnp.float32)
    W2 = jax.random.normal(ks[4], (256, 128), dtype=jnp.float32) * (1.0 / np.sqrt(256))
    b2 = jnp.zeros((128,), dtype=jnp.float32)
    W3 = jax.random.normal(ks[5], (128, 64), dtype=jnp.float32) * (1.0 / np.sqrt(128))
    b3 = jnp.zeros((64,), dtype=jnp.float32)
    W4 = jax.random.normal(ks[6], (64, 1), dtype=jnp.float32) * (1.0 / np.sqrt(64))
    b4 = jnp.zeros((1,), dtype=jnp.float32)
    Wskip = jax.random.normal(ks[7], (1, 1), dtype=jnp.float32)
    return {"x_cat": x_cat, "x_num": x_num, "tables": tables,
            "W1": W1, "b1": b1, "W2": W2, "b2": b2,
            "W3": W3, "b3": b3, "W4": W4, "b4": b4, "Wskip": Wskip}


def reference(x_cat, x_num, tables, W1, b1, W2, b2, W3, b3, W4, b4, Wskip):
    # per-field embedding lookup (gather), then concat with dense features
    embs = [jnp.take(tables[i], x_cat[:, i], axis=0) for i in range(N_FIELDS)]
    x = jnp.concatenate(embs + [x_num], axis=1)
    h = jax.nn.relu(x @ W1 + b1)
    h = jax.nn.relu(h @ W2 + b2)
    h = jax.nn.relu(h @ W3 + b3)
    out = h @ W4 + b4
    price_feature = x_num[:, :1]
    skip = price_feature @ Wskip
    return out + skip

if __name__ == "__main__":
    import jax
    _d = setup_inputs()
    print(jax.jit(kernel)(*tuple(_d.values())))

</pallas_src>

<mosaic_0001>
#map = affine_map<(d0, d1) -> (0, 0, 0)>
#map1 = affine_map<(d0, d1) -> (0, 0)>
module attributes {stable_mosaic.version = 14 : i64} {
  func.func @_sc_gather(%arg0: i32, %arg1: i32, %arg2: memref<26x50x100000xf32, #tpu.memory_space<hbm>>, %arg3: memref<26x16384xi32, #tpu.memory_space<hbm>>, %arg4: memref<1300x16384xf32, #tpu.memory_space<hbm>>, %arg5: memref<100000xf32, #tpu.memory_space<vmem>>, %arg6: memref<16384xi32, #tpu.memory_space<vmem>>, %arg7: memref<2x4096xf32, #tpu.memory_space<vmem>>, %arg8: memref<!tpu.dma_semaphore, #tpu.memory_space<semaphore_mem>>, %arg9: memref<!tpu.dma_semaphore, #tpu.memory_space<semaphore_mem>>, %arg10: memref<!tpu.dma_semaphore, #tpu.memory_space<semaphore_mem>>, %arg11: memref<!tpu.dma_semaphore, #tpu.memory_space<semaphore_mem>>) attributes {dimension_semantics = [#tpu.dimension_semantics<core_parallel>, #tpu.dimension_semantics<subcore_parallel>], iteration_bounds = array<i64: 2, 16>, scalar_prefetch = 0 : i64, scratch_operands = 7 : i64, tpu.core_type = #tpu.core_type<sc_vector_subcore>, window_params = [{transform_indices = #map}, {transform_indices = #map1}, {transform_indices = #map1}]} {
    %mul3A = arith.constant 16 : i32
    %mul3A_0 = arith.muli %arg0, %mul3A : i32
    %add3A = arith.addi %mul3A_0, %arg1 : i32
    %mul3A_1 = arith.constant 40 : i32
    %mul3A_2 = arith.muli %add3A, %mul3A_1 : i32
    %min3A = arith.constant 20 : i32
    %min3A_3 = arith.minsi %add3A, %min3A : i32
    %add3A_4 = arith.addi %mul3A_2, %min3A_3 : i32
    %add3A_5 = arith.constant 40 : i32
    %add3A_6 = arith.addi %add3A_4, %add3A_5 : i32
    %lt3A = arith.constant 20 : i32
    %lt3A_7 = arith.cmpi slt, %add3A, %lt3A : i32
    %jit3A = arith.constant 1 : i32
    %jit3A_8 = arith.constant 0 : i32
    %select_n3A = arith.select %lt3A_7, %jit3A, %jit3A_8 : i32
    %add3A_9 = arith.addi %add3A_6, %select_n3A : i32
    %jit3A_10 = arith.constant 50 : i32
    %div3A = arith.divsi %add3A_4, %jit3A_10 : i32
    %sign3A = arith.constant 0 : i32
    %sign3A_11 = arith.cmpi sgt, %add3A_4, %sign3A : i32
    %sign3A_12 = arith.extui %sign3A_11 : i1 to i32
    %sign3A_13 = arith.constant 0 : i32
    %sign3A_14 = arith.cmpi slt, %add3A_4, %sign3A_13 : i32
    %sign3A_15 = arith.extui %sign3A_14 : i1 to i32
    %sign3A_16 = arith.subi %sign3A_12, %sign3A_15 : i32
    %sign3A_17 = arith.constant 0 : i32
    %sign3A_18 = arith.cmpi sgt, %jit3A_10, %sign3A_17 : i32
    %sign3A_19 = arith.extui %sign3A_18 : i1 to i32
    %sign3A_20 = arith.constant 0 : i32
    %sign3A_21 = arith.cmpi slt, %jit3A_10, %sign3A_20 : i32
    %sign3A_22 = arith.extui %sign3A_21 : i1 to i32
    %sign3A_23 = arith.subi %sign3A_19, %sign3A_22 : i32
    %ne3A = arith.cmpi ne, %sign3A_16, %sign3A_23 : i32
    %rem3A = arith.remsi %add3A_4, %jit3A_10 : i32
    %ne3A_24 = arith.constant 0 : i32
    %ne3A_25 = arith.cmpi ne, %rem3A, %ne3A_24 : i32
    %and3A = arith.andi %ne3A, %ne3A_25 : i1
    %sub3A = arith.constant 1 : i32
    %sub3A_26 = arith.subi %div3A, %sub3A : i32
    %select_n3A_27 = arith.select %and3A, %sub3A_26, %div3A : i32
    %sub3A_28 = arith.constant 1 : i32
    %sub3A_29 = arith.subi %add3A_9, %sub3A_28 : i32
    %jit3A_30 = arith.constant 50 : i32
    %div3A_31 = arith.divsi %sub3A_29, %jit3A_30 : i32
    %sign3A_32 = arith.constant 0 : i32
    %sign3A_33 = arith.cmpi sgt, %sub3A_29, %sign3A_32 : i32
    %sign3A_34 = arith.extui %sign3A_33 : i1 to i32
    %sign3A_35 = arith.constant 0 : i32
    %sign3A_36 = arith.cmpi slt, %sub3A_29, %sign3A_35 : i32
    %sign3A_37 = arith.extui %sign3A_36 : i1 to i32
    %sign3A_38 = arith.subi %sign3A_34, %sign3A_37 : i32
    %sign3A_39 = arith.constant 0 : i32
    %sign3A_40 = arith.cmpi sgt, %jit3A_30, %sign3A_39 : i32
    %sign3A_41 = arith.extui %sign3A_40 : i1 to i32
    %sign3A_42 = arith.constant 0 : i32
    %sign3A_43 = arith.cmpi slt, %jit3A_30, %sign3A_42 : i32
    %sign3A_44 = arith.extui %sign3A_43 : i1 to i32
    %sign3A_45 = arith.subi %sign3A_41, %sign3A_44 : i32
    %ne3A_46 = arith.cmpi ne, %sign3A_38, %sign3A_45 : i32
    %rem3A_47 = arith.remsi %sub3A_29, %jit3A_30 : i32
    %ne3A_48 = arith.constant 0 : i32
    %ne3A_49 = arith.cmpi ne, %rem3A_47, %ne3A_48 : i32
    %and3A_50 = arith.andi %ne3A_46, %ne3A_49 : i1
    %sub3A_51 = arith.constant 1 : i32
    %sub3A_52 = arith.subi %div3A_31, %sub3A_51 : i32
    %select_n3A_53 = arith.select %and3A_50, %sub3A_52, %div3A_31 : i32
    %add3A_54 = arith.constant 1 : i32
    %add3A_55 = arith.addi %select_n3A_53, %add3A_54 : i32
    %while3A = arith.constant 0 : i32
    %while3A_56 = arith.subi %add3A_55, %select_n3A_27 : i32
    %while3A_57 = arith.addi %select_n3A_27, %while3A_56 : i32
    %while3A_58 = arith.constant 1 : i32
    %while3A_59 = arith.divsi %while3A_56, %while3A_58 : i32
    %while3A_60 = arith.muli %while3A_59, %while3A_58 : i32
    %while3A_61 = arith.addi %select_n3A_27, %while3A_60 : i32
    %while3A_62 = arith.constant 1 : i32
    scf.for %while3A_64 = %select_n3A_27 to %while3A_61 step %while3A_62  : i32 {
      %mul3A_65 = arith.constant 50 : i32
      %mul3A_66 = arith.muli %while3A_64, %mul3A_65 : i32
      %sub3A_67 = arith.subi %add3A_4, %mul3A_66 : i32
      %max3A = arith.constant 0 : i32
      %max3A_68 = arith.maxsi %sub3A_67, %max3A : i32
      %mul3A_69 = arith.constant 50 : i32
      %mul3A_70 = arith.muli %while3A_64, %mul3A_69 : i32
      %sub3A_71 = arith.subi %add3A_9, %mul3A_70 : i32
      %min3A_72 = arith.constant 50 : i32
      %min3A_73 = arith.minsi %sub3A_71, %min3A_72 : i32
      %dma_start3A = arith.constant 0 : i32
      %dma_start3A_74 = tpu.memref_slice %arg3[%while3A_64, %dma_start3A] : memref<26x16384xi32, #tpu.memory_space<hbm>> -> memref<1x16384xi32, #tpu.memory_space<hbm>>
      %dma_start3A_75 = tpu.memref_squeeze %dma_start3A_74 : memref<1x16384xi32, #tpu.memory_space<hbm>> -> memref<16384xi32, #tpu.memory_space<hbm>>
      %dma_start3A_76 = arith.constant 0 : i32
      %dma_start3A_77 = tpu.memref_slice %arg3[%while3A_64, %dma_start3A_76] : memref<26x16384xi32, #tpu.memory_space<hbm>> -> memref<1x16384xi32, #tpu.memory_space<hbm>>
      %dma_start3A_78 = tpu.memref_squeeze %dma_start3A_77 : memref<1x16384xi32, #tpu.memory_space<hbm>> -> memref<16384xi32, #tpu.memory_space<hbm>>
      tpu.enqueue_dma source(%dma_start3A_78 : memref<16384xi32, #tpu.memory_space<hbm>>) target(%arg6 : memref<16384xi32, #tpu.memory_space<vmem>>) target_semaphore(%arg9 : memref<!tpu.dma_semaphore, #tpu.memory_space<semaphore_mem>>)
      %dma_wait3A = arith.constant 0 : i32
      %dma_wait3A_79 = tpu.memref_slice %arg3[%while3A_64, %dma_wait3A] : memref<26x16384xi32, #tpu.memory_space<hbm>> -> memref<1x16384xi32, #tpu.memory_space<hbm>>
      %dma_wait3A_80 = tpu.memref_squeeze %dma_wait3A_79 : memref<1x16384xi32, #tpu.memory_space<hbm>> -> memref<16384xi32, #tpu.memory_space<hbm>>
      %dma_wait3A_81 = arith.constant 0 : i32
      %dma_wait3A_82 = tpu.memref_slice %arg3[%while3A_64, %dma_wait3A_81] : memref<26x16384xi32, #tpu.memory_space<hbm>> -> memref<1x16384xi32, #tpu.memory_space<hbm>>
      %dma_wait3A_83 = tpu.memref_squeeze %dma_wait3A_82 : memref<1x16384xi32, #tpu.memory_space<hbm>> -> memref<16384xi32, #tpu.memory_space<hbm>>
      tpu.wait_dma2 semaphore(%arg9 : memref<!tpu.dma_semaphore, #tpu.memory_space<semaphore_mem>>) src(%dma_wait3A_83 : memref<16384xi32, #tpu.memory_space<hbm>>) dst(%arg6 : memref<16384xi32, #tpu.memory_space<vmem>>)
      %while3A_84 = arith.constant 0 : i32
      %while3A_85 = arith.subi %min3A_73, %max3A_68 : i32
      %while3A_86 = arith.addi %max3A_68, %while3A_85 : i32
      %while3A_87 = arith.constant 1 : i32
      %while3A_88 = arith.divsi %while3A_85, %while3A_87 : i32
      %while3A_89 = arith.muli %while3A_88, %while3A_87 : i32
      %while3A_90 = arith.addi %max3A_68, %while3A_89 : i32
      %while3A_91 = arith.constant 1 : i32
      scf.for %while3A_93 = %max3A_68 to %while3A_90 step %while3A_91  : i32 {
        %mul3A_94 = arith.constant 50 : i32
        %mul3A_95 = arith.muli %while3A_64, %mul3A_94 : i32
        %add3A_96 = arith.addi %mul3A_95, %while3A_93 : i32
        %dma_start3A_97 = arith.constant 0 : i32
        %dma_start3A_98 = tpu.memref_slice %arg2[%while3A_64, %while3A_93, %dma_start3A_97] : memref<26x50x100000xf32, #tpu.memory_space<hbm>> -> memref<1x1x100000xf32, #tpu.memory_space<hbm>>
        %dma_start3A_99 = tpu.memref_squeeze %dma_start3A_98 : memref<1x1x100000xf32, #tpu.memory_space<hbm>> -> memref<100000xf32, #tpu.memory_space<hbm>>
        %dma_start3A_100 = arith.constant 0 : i32
        %dma_start3A_101 = tpu.memref_slice %arg2[%while3A_64, %while3A_93, %dma_start3A_100] : memref<26x50x100000xf32, #tpu.memory_space<hbm>> -> memref<1x1x100000xf32, #tpu.memory_space<hbm>>
        %dma_start3A_102 = tpu.memref_squeeze %dma_start3A_101 : memref<1x1x100000xf32, #tpu.memory_space<hbm>> -> memref<100000xf32, #tpu.memory_space<hbm>>
        tpu.enqueue_dma source(%dma_start3A_102 : memref<100000xf32, #tpu.memory_space<hbm>>) target(%arg5 : memref<100000xf32, #tpu.memory_space<vmem>>) target_semaphore(%arg8 : memref<!tpu.dma_semaphore, #tpu.memory_space<semaphore_mem>>)
        %dma_wait3A_103 = arith.constant 0 : i32
        %dma_wait3A_104 = tpu.memref_slice %arg2[%while3A_64, %while3A_93, %dma_wait3A_103] : memref<26x50x100000xf32, #tpu.memory_space<hbm>> -> memref<1x1x100000xf32, #tpu.memory_space<hbm>>
        %dma_wait3A_105 = tpu.memref_squeeze %dma_wait3A_104 : memref<1x1x100000xf32, #tpu.memory_space<hbm>> -> memref<100000xf32, #tpu.memory_space<hbm>>
        %dma_wait3A_106 = arith.constant 0 : i32
        %dma_wait3A_107 = tpu.memref_slice %arg2[%while3A_64, %while3A_93, %dma_wait3A_106] : memref<26x50x100000xf32, #tpu.memory_space<hbm>> -> memref<1x1x100000xf32, #tpu.memory_space<hbm>>
        %dma_wait3A_108 = tpu.memref_squeeze %dma_wait3A_107 : memref<1x1x100000xf32, #tpu.memory_space<hbm>> -> memref<100000xf32, #tpu.memory_space<hbm>>
        tpu.wait_dma2 semaphore(%arg8 : memref<!tpu.dma_semaphore, #tpu.memory_space<semaphore_mem>>) src(%dma_wait3A_108 : memref<100000xf32, #tpu.memory_space<hbm>>) dst(%arg5 : memref<100000xf32, #tpu.memory_space<vmem>>)
        %scan3A = arith.constant 0 : i32
        %scan3A_109 = arith.constant 0 : i32
        %scan3A_110 = arith.constant 32 : i32
        %scan3A_111 = arith.addi %scan3A_109, %scan3A_110 : i32
        %scan3A_112 = arith.constant 1 : i32
        scf.for %scan3A_236 = %scan3A_109 to %scan3A_111 step %scan3A_112  : i32 {
          %mul3A_237 = arith.constant 8 : i32
          %mul3A_238 = arith.muli %scan3A_236, %mul3A_237 : i32
          %mul3A_239 = arith.constant 16 : i32
          %mul3A_240 = arith.muli %mul3A_238, %mul3A_239 : i32
          %add3A_241 = arith.constant 0 : i32
          %add3A_242 = arith.addi %add3A_241, %mul3A_240 : i32
          %add3A_243 = arith.constant 0 : i32
          %add3A_244 = arith.addi %add3A_242, %add3A_243 : i32
          %get3A = arith.index_cast %add3A_244 : i32 to index
          %get3A_245 = tpu.vector_load %arg6[%get3A] {strides = array<i32>} : memref<16384xi32, #tpu.memory_space<vmem>>, vector<16xi32>,
          %gather3A = tpu.vector_load_idx %arg5[%get3A_245] : memref<100000xf32, #tpu.memory_space<vmem>>[vector<16xi32>], vector<16xf32>,
          %add3A_246 = arith.constant 16 : i32
          %add3A_247 = arith.addi %add3A_242, %add3A_246 : i32
          %get3A_248 = arith.index_cast %add3A_247 : i32 to index
          %get3A_249 = tpu.vector_load %arg6[%get3A_248] {strides = array<i32>} : memref<16384xi32, #tpu.memory_space<vmem>>, vector<16xi32>,
          %gather3A_250 = tpu.vector_load_idx %arg5[%get3A_249] : memref<100000xf32, #tpu.memory_space<vmem>>[vector<16xi32>], vector<16xf32>,
          %add3A_251 = arith.constant 32 : i32
          %add3A_252 = arith.addi %add3A_242, %add3A_251 : i32
          %get3A_253 = arith.index_cast %add3A_252 : i32 to index
          %get3A_254 = tpu.vector_load %arg6[%get3A_253] {strides = array<i32>} : memref<16384xi32, #tpu.memory_space<vmem>>, vector<16xi32>,
          %gather3A_255 = tpu.vector_load_idx %arg5[%get3A_254] : memref<100000xf32, #tpu.memory_space<vmem>>[vector<16xi32>], vector<16xf32>,
          %add3A_256 = arith.constant 48 : i32
          %add3A_257 = arith.addi %add3A_242, %add3A_256 : i32
          %get3A_258 = arith.index_cast %add3A_257 : i32 to index
          %get3A_259 = tpu.vector_load %arg6[%get3A_258] {strides = array<i32>} : memref<16384xi32, #tpu.memory_space<vmem>>, vector<16xi32>,
          %gather3A_260 = tpu.vector_load_idx %arg5[%get3A_259] : memref<100000xf32, #tpu.memory_space<vmem>>[vector<16xi32>], vector<16xf32>,
          %add3A_261 = arith.constant 64 : i32
          %add3A_262 = arith.addi %add3A_242, %add3A_261 : i32
          %get3A_263 = arith.index_cast %add3A_262 : i32 to index
          %get3A_264 = tpu.vector_load %arg6[%get3A_263] {strides = array<i32>} : memref<16384xi32, #tpu.memory_space<vmem>>, vector<16xi32>,
          %gather3A_265 = tpu.vector_load_idx %arg5[%get3A_264] : memref<100000xf32, #tpu.memory_space<vmem>>[vector<16xi32>], vector<16xf32>,
          %add3A_266 = arith.constant 80 : i32
          %add3A_267 = arith.addi %add3A_242, %add3A_266 : i32
          %get3A_268 = arith.index_cast %add3A_267 : i32 to index
          %get3A_269 = tpu.vector_load %arg6[%get3A_268] {strides = array<i32>} : memref<16384xi32, #tpu.memory_space<vmem>>, vector<16xi32>,
          %gather3A_270 = tpu.vector_load_idx %arg5[%get3A_269] : memref<100000xf32, #tpu.memory_space<vmem>>[vector<16xi32>], vector<16xf32>,
          %add3A_271 = arith.constant 96 : i32
          %add3A_272 = arith.addi %add3A_242, %add3A_271 : i32
          %get3A_273 = arith.index_cast %add3A_272 : i32 to index
          %get3A_274 = tpu.vector_load %arg6[%get3A_273] {strides = array<i32>} : memref<16384xi32, #tpu.memory_space<vmem>>, vector<16xi32>,
          %gather3A_275 = tpu.vector_load_idx %arg5[%get3A_274] : memref<100000xf32, #tpu.memory_space<vmem>>[vector<16xi32>], vector<16xf32>,
          %add3A_276 = arith.constant 112 : i32
          %add3A_277 = arith.addi %add3A_242, %add3A_276 : i32
          %get3A_278 = arith.index_cast %add3A_277 : i32 to index
          %get3A_279 = tpu.vector_load %arg6[%get3A_278] {strides = array<i32>} : memref<16384xi32, #tpu.memory_space<vmem>>, vector<16xi32>,
          %gather3A_280 = tpu.vector_load_idx %arg5[%get3A_279] : memref<100000xf32, #tpu.memory_space<vmem>>[vector<16xi32>], vector<16xf32>,
          %mul3A_281 = arith.constant 8 : i32
          %mul3A_282 = arith.muli %scan3A_236, %mul3A_281 : i32
          %mul3A_283 = arith.constant 16 : i32
          %mul3A_284 = arith.muli %mul3A_282, %mul3A_283 : i32
          %add3A_285 = arith.constant 0 : i32
          %add3A_286 = arith.addi %mul3A_284, %add3A_285 : i32
          %swap3A = arith.constant 0 : i32
          %swap3A_287 = arith.index_cast %swap3A : i32 to index
          %swap3A_288 = arith.index_cast %add3A_286 : i32 to index
          %swap3A_289 = tpu.vector_load %arg7[%swap3A_287, %swap3A_288] {strides = array<i32>} : memref<2x4096xf32, #tpu.memory_space<vmem>>, vector<16xf32>,
          tpu.vector_store %arg7[%swap3A_287, %swap3A_288], %gather3A {strides = array<i32>} : memref<2x4096xf32, #tpu.memory_space<vmem>>, vector<16xf32>,
          %add3A_290 = arith.constant 16 : i32
          %add3A_291 = arith.addi %mul3A_284, %add3A_290 : i32
          %swap3A_292 = arith.constant 0 : i32
          %swap3A_293 = arith.index_cast %swap3A_292 : i32 to index
          %swap3A_294 = arith.index_cast %add3A_291 : i32 to index
          %swap3A_295 = tpu.vector_load %arg7[%swap3A_293, %swap3A_294] {strides = array<i32>} : memref<2x4096xf32, #tpu.memory_space<vmem>>, vector<16xf32>,
          tpu.vector_store %arg7[%swap3A_293, %swap3A_294], %gather3A_250 {strides = array<i32>} : memref<2x4096xf32, #tpu.memory_space<vmem>>, vector<16xf32>,
          %add3A_296 = arith.constant 32 : i32
          %add3A_297 = arith.addi %mul3A_284, %add3A_296 : i32
          %swap3A_298 = arith.constant 0 : i32
          %swap3A_299 = arith.index_cast %swap3A_298 : i32 to index
          %swap3A_300 = arith.index_cast %add3A_297 : i32 to index
          %swap3A_301 = tpu.vector_load %arg7[%swap3A_299, %swap3A_300] {strides = array<i32>} : memref<2x4096xf32, #tpu.memory_space<vmem>>, vector<16xf32>,
          tpu.vector_store %arg7[%swap3A_299, %swap3A_300], %gather3A_255 {strides = array<i32>} : memref<2x4096xf32, #tpu.memory_space<vmem>>, vector<16xf32>,
          %add3A_302 = arith.constant 48 : i32
          %add3A_303 = arith.addi %mul3A_284, %add3A_302 : i32
          %swap3A_304 = arith.constant 0 : i32
          %swap3A_305 = arith.index_cast %swap3A_304 : i32 to index
          %swap3A_306 = arith.index_cast %add3A_303 : i32 to index
          %swap3A_307 = tpu.vector_load %arg7[%swap3A_305, %swap3A_306] {strides = array<i32>} : memref<2x4096xf32, #tpu.memory_space<vmem>>, vector<16xf32>,
          tpu.vector_store %arg7[%swap3A_305, %swap3A_306], %gather3A_260 {strides = array<i32>} : memref<2x4096xf32, #tpu.memory_space<vmem>>, vector<16xf32>,
          %add3A_308 = arith.constant 64 : i32
          %add3A_309 = arith.addi %mul3A_284, %add3A_308 : i32
          %swap3A_310 = arith.constant 0 : i32
          %swap3A_311 = arith.index_cast %swap3A_310 : i32 to index
          %swap3A_312 = arith.index_cast %add3A_309 : i32 to index
          %swap3A_313 = tpu.vector_load %arg7[%swap3A_311, %swap3A_312] {strides = array<i32>} : memref<2x4096xf32, #tpu.memory_space<vmem>>, vector<16xf32>,
          tpu.vector_store %arg7[%swap3A_311, %swap3A_312], %gather3A_265 {strides = array<i32>} : memref<2x4096xf32, #tpu.memory_space<vmem>>, vector<16xf32>,
          %add3A_314 = arith.constant 80 : i32
          %add3A_315 = arith.addi %mul3A_284, %add3A_314 : i32
          %swap3A_316 = arith.constant 0 : i32
          %swap3A_317 = arith.index_cast %swap3A_316 : i32 to index
          %swap3A_318 = arith.index_cast %add3A_315 : i32 to index
          %swap3A_319 = tpu.vector_load %arg7[%swap3A_317, %swap3A_318] {strides = array<i32>} : memref<2x4096xf32, #tpu.memory_space<vmem>>, vector<16xf32>,
          tpu.vector_store %arg7[%swap3A_317, %swap3A_318], %gather3A_270 {strides = array<i32>} : memref<2x4096xf32, #tpu.memory_space<vmem>>, vector<16xf32>,
          %add3A_320 = arith.constant 96 : i32
          %add3A_321 = arith.addi %mul3A_284, %add3A_320 : i32
          %swap3A_322 = arith.constant 0 : i32
          %swap3A_323 = arith.index_cast %swap3A_322 : i32 to index
          %swap3A_324 = arith.index_cast %add3A_321 : i32 to index
          %swap3A_325 = tpu.vector_load %arg7[%swap3A_323, %swap3A_324] {strides = array<i32>} : memref<2x4096xf32, #tpu.memory_space<vmem>>, vector<16xf32>,
          tpu.vector_store %arg7[%swap3A_323, %swap3A_324], %gather3A_275 {strides = array<i32>} : memref<2x4096xf32, #tpu.memory_space<vmem>>, vector<16xf32>,
          %add3A_326 = arith.constant 112 : i32
          %add3A_327 = arith.addi %mul3A_284, %add3A_326 : i32
          %swap3A_328 = arith.constant 0 : i32
          %swap3A_329 = arith.index_cast %swap3A_328 : i32 to index
          %swap3A_330 = arith.index_cast %add3A_327 : i32 to index
          %swap3A_331 = tpu.vector_load %arg7[%swap3A_329, %swap3A_330] {strides = array<i32>} : memref<2x4096xf32, #tpu.memory_space<vmem>>, vector<16xf32>,
          tpu.vector_store %arg7[%swap3A_329, %swap3A_330], %gather3A_280 {strides = array<i32>} : memref<2x4096xf32, #tpu.memory_space<vmem>>, vector<16xf32>,
        }
        %scan3A_113 = arith.constant 32 : i32
        %dma_start3A_114 = arith.constant 0 : i32
        %dma_start3A_115 = arith.constant 0 : i32
        %dma_start3A_116 = tpu.memref_slice %arg7[%dma_start3A_114, %dma_start3A_115] : memref<2x4096xf32, #tpu.memory_space<vmem>> -> memref<1x4096xf32, #tpu.memory_space<vmem>>
        %dma_start3A_117 = tpu.memref_squeeze %dma_start3A_116 : memref<1x4096xf32, #tpu.memory_space<vmem>> -> memref<4096xf32, #tpu.memory_space<vmem>>
        %dma_start3A_118 = arith.constant 0 : i32
        %dma_start3A_119 = tpu.memref_slice %arg4[%add3A_96, %dma_start3A_118] : memref<1300x16384xf32, #tpu.memory_space<hbm>> -> memref<1x4096xf32, #tpu.memory_space<hbm>>
        %dma_start3A_120 = tpu.memref_squeeze %dma_start3A_119 : memref<1x4096xf32, #tpu.memory_space<hbm>> -> memref<4096xf32, #tpu.memory_space<hbm>>
        %dma_start3A_121 = arith.constant 0 : i32
        %dma_start3A_122 = tpu.memref_slice %arg4[%add3A_96, %dma_start3A_121] : memref<1300x16384xf32, #tpu.memory_space<hbm>> -> memref<1x4096xf32, #tpu.memory_space<hbm>>
        %dma_start3A_123 = tpu.memref_squeeze %dma_start3A_122 : memref<1x4096xf32, #tpu.memory_space<hbm>> -> memref<4096xf32, #tpu.memory_space<hbm>>
        %dma_start3A_124 = arith.constant 0 : i32
        %dma_start3A_125 = tpu.memref_slice %arg7[%dma_start3A_114, %dma_start3A_124] : memref<2x4096xf32, #tpu.memory_space<vmem>> -> memref<1x4096xf32, #tpu.memory_space<vmem>>
        %dma_start3A_126 = tpu.memref_squeeze %dma_start3A_125 : memref<1x4096xf32, #tpu.memory_space<vmem>> -> memref<4096xf32, #tpu.memory_space<vmem>>
        tpu.enqueue_dma source(%dma_start3A_126 : memref<4096xf32, #tpu.memory_space<vmem>>) target(%dma_start3A_123 : memref<4096xf32, #tpu.memory_space<hbm>>) target_semaphore(%arg10 : memref<!tpu.dma_semaphore, #tpu.memory_space<semaphore_mem>>)
        %scan3A_127 = arith.constant 0 : i32
        %scan3A_128 = arith.constant 0 : i32
        %scan3A_129 = arith.constant 32 : i32
        %scan3A_130 = arith.addi %scan3A_128, %scan3A_129 : i32
        %scan3A_131 = arith.constant 1 : i32
        scf.for %scan3A_236 = %scan3A_128 to %scan3A_130 step %scan3A_131  : i32 {
          %mul3A_237 = arith.constant 8 : i32
          %mul3A_238 = arith.muli %scan3A_236, %mul3A_237 : i32
          %mul3A_239 = arith.constant 16 : i32
          %mul3A_240 = arith.muli %mul3A_238, %mul3A_239 : i32
          %add3A_241 = arith.constant 4096 : i32
          %add3A_242 = arith.addi %add3A_241, %mul3A_240 : i32
          %add3A_243 = arith.constant 0 : i32
          %add3A_244 = arith.addi %add3A_242, %add3A_243 : i32
          %get3A = arith.index_cast %add3A_244 : i32 to index
          %get3A_245 = tpu.vector_load %arg6[%get3A] {strides = array<i32>} : memref<16384xi32, #tpu.memory_space<vmem>>, vector<16xi32>,
          %gather3A = tpu.vector_load_idx %arg5[%get3A_245] : memref<100000xf32, #tpu.memory_space<vmem>>[vector<16xi32>], vector<16xf32>,
          %add3A_246 = arith.constant 16 : i32
          %add3A_247 = arith.addi %add3A_242, %add3A_246 : i32
          %get3A_248 = arith.index_cast %add3A_247 : i32 to index
          %get3A_249 = tpu.vector_load %arg6[%get3A_248] {strides = array<i32>} : memref<16384xi32, #tpu.memory_space<vmem>>, vector<16xi32>,
          %gather3A_250 = tpu.vector_load_idx %arg5[%get3A_249] : memref<100000xf32, #tpu.memory_space<vmem>>[vector<16xi32>], vector<16xf32>,
          %add3A_251 = arith.constant 32 : i32
          %add3A_252 = arith.addi %add3A_242, %add3A_251 : i32
          %get3A_253 = arith.index_cast %add3A_252 : i32 to index
          %get3A_254 = tpu.vector_load %arg6[%get3A_253] {strides = array<i32>} : memref<16384xi32, #tpu.memory_space<vmem>>, vector<16xi32>,
          %gather3A_255 = tpu.vector_load_idx %arg5[%get3A_254] : memref<100000xf32, #tpu.memory_space<vmem>>[vector<16xi32>], vector<16xf32>,
          %add3A_256 = arith.constant 48 : i32
          %add3A_257 = arith.addi %add3A_242, %add3A_256 : i32
          %get3A_258 = arith.index_cast %add3A_257 : i32 to index
          %get3A_259 = tpu.vector_load %arg6[%get3A_258] {strides = array<i32>} : memref<16384xi32, #tpu.memory_space<vmem>>, vector<16xi32>,
          %gather3A_260 = tpu.vector_load_idx %arg5[%get3A_259] : memref<100000xf32, #tpu.memory_space<vmem>>[vector<16xi32>], vector<16xf32>,
          %add3A_261 = arith.constant 64 : i32
          %add3A_262 = arith.addi %add3A_242, %add3A_261 : i32
          %get3A_263 = arith.index_cast %add3A_262 : i32 to index
          %get3A_264 = tpu.vector_load %arg6[%get3A_263] {strides = array<i32>} : memref<16384xi32, #tpu.memory_space<vmem>>, vector<16xi32>,
          %gather3A_265 = tpu.vector_load_idx %arg5[%get3A_264] : memref<100000xf32, #tpu.memory_space<vmem>>[vector<16xi32>], vector<16xf32>,
          %add3A_266 = arith.constant 80 : i32
          %add3A_267 = arith.addi %add3A_242, %add3A_266 : i32
          %get3A_268 = arith.index_cast %add3A_267 : i32 to index
          %get3A_269 = tpu.vector_load %arg6[%get3A_268] {strides = array<i32>} : memref<16384xi32, #tpu.memory_space<vmem>>, vector<16xi32>,
          %gather3A_270 = tpu.vector_load_idx %arg5[%get3A_269] : memref<100000xf32, #tpu.memory_space<vmem>>[vector<16xi32>], vector<16xf32>,
          %add3A_271 = arith.constant 96 : i32
          %add3A_272 = arith.addi %add3A_242, %add3A_271 : i32
          %get3A_273 = arith.index_cast %add3A_272 : i32 to index
          %get3A_274 = tpu.vector_load %arg6[%get3A_273] {strides = array<i32>} : memref<16384xi32, #tpu.memory_space<vmem>>, vector<16xi32>,
          %gather3A_275 = tpu.vector_load_idx %arg5[%get3A_274] : memref<100000xf32, #tpu.memory_space<vmem>>[vector<16xi32>], vector<16xf32>,
          %add3A_276 = arith.constant 112 : i32
          %add3A_277 = arith.addi %add3A_242, %add3A_276 : i32
          %get3A_278 = arith.index_cast %add3A_277 : i32 to index
          %get3A_279 = tpu.vector_load %arg6[%get3A_278] {strides = array<i32>} : memref<16384xi32, #tpu.memory_space<vmem>>, vector<16xi32>,
          %gather3A_280 = tpu.vector_load_idx %arg5[%get3A_279] : memref<100000xf32, #tpu.memory_space<vmem>>[vector<16xi32>], vector<16xf32>,
          %mul3A_281 = arith.constant 8 : i32
          %mul3A_282 = arith.muli %scan3A_236, %mul3A_281 : i32
          %mul3A_283 = arith.constant 16 : i32
          %mul3A_284 = arith.muli %mul3A_282, %mul3A_283 : i32
          %add3A_285 = arith.constant 0 : i32
          %add3A_286 = arith.addi %mul3A_284, %add3A_285 : i32
          %swap3A = arith.constant 1 : i32
          %swap3A_287 = arith.index_cast %swap3A : i32 to index
          %swap3A_288 = arith.index_cast %add3A_286 : i32 to index
          %swap3A_289 = tpu.vector_load %arg7[%swap3A_287, %swap3A_288] {strides = array<i32>} : memref<2x4096xf32, #tpu.memory_space<vmem>>, vector<16xf32>,
          tpu.vector_store %arg7[%swap3A_287, %swap3A_288], %gather3A {strides = array<i32>} : memref<2x4096xf32, #tpu.memory_space<vmem>>, vector<16xf32>,
          %add3A_290 = arith.constant 16 : i32
          %add3A_291 = arith.addi %mul3A_284, %add3A_290 : i32
          %swap3A_292 = arith.constant 1 : i32
          %swap3A_293 = arith.index_cast %swap3A_292 : i32 to index
          %swap3A_294 = arith.index_cast %add3A_291 : i32 to index
          %swap3A_295 = tpu.vector_load %arg7[%swap3A_293, %swap3A_294] {strides = array<i32>} : memref<2x4096xf32, #tpu.memory_space<vmem>>, vector<16xf32>,
          tpu.vector_store %arg7[%swap3A_293, %swap3A_294], %gather3A_250 {strides = array<i32>} : memref<2x4096xf32, #tpu.memory_space<vmem>>, vector<16xf32>,
          %add3A_296 = arith.constant 32 : i32
          %add3A_297 = arith.addi %mul3A_284, %add3A_296 : i32
          %swap3A_298 = arith.constant 1 : i32
          %swap3A_299 = arith.index_cast %swap3A_298 : i32 to index
          %swap3A_300 = arith.index_cast %add3A_297 : i32 to index
          %swap3A_301 = tpu.vector_load %arg7[%swap3A_299, %swap3A_300] {strides = array<i32>} : memref<2x4096xf32, #tpu.memory_space<vmem>>, vector<16xf32>,
          tpu.vector_store %arg7[%swap3A_299, %swap3A_300], %gather3A_255 {strides = array<i32>} : memref<2x4096xf32, #tpu.memory_space<vmem>>, vector<16xf32>,
          %add3A_302 = arith.constant 48 : i32
          %add3A_303 = arith.addi %mul3A_284, %add3A_302 : i32
          %swap3A_304 = arith.constant 1 : i32
          %swap3A_305 = arith.index_cast %swap3A_304 : i32 to index
          %swap3A_306 = arith.index_cast %add3A_303 : i32 to index
          %swap3A_307 = tpu.vector_load %arg7[%swap3A_305, %swap3A_306] {strides = array<i32>} : memref<2x4096xf32, #tpu.memory_space<vmem>>, vector<16xf32>,
          tpu.vector_store %arg7[%swap3A_305, %swap3A_306], %gather3A_260 {strides = array<i32>} : memref<2x4096xf32, #tpu.memory_space<vmem>>, vector<16xf32>,
          %add3A_308 = arith.constant 64 : i32
          %add3A_309 = arith.addi %mul3A_284, %add3A_308 : i32
          %swap3A_310 = arith.constant 1 : i32
          %swap3A_311 = arith.index_cast %swap3A_310 : i32 to index
          %swap3A_312 = arith.index_cast %add3A_309 : i32 to index
          %swap3A_313 = tpu.vector_load %arg7[%swap3A_311, %swap3A_312] {strides = array<i32>} : memref<2x4096xf32, #tpu.memory_space<vmem>>, vector<16xf32>,
          tpu.vector_store %arg7[%swap3A_311, %swap3A_312], %gather3A_265 {strides = array<i32>} : memref<2x4096xf32, #tpu.memory_space<vmem>>, vector<16xf32>,
          %add3A_314 = arith.constant 80 : i32
          %add3A_315 = arith.addi %mul3A_284, %add3A_314 : i32
          %swap3A_316 = arith.constant 1 : i32
          %swap3A_317 = arith.index_cast %swap3A_316 : i32 to index
          %swap3A_318 = arith.index_cast %add3A_315 : i32 to index
          %swap3A_319 = tpu.vector_load %arg7[%swap3A_317, %swap3A_318] {strides = array<i32>} : memref<2x4096xf32, #tpu.memory_space<vmem>>, vector<16xf32>,
          tpu.vector_store %arg7[%swap3A_317, %swap3A_318], %gather3A_270 {strides = array<i32>} : memref<2x4096xf32, #tpu.memory_space<vmem>>, vector<16xf32>,
          %add3A_320 = arith.constant 96 : i32
          %add3A_321 = arith.addi %mul3A_284, %add3A_320 : i32
          %swap3A_322 = arith.constant 1 : i32
          %swap3A_323 = arith.index_cast %swap3A_322 : i32 to index
          %swap3A_324 = arith.index_cast %add3A_321 : i32 to index
          %swap3A_325 = tpu.vector_load %arg7[%swap3A_323, %swap3A_324] {strides = array<i32>} : memref<2x4096xf32, #tpu.memory_space<vmem>>, vector<16xf32>,
          tpu.vector_store %arg7[%swap3A_323, %swap3A_324], %gather3A_275 {strides = array<i32>} : memref<2x4096xf32, #tpu.memory_space<vmem>>, vector<16xf32>,
          %add3A_326 = arith.constant 112 : i32
          %add3A_327 = arith.addi %mul3A_284, %add3A_326 : i32
          %swap3A_328 = arith.constant 1 : i32
          %swap3A_329 = arith.index_cast %swap3A_328 : i32 to index
          %swap3A_330 = arith.index_cast %add3A_327 : i32 to index
          %swap3A_331 = tpu.vector_load %arg7[%swap3A_329, %swap3A_330] {strides = array<i32>} : memref<2x4096xf32, #tpu.memory_space<vmem>>, vector<16xf32>,
          tpu.vector_store %arg7[%swap3A_329, %swap3A_330], %gather3A_280 {strides = array<i32>} : memref<2x4096xf32, #tpu.memory_space<vmem>>, vector<16xf32>,
        }
        %scan3A_132 = arith.constant 32 : i32
        %dma_start3A_133 = arith.constant 1 : i32
        %dma_start3A_134 = arith.constant 0 : i32
        %dma_start3A_135 = tpu.memref_slice %arg7[%dma_start3A_133, %dma_start3A_134] : memref<2x4096xf32, #tpu.memory_space<vmem>> -> memref<1x4096xf32, #tpu.memory_space<vmem>>
        %dma_start3A_136 = tpu.memref_squeeze %dma_start3A_135 : memref<1x4096xf32, #tpu.memory_space<vmem>> -> memref<4096xf32, #tpu.memory_space<vmem>>
        %dma_start3A_137 = arith.constant 4096 : i32
        %dma_start3A_138 = tpu.memref_slice %arg4[%add3A_96, %dma_start3A_137] : memref<1300x16384xf32, #tpu.memory_space<hbm>> -> memref<1x4096xf32, #tpu.memory_space<hbm>>
        %dma_start3A_139 = tpu.memref_squeeze %dma_start3A_138 : memref<1x4096xf32, #tpu.memory_space<hbm>> -> memref<4096xf32, #tpu.memory_space<hbm>>
        %dma_start3A_140 = arith.constant 4096 : i32
        %dma_start3A_141 = tpu.memref_slice %arg4[%add3A_96, %dma_start3A_140] : memref<1300x16384xf32, #tpu.memory_space<hbm>> -> memref<1x4096xf32, #tpu.memory_space<hbm>>
        %dma_start3A_142 = tpu.memref_squeeze %dma_start3A_141 : memref<1x4096xf32, #tpu.memory_space<hbm>> -> memref<4096xf32, #tpu.memory_space<hbm>>
        %dma_start3A_143 = arith.constant 0 : i32
        %dma_start3A_144 = tpu.memref_slice %arg7[%dma_start3A_133, %dma_start3A_143] : memref<2x4096xf32, #tpu.memory_space<vmem>> -> memref<1x4096xf32, #tpu.memory_space<vmem>>
        %dma_start3A_145 = tpu.memref_squeeze %dma_start3A_144 : memref<1x4096xf32, #tpu.memory_space<vmem>> -> memref<4096xf32, #tpu.memory_space<vmem>>
        tpu.enqueue_dma source(%dma_start3A_145 : memref<4096xf32, #tpu.memory_space<vmem>>) target(%dma_start3A_142 : memref<4096xf32, #tpu.memory_space<hbm>>) target_semaphore(%arg11 : memref<!tpu.dma_semaphore, #tpu.memory_space<semaphore_mem>>)
        %dma_wait3A_146 = arith.constant 0 : i32
        %dma_wait3A_147 = arith.constant 0 : i32
        %dma_wait3A_148 = tpu.memref_slice %arg7[%dma_wait3A_146, %dma_wait3A_147] : memref<2x4096xf32, #tpu.memory_space<vmem>> -> memref<1x4096xf32, #tpu.memory_space<vmem>>
        %dma_wait3A_149 = tpu.memref_squeeze %dma_wait3A_148 : memref<1x4096xf32, #tpu.memory_space<vmem>> -> memref<4096xf32, #tpu.memory_space<vmem>>
        %dma_wait3A_150 = arith.constant 0 : i32
        %dma_wait3A_151 = tpu.memref_slice %arg4[%add3A_96, %dma_wait3A_150] : memref<1300x16384xf32, #tpu.memory_space<hbm>> -> memref<1x4096xf32, #tpu.memory_space<hbm>>
        %dma_wait3A_152 = tpu.memref_squeeze %dma_wait3A_151 : memref<1x4096xf32, #tpu.memory_space<hbm>> -> memref<4096xf32, #tpu.memory_space<hbm>>
        %dma_wait3A_153 = arith.constant 0 : i32
        %dma_wait3A_154 = tpu.memref_slice %arg4[%add3A_96, %dma_wait3A_153] : memref<1300x16384xf32, #tpu.memory_space<hbm>> -> memref<1x4096xf32, #tpu.memory_space<hbm>>
        %dma_wait3A_155 = tpu.memref_squeeze %dma_wait3A_154 : memref<1x4096xf32, #tpu.memory_space<hbm>> -> memref<4096xf32, #tpu.memory_space<hbm>>
        %dma_wait3A_156 = arith.constant 0 : i32
        %dma_wait3A_157 = tpu.memref_slice %arg7[%dma_wait3A_146, %dma_wait3A_156] : memref<2x4096xf32, #tpu.memory_space<vmem>> -> memref<1x4096xf32, #tpu.memory_space<vmem>>
        %dma_wait3A_158 = tpu.memref_squeeze %dma_wait3A_157 : memref<1x4096xf32, #tpu.memory_space<vmem>> -> memref<4096xf32, #tpu.memory_space<vmem>>
        tpu.wait_dma2 semaphore(%arg10 : memref<!tpu.dma_semaphore, #tpu.memory_space<semaphore_mem>>) src(%dma_wait3A_158 : memref<4096xf32, #tpu.memory_space<vmem>>) dst(%dma_wait3A_155 : memref<4096xf32, #tpu.memory_space<hbm>>)
        %scan3A_159 = arith.constant 0 : i32
        %scan3A_160 = arith.constant 0 : i32
        %scan3A_161 = arith.constant 32 : i32
        %scan3A_162 = arith.addi %scan3A_160, %scan3A_161 : i32
        %scan3A_163 = arith.constant 1 : i32
        scf.for %scan3A_236 = %scan3A_160 to %scan3A_162 step %scan3A_163  : i32 {
          %mul3A_237 = arith.constant 8 : i32
          %mul3A_238 = arith.muli %scan3A_236, %mul3A_237 : i32
          %mul3A_239 = arith.constant 16 : i32
          %mul3A_240 = arith.muli %mul3A_238, %mul3A_239 : i32
          %add3A_241 = arith.constant 8192 : i32
          %add3A_242 = arith.addi %add3A_241, %mul3A_240 : i32
          %add3A_243 = arith.constant 0 : i32
          %add3A_244 = arith.addi %add3A_242, %add3A_243 : i32
          %get3A = arith.index_cast %add3A_244 : i32 to index
          %get3A_245 = tpu.vector_load %arg6[%get3A] {strides = array<i32>} : memref<16384xi32, #tpu.memory_space<vmem>>, vector<16xi32>,
          %gather3A = tpu.vector_load_idx %arg5[%get3A_245] : memref<100000xf32, #tpu.memory_space<vmem>>[vector<16xi32>], vector<16xf32>,
          %add3A_246 = arith.constant 16 : i32
          %add3A_247 = arith.addi %add3A_242, %add3A_246 : i32
          %get3A_248 = arith.index_cast %add3A_247 : i32 to index
          %get3A_249 = tpu.vector_load %arg6[%get3A_248] {strides = array<i32>} : memref<16384xi32, #tpu.memory_space<vmem>>, vector<16xi32>,
          %gather3A_250 = tpu.vector_load_idx %arg5[%get3A_249] : memref<100000xf32, #tpu.memory_space<vmem>>[vector<16xi32>], vector<16xf32>,
          %add3A_251 = arith.constant 32 : i32
          %add3A_252 = arith.addi %add3A_242, %add3A_251 : i32
          %get3A_253 = arith.index_cast %add3A_252 : i32 to index
          %get3A_254 = tpu.vector_load %arg6[%get3A_253] {strides = array<i32>} : memref<16384xi32, #tpu.memory_space<vmem>>, vector<16xi32>,
          %gather3A_255 = tpu.vector_load_idx %arg5[%get3A_254] : memref<100000xf32, #tpu.memory_space<vmem>>[vector<16xi32>], vector<16xf32>,
          %add3A_256 = arith.constant 48 : i32
          %add3A_257 = arith.addi %add3A_242, %add3A_256 : i32
          %get3A_258 = arith.index_cast %add3A_257 : i32 to index
          %get3A_259 = tpu.vector_load %arg6[%get3A_258] {strides = array<i32>} : memref<16384xi32, #tpu.memory_space<vmem>>, vector<16xi32>,
          %gather3A_260 = tpu.vector_load_idx %arg5[%get3A_259] : memref<100000xf32, #tpu.memory_space<vmem>>[vector<16xi32>], vector<16xf32>,
          %add3A_261 = arith.constant 64 : i32
          %add3A_262 = arith.addi %add3A_242, %add3A_261 : i32
          %get3A_263 = arith.index_cast %add3A_262 : i32 to index
          %get3A_264 = tpu.vector_load %arg6[%get3A_263] {strides = array<i32>} : memref<16384xi32, #tpu.memory_space<vmem>>, vector<16xi32>,
          %gather3A_265 = tpu.vector_load_idx %arg5[%get3A_264] : memref<100000xf32, #tpu.memory_space<vmem>>[vector<16xi32>], vector<16xf32>,
          %add3A_266 = arith.constant 80 : i32
          %add3A_267 = arith.addi %add3A_242, %add3A_266 : i32
          %get3A_268 = arith.index_cast %add3A_267 : i32 to index
          %get3A_269 = tpu.vector_load %arg6[%get3A_268] {strides = array<i32>} : memref<16384xi32, #tpu.memory_space<vmem>>, vector<16xi32>,
          %gather3A_270 = tpu.vector_load_idx %arg5[%get3A_269] : memref<100000xf32, #tpu.memory_space<vmem>>[vector<16xi32>], vector<16xf32>,
          %add3A_271 = arith.constant 96 : i32
          %add3A_272 = arith.addi %add3A_242, %add3A_271 : i32
          %get3A_273 = arith.index_cast %add3A_272 : i32 to index
          %get3A_274 = tpu.vector_load %arg6[%get3A_273] {strides = array<i32>} : memref<16384xi32, #tpu.memory_space<vmem>>, vector<16xi32>,
          %gather3A_275 = tpu.vector_load_idx %arg5[%get3A_274] : memref<100000xf32, #tpu.memory_space<vmem>>[vector<16xi32>], vector<16xf32>,
          %add3A_276 = arith.constant 112 : i32
          %add3A_277 = arith.addi %add3A_242, %add3A_276 : i32
          %get3A_278 = arith.index_cast %add3A_277 : i32 to index
          %get3A_279 = tpu.vector_load %arg6[%get3A_278] {strides = array<i32>} : memref<16384xi32, #tpu.memory_space<vmem>>, vector<16xi32>,
          %gather3A_280 = tpu.vector_load_idx %arg5[%get3A_279] : memref<100000xf32, #tpu.memory_space<vmem>>[vector<16xi32>], vector<16xf32>,
          %mul3A_281 = arith.constant 8 : i32
          %mul3A_282 = arith.muli %scan3A_236, %mul3A_281 : i32
          %mul3A_283 = arith.constant 16 : i32
          %mul3A_284 = arith.muli %mul3A_282, %mul3A_283 : i32
          %add3A_285 = arith.constant 0 : i32
          %add3A_286 = arith.addi %mul3A_284, %add3A_285 : i32
          %swap3A = arith.constant 0 : i32
          %swap3A_287 = arith.index_cast %swap3A : i32 to index
          %swap3A_288 = arith.index_cast %add3A_286 : i32 to index
          %swap3A_289 = tpu.vector_load %arg7[%swap3A_287, %swap3A_288] {strides = array<i32>} : memref<2x4096xf32, #tpu.memory_space<vmem>>, vector<16xf32>,
          tpu.vector_store %arg7[%swap3A_287, %swap3A_288], %gather3A {strides = array<i32>} : memref<2x4096xf32, #tpu.memory_space<vmem>>, vector<16xf32>,
          %add3A_290 = arith.constant 16 : i32
          %add3A_291 = arith.addi %mul3A_284, %add3A_290 : i32
          %swap3A_292 = arith.constant 0 : i32
          %swap3A_293 = arith.index_cast %swap3A_292 : i32 to index
          %swap3A_294 = arith.index_cast %add3A_291 : i32 to index
          %swap3A_295 = tpu.vector_load %arg7[%swap3A_293, %swap3A_294] {strides = array<i32>} : memref<2x4096xf32, #tpu.memory_space<vmem>>, vector<16xf32>,
          tpu.vector_store %arg7[%swap3A_293, %swap3A_294], %gather3A_250 {strides = array<i32>} : memref<2x4096xf32, #tpu.memory_space<vmem>>, vector<16xf32>,
          %add3A_296 = arith.constant 32 : i32
          %add3A_297 = arith.addi %mul3A_284, %add3A_296 : i32
          %swap3A_298 = arith.constant 0 : i32
          %swap3A_299 = arith.index_cast %swap3A_298 : i32 to index
          %swap3A_300 = arith.index_cast %add3A_297 : i32 to index
          %swap3A_301 = tpu.vector_load %arg7[%swap3A_299, %swap3A_300] {strides = array<i32>} : memref<2x4096xf32, #tpu.memory_space<vmem>>, vector<16xf32>,
          tpu.vector_store %arg7[%swap3A_299, %swap3A_300], %gather3A_255 {strides = array<i32>} : memref<2x4096xf32, #tpu.memory_space<vmem>>, vector<16xf32>,
          %add3A_302 = arith.constant 48 : i32
          %add3A_303 = arith.addi %mul3A_284, %add3A_302 : i32
          %swap3A_304 = arith.constant 0 : i32
          %swap3A_305 = arith.index_cast %swap3A_304 : i32 to index
          %swap3A_306 = arith.index_cast %add3A_303 : i32 to index
          %swap3A_307 = tpu.vector_load %arg7[%swap3A_305, %swap3A_306] {strides = array<i32>} : memref<2x4096xf32, #tpu.memory_space<vmem>>, vector<16xf32>,
          tpu.vector_store %arg7[%swap3A_305, %swap3A_306], %gather3A_260 {strides = array<i32>} : memref<2x4096xf32, #tpu.memory_space<vmem>>, vector<16xf32>,
          %add3A_308 = arith.constant 64 : i32
          %add3A_309 = arith.addi %mul3A_284, %add3A_308 : i32
          %swap3A_310 = arith.constant 0 : i32
          %swap3A_311 = arith.index_cast %swap3A_310 : i32 to index
          %swap3A_312 = arith.index_cast %add3A_309 : i32 to index
          %swap3A_313 = tpu.vector_load %arg7[%swap3A_311, %swap3A_312] {strides = array<i32>} : memref<2x4096xf32, #tpu.memory_space<vmem>>, vector<16xf32>,
          tpu.vector_store %arg7[%swap3A_311, %swap3A_312], %gather3A_265 {strides = array<i32>} : memref<2x4096xf32, #tpu.memory_space<vmem>>, vector<16xf32>,
          %add3A_314 = arith.constant 80 : i32
          %add3A_315 = arith.addi %mul3A_284, %add3A_314 : i32
          %swap3A_316 = arith.constant 0 : i32
          %swap3A_317 = arith.index_cast %swap3A_316 : i32 to index
          %swap3A_318 = arith.index_cast %add3A_315 : i32 to index
          %swap3A_319 = tpu.vector_load %arg7[%swap3A_317, %swap3A_318] {strides = array<i32>} : memref<2x4096xf32, #tpu.memory_space<vmem>>, vector<16xf32>,
          tpu.vector_store %arg7[%swap3A_317, %swap3A_318], %gather3A_270 {strides = array<i32>} : memref<2x4096xf32, #tpu.memory_space<vmem>>, vector<16xf32>,
          %add3A_320 = arith.constant 96 : i32
          %add3A_321 = arith.addi %mul3A_284, %add3A_320 : i32
          %swap3A_322 = arith.constant 0 : i32
          %swap3A_323 = arith.index_cast %swap3A_322 : i32 to index
          %swap3A_324 = arith.index_cast %add3A_321 : i32 to index
          %swap3A_325 = tpu.vector_load %arg7[%swap3A_323, %swap3A_324] {strides = array<i32>} : memref<2x4096xf32, #tpu.memory_space<vmem>>, vector<16xf32>,
          tpu.vector_store %arg7[%swap3A_323, %swap3A_324], %gather3A_275 {strides = array<i32>} : memref<2x4096xf32, #tpu.memory_space<vmem>>, vector<16xf32>,
          %add3A_326 = arith.constant 112 : i32
          %add3A_327 = arith.addi %mul3A_284, %add3A_326 : i32
          %swap3A_328 = arith.constant 0 : i32
          %swap3A_329 = arith.index_cast %swap3A_328 : i32 to index
          %swap3A_330 = arith.index_cast %add3A_327 : i32 to index
          %swap3A_331 = tpu.vector_load %arg7[%swap3A_329, %swap3A_330] {strides = array<i32>} : memref<2x4096xf32, #tpu.memory_space<vmem>>, vector<16xf32>,
          tpu.vector_store %arg7[%swap3A_329, %swap3A_330], %gather3A_280 {strides = array<i32>} : memref<2x4096xf32, #tpu.memory_space<vmem>>, vector<16xf32>,
        }
        %scan3A_164 = arith.constant 32 : i32
        %dma_start3A_165 = arith.constant 0 : i32
        %dma_start3A_166 = arith.constant 0 : i32
        %dma_start3A_167 = tpu.memref_slice %arg7[%dma_start3A_165, %dma_start3A_166] : memref<2x4096xf32, #tpu.memory_space<vmem>> -> memref<1x4096xf32, #tpu.memory_space<vmem>>
        %dma_start3A_168 = tpu.memref_squeeze %dma_start3A_167 : memref<1x4096xf32, #tpu.memory_space<vmem>> -> memref<4096xf32, #tpu.memory_space<vmem>>
        %dma_start3A_169 = arith.constant 8192 : i32
        %dma_start3A_170 = tpu.memref_slice %arg4[%add3A_96, %dma_start3A_169] : memref<1300x16384xf32, #tpu.memory_space<hbm>> -> memref<1x4096xf32, #tpu.memory_space<hbm>>
        %dma_start3A_171 = tpu.memref_squeeze %dma_start3A_170 : memref<1x4096xf32, #tpu.memory_space<hbm>> -> memref<4096xf32, #tpu.memory_space<hbm>>
        %dma_start3A_172 = arith.constant 8192 : i32
        %dma_start3A_173 = tpu.memref_slice %arg4[%add3A_96, %dma_start3A_172] : memref<1300x16384xf32, #tpu.memory_space<hbm>> -> memref<1x4096xf32, #tpu.memory_space<hbm>>
        %dma_start3A_174 = tpu.memref_squeeze %dma_start3A_173 : memref<1x4096xf32, #tpu.memory_space<hbm>> -> memref<4096xf32, #tpu.memory_space<hbm>>
        %dma_start3A_175 = arith.constant 0 : i32
        %dma_start3A_176 = tpu.memref_slice %arg7[%dma_start3A_165, %dma_start3A_175] : memref<2x4096xf32, #tpu.memory_space<vmem>> -> memref<1x4096xf32, #tpu.memory_space<vmem>>
        %dma_start3A_177 = tpu.memref_squeeze %dma_start3A_176 : memref<1x4096xf32, #tpu.memory_space<vmem>> -> memref<4096xf32, #tpu.memory_space<vmem>>
        tpu.enqueue_dma source(%dma_start3A_177 : memref<4096xf32, #tpu.memory_space<vmem>>) target(%dma_start3A_174 : memref<4096xf32, #tpu.memory_space<hbm>>) target_semaphore(%arg10 : memref<!tpu.dma_semaphore, #tpu.memory_space<semaphore_mem>>)
        %dma_wait3A_178 = arith.constant 1 : i32
        %dma_wait3A_179 = arith.constant 0 : i32
        %dma_wait3A_180 = tpu.memref_slice %arg7[%dma_wait3A_178, %dma_wait3A_179] : memref<2x4096xf32, #tpu.memory_space<vmem>> -> memref<1x4096xf32, #tpu.memory_space<vmem>>
        %dma_wait3A_181 = tpu.memref_squeeze %dma_wait3A_180 : memref<1x4096xf32, #tpu.memory_space<vmem>> -> memref<4096xf32, #tpu.memory_space<vmem>>
        %dma_wait3A_182 = arith.constant 4096 : i32
        %dma_wait3A_183 = tpu.memref_slice %arg4[%add3A_96, %dma_wait3A_182] : memref<1300x16384xf32, #tpu.memory_space<hbm>> -> memref<1x4096xf32, #tpu.memory_space<hbm>>
        %dma_wait3A_184 = tpu.memref_squeeze %dma_wait3A_183 : memref<1x4096xf32, #tpu.memory_space<hbm>> -> memref<4096xf32, #tpu.memory_space<hbm>>
        %dma_wait3A_185 = arith.constant 4096 : i32
        %dma_wait3A_186 = tpu.memref_slice %arg4[%add3A_96, %dma_wait3A_185] : memref<1300x16384xf32, #tpu.memory_space<hbm>> -> memref<1x4096xf32, #tpu.memory_space<hbm>>
        %dma_wait3A_187 = tpu.memref_squeeze %dma_wait3A_186 : memref<1x4096xf32, #tpu.memory_space<hbm>> -> memref<4096xf32, #tpu.memory_space<hbm>>
        %dma_wait3A_188 = arith.constant 0 : i32
        %dma_wait3A_189 = tpu.memref_slice %arg7[%dma_wait3A_178, %dma_wait3A_188] : memref<2x4096xf32, #tpu.memory_space<vmem>> -> memref<1x4096xf32, #tpu.memory_space<vmem>>
        %dma_wait3A_190 = tpu.memref_squeeze %dma_wait3A_189 : memref<1x4096xf32, #tpu.memory_space<vmem>> -> memref<4096xf32, #tpu.memory_space<vmem>>
        tpu.wait_dma2 semaphore(%arg11 : memref<!tpu.dma_semaphore, #tpu.memory_space<semaphore_mem>>) src(%dma_wait3A_190 : memref<4096xf32, #tpu.memory_space<vmem>>) dst(%dma_wait3A_187 : memref<4096xf32, #tpu.memory_space<hbm>>)
        %scan3A_191 = arith.constant 0 : i32
        %scan3A_192 = arith.constant 0 : i32
        %scan3A_193 = arith.constant 32 : i32
        %scan3A_194 = arith.addi %scan3A_192, %scan3A_193 : i32
        %scan3A_195 = arith.constant 1 : i32
        scf.for %scan3A_236 = %scan3A_192 to %scan3A_194 step %scan3A_195  : i32 {
          %mul3A_237 = arith.constant 8 : i32
          %mul3A_238 = arith.muli %scan3A_236, %mul3A_237 : i32
          %mul3A_239 = arith.constant 16 : i32
          %mul3A_240 = arith.muli %mul3A_238, %mul3A_239 : i32
          %add3A_241 = arith.constant 12288 : i32
          %add3A_242 = arith.addi %add3A_241, %mul3A_240 : i32
          %add3A_243 = arith.constant 0 : i32
          %add3A_244 = arith.addi %add3A_242, %add3A_243 : i32
          %get3A = arith.index_cast %add3A_244 : i32 to index
          %get3A_245 = tpu.vector_load %arg6[%get3A] {strides = array<i32>} : memref<16384xi32, #tpu.memory_space<vmem>>, vector<16xi32>,
          %gather3A = tpu.vector_load_idx %arg5[%get3A_245] : memref<100000xf32, #tpu.memory_space<vmem>>[vector<16xi32>], vector<16xf32>,
          %add3A_246 = arith.constant 16 : i32
          %add3A_247 = arith.addi %add3A_242, %add3A_246 : i32
          %get3A_248 = arith.index_cast %add3A_247 : i32 to index
          %get3A_249 = tpu.vector_load %arg6[%get3A_248] {strides = array<i32>} : memref<16384xi32, #tpu.memory_space<vmem>>, vector<16xi32>,
          %gather3A_250 = tpu.vector_load_idx %arg5[%get3A_249] : memref<100000xf32, #tpu.memory_space<vmem>>[vector<16xi32>], vector<16xf32>,
          %add3A_251 = arith.constant 32 : i32
          %add3A_252 = arith.addi %add3A_242, %add3A_251 : i32
          %get3A_253 = arith.index_cast %add3A_252 : i32 to index
          %get3A_254 = tpu.vector_load %arg6[%get3A_253] {strides = array<i32>} : memref<16384xi32, #tpu.memory_space<vmem>>, vector<16xi32>,
          %gather3A_255 = tpu.vector_load_idx %arg5[%get3A_254] : memref<100000xf32, #tpu.memory_space<vmem>>[vector<16xi32>], vector<16xf32>,
          %add3A_256 = arith.constant 48 : i32
          %add3A_257 = arith.addi %add3A_242, %add3A_256 : i32
          %get3A_258 = arith.index_cast %add3A_257 : i32 to index
          %get3A_259 = tpu.vector_load %arg6[%get3A_258] {strides = array<i32>} : memref<16384xi32, #tpu.memory_space<vmem>>, vector<16xi32>,
          %gather3A_260 = tpu.vector_load_idx %arg5[%get3A_259] : memref<100000xf32, #tpu.memory_space<vmem>>[vector<16xi32>], vector<16xf32>,
          %add3A_261 = arith.constant 64 : i32
          %add3A_262 = arith.addi %add3A_242, %add3A_261 : i32
          %get3A_263 = arith.index_cast %add3A_262 : i32 to index
          %get3A_264 = tpu.vector_load %arg6[%get3A_263] {strides = array<i32>} : memref<16384xi32, #tpu.memory_space<vmem>>, vector<16xi32>,
          %gather3A_265 = tpu.vector_load_idx %arg5[%get3A_264] : memref<100000xf32, #tpu.memory_space<vmem>>[vector<16xi32>], vector<16xf32>,
          %add3A_266 = arith.constant 80 : i32
          %add3A_267 = arith.addi %add3A_242, %add3A_266 : i32
          %get3A_268 = arith.index_cast %add3A_267 : i32 to index
          %get3A_269 = tpu.vector_load %arg6[%get3A_268] {strides = array<i32>} : memref<16384xi32, #tpu.memory_space<vmem>>, vector<16xi32>,
          %gather3A_270 = tpu.vector_load_idx %arg5[%get3A_269] : memref<100000xf32, #tpu.memory_space<vmem>>[vector<16xi32>], vector<16xf32>,
          %add3A_271 = arith.constant 96 : i32
          %add3A_272 = arith.addi %add3A_242, %add3A_271 : i32
          %get3A_273 = arith.index_cast %add3A_272 : i32 to index
          %get3A_274 = tpu.vector_load %arg6[%get3A_273] {strides = array<i32>} : memref<16384xi32, #tpu.memory_space<vmem>>, vector<16xi32>,
          %gather3A_275 = tpu.vector_load_idx %arg5[%get3A_274] : memref<100000xf32, #tpu.memory_space<vmem>>[vector<16xi32>], vector<16xf32>,
          %add3A_276 = arith.constant 112 : i32
          %add3A_277 = arith.addi %add3A_242, %add3A_276 : i32
          %get3A_278 = arith.index_cast %add3A_277 : i32 to index
          %get3A_279 = tpu.vector_load %arg6[%get3A_278] {strides = array<i32>} : memref<16384xi32, #tpu.memory_space<vmem>>, vector<16xi32>,
          %gather3A_280 = tpu.vector_load_idx %arg5[%get3A_279] : memref<100000xf32, #tpu.memory_space<vmem>>[vector<16xi32>], vector<16xf32>,
          %mul3A_281 = arith.constant 8 : i32
          %mul3A_282 = arith.muli %scan3A_236, %mul3A_281 : i32
          %mul3A_283 = arith.constant 16 : i32
          %mul3A_284 = arith.muli %mul3A_282, %mul3A_283 : i32
          %add3A_285 = arith.constant 0 : i32
          %add3A_286 = arith.addi %mul3A_284, %add3A_285 : i32
          %swap3A = arith.constant 1 : i32
          %swap3A_287 = arith.index_cast %swap3A : i32 to index
          %swap3A_288 = arith.index_cast %add3A_286 : i32 to index
          %swap3A_289 = tpu.vector_load %arg7[%swap3A_287, %swap3A_288] {strides = array<i32>} : memref<2x4096xf32, #tpu.memory_space<vmem>>, vector<16xf32>,
          tpu.vector_store %arg7[%swap3A_287, %swap3A_288], %gather3A {strides = array<i32>} : memref<2x4096xf32, #tpu.memory_space<vmem>>, vector<16xf32>,
          %add3A_290 = arith.constant 16 : i32
          %add3A_291 = arith.addi %mul3A_284, %add3A_290 : i32
          %swap3A_292 = arith.constant 1 : i32
          %swap3A_293 = arith.index_cast %swap3A_292 : i32 to index
          %swap3A_294 = arith.index_cast %add3A_291 : i32 to index
          %swap3A_295 = tpu.vector_load %arg7[%swap3A_293, %swap3A_294] {strides = array<i32>} : memref<2x4096xf32, #tpu.memory_space<vmem>>, vector<16xf32>,
          tpu.vector_store %arg7[%swap3A_293, %swap3A_294], %gather3A_250 {strides = array<i32>} : memref<2x4096xf32, #tpu.memory_space<vmem>>, vector<16xf32>,
          %add3A_296 = arith.constant 32 : i32
          %add3A_297 = arith.addi %mul3A_284, %add3A_296 : i32
          %swap3A_298 = arith.constant 1 : i32
          %swap3A_299 = arith.index_cast %swap3A_298 : i32 to index
          %swap3A_300 = arith.index_cast %add3A_297 : i32 to index
          %swap3A_301 = tpu.vector_load %arg7[%swap3A_299, %swap3A_300] {strides = array<i32>} : memref<2x4096xf32, #tpu.memory_space<vmem>>, vector<16xf32>,
          tpu.vector_store %arg7[%swap3A_299, %swap3A_300], %gather3A_255 {strides = array<i32>} : memref<2x4096xf32, #tpu.memory_space<vmem>>, vector<16xf32>,
          %add3A_302 = arith.constant 48 : i32
          %add3A_303 = arith.addi %mul3A_284, %add3A_302 : i32
          %swap3A_304 = arith.constant 1 : i32
          %swap3A_305 = arith.index_cast %swap3A_304 : i32 to index
          %swap3A_306 = arith.index_cast %add3A_303 : i32 to index
          %swap3A_307 = tpu.vector_load %arg7[%swap3A_305, %swap3A_306] {strides = array<i32>} : memref<2x4096xf32, #tpu.memory_space<vmem>>, vector<16xf32>,
          tpu.vector_store %arg7[%swap3A_305, %swap3A_306], %gather3A_260 {strides = array<i32>} : memref<2x4096xf32, #tpu.memory_space<vmem>>, vector<16xf32>,
          %add3A_308 = arith.constant 64 : i32
          %add3A_309 = arith.addi %mul3A_284, %add3A_308 : i32
          %swap3A_310 = arith.constant 1 : i32
          %swap3A_311 = arith.index_cast %swap3A_310 : i32 to index
          %swap3A_312 = arith.index_cast %add3A_309 : i32 to index
          %swap3A_313 = tpu.vector_load %arg7[%swap3A_311, %swap3A_312] {strides = array<i32>} : memref<2x4096xf32, #tpu.memory_space<vmem>>, vector<16xf32>,
          tpu.vector_store %arg7[%swap3A_311, %swap3A_312], %gather3A_265 {strides = array<i32>} : memref<2x4096xf32, #tpu.memory_space<vmem>>, vector<16xf32>,
          %add3A_314 = arith.constant 80 : i32
          %add3A_315 = arith.addi %mul3A_284, %add3A_314 : i32
          %swap3A_316 = arith.constant 1 : i32
          %swap3A_317 = arith.index_cast %swap3A_316 : i32 to index
          %swap3A_318 = arith.index_cast %add3A_315 : i32 to index
          %swap3A_319 = tpu.vector_load %arg7[%swap3A_317, %swap3A_318] {strides = array<i32>} : memref<2x4096xf32, #tpu.memory_space<vmem>>, vector<16xf32>,
          tpu.vector_store %arg7[%swap3A_317, %swap3A_318], %gather3A_270 {strides = array<i32>} : memref<2x4096xf32, #tpu.memory_space<vmem>>, vector<16xf32>,
          %add3A_320 = arith.constant 96 : i32
          %add3A_321 = arith.addi %mul3A_284, %add3A_320 : i32
          %swap3A_322 = arith.constant 1 : i32
          %swap3A_323 = arith.index_cast %swap3A_322 : i32 to index
          %swap3A_324 = arith.index_cast %add3A_321 : i32 to index
          %swap3A_325 = tpu.vector_load %arg7[%swap3A_323, %swap3A_324] {strides = array<i32>} : memref<2x4096xf32, #tpu.memory_space<vmem>>, vector<16xf32>,
          tpu.vector_store %arg7[%swap3A_323, %swap3A_324], %gather3A_275 {strides = array<i32>} : memref<2x4096xf32, #tpu.memory_space<vmem>>, vector<16xf32>,
          %add3A_326 = arith.constant 112 : i32
          %add3A_327 = arith.addi %mul3A_284, %add3A_326 : i32
          %swap3A_328 = arith.constant 1 : i32
          %swap3A_329 = arith.index_cast %swap3A_328 : i32 to index
          %swap3A_330 = arith.index_cast %add3A_327 : i32 to index
          %swap3A_331 = tpu.vector_load %arg7[%swap3A_329, %swap3A_330] {strides = array<i32>} : memref<2x4096xf32, #tpu.memory_space<vmem>>, vector<16xf32>,
          tpu.vector_store %arg7[%swap3A_329, %swap3A_330], %gather3A_280 {strides = array<i32>} : memref<2x4096xf32, #tpu.memory_space<vmem>>, vector<16xf32>,
        }
        %scan3A_196 = arith.constant 32 : i32
        %dma_start3A_197 = arith.constant 1 : i32
        %dma_start3A_198 = arith.constant 0 : i32
        %dma_start3A_199 = tpu.memref_slice %arg7[%dma_start3A_197, %dma_start3A_198] : memref<2x4096xf32, #tpu.memory_space<vmem>> -> memref<1x4096xf32, #tpu.memory_space<vmem>>
        %dma_start3A_200 = tpu.memref_squeeze %dma_start3A_199 : memref<1x4096xf32, #tpu.memory_space<vmem>> -> memref<4096xf32, #tpu.memory_space<vmem>>
        %dma_start3A_201 = arith.constant 12288 : i32
        %dma_start3A_202 = tpu.memref_slice %arg4[%add3A_96, %dma_start3A_201] : memref<1300x16384xf32, #tpu.memory_space<hbm>> -> memref<1x4096xf32, #tpu.memory_space<hbm>>
        %dma_start3A_203 = tpu.memref_squeeze %dma_start3A_202 : memref<1x4096xf32, #tpu.memory_space<hbm>> -> memref<4096xf32, #tpu.memory_space<hbm>>
        %dma_start3A_204 = arith.constant 12288 : i32
        %dma_start3A_205 = tpu.memref_slice %arg4[%add3A_96, %dma_start3A_204] : memref<1300x16384xf32, #tpu.memory_space<hbm>> -> memref<1x4096xf32, #tpu.memory_space<hbm>>
        %dma_start3A_206 = tpu.memref_squeeze %dma_start3A_205 : memref<1x4096xf32, #tpu.memory_space<hbm>> -> memref<4096xf32, #tpu.memory_space<hbm>>
        %dma_start3A_207 = arith.constant 0 : i32
        %dma_start3A_208 = tpu.memref_slice %arg7[%dma_start3A_197, %dma_start3A_207] : memref<2x4096xf32, #tpu.memory_space<vmem>> -> memref<1x4096xf32, #tpu.memory_space<vmem>>
        %dma_start3A_209 = tpu.memref_squeeze %dma_start3A_208 : memref<1x4096xf32, #tpu.memory_space<vmem>> -> memref<4096xf32, #tpu.memory_space<vmem>>
        tpu.enqueue_dma source(%dma_start3A_209 : memref<4096xf32, #tpu.memory_space<vmem>>) target(%dma_start3A_206 : memref<4096xf32, #tpu.memory_space<hbm>>) target_semaphore(%arg11 : memref<!tpu.dma_semaphore, #tpu.memory_space<semaphore_mem>>)
        %dma_wait3A_210 = arith.constant 0 : i32
        %dma_wait3A_211 = arith.constant 0 : i32
        %dma_wait3A_212 = tpu.memref_slice %arg7[%dma_wait3A_210, %dma_wait3A_211] : memref<2x4096xf32, #tpu.memory_space<vmem>> -> memref<1x4096xf32, #tpu.memory_space<vmem>>
        %dma_wait3A_213 = tpu.memref_squeeze %dma_wait3A_212 : memref<1x4096xf32, #tpu.memory_space<vmem>> -> memref<4096xf32, #tpu.memory_space<vmem>>
        %dma_wait3A_214 = arith.constant 8192 : i32
        %dma_wait3A_215 = tpu.memref_slice %arg4[%add3A_96, %dma_wait3A_214] : memref<1300x16384xf32, #tpu.memory_space<hbm>> -> memref<1x4096xf32, #tpu.memory_space<hbm>>
        %dma_wait3A_216 = tpu.memref_squeeze %dma_wait3A_215 : memref<1x4096xf32, #tpu.memory_space<hbm>> -> memref<4096xf32, #tpu.memory_space<hbm>>
        %dma_wait3A_217 = arith.constant 8192 : i32
        %dma_wait3A_218 = tpu.memref_slice %arg4[%add3A_96, %dma_wait3A_217] : memref<1300x16384xf32, #tpu.memory_space<hbm>> -> memref<1x4096xf32, #tpu.memory_space<hbm>>
        %dma_wait3A_219 = tpu.memref_squeeze %dma_wait3A_218 : memref<1x4096xf32, #tpu.memory_space<hbm>> -> memref<4096xf32, #tpu.memory_space<hbm>>
        %dma_wait3A_220 = arith.constant 0 : i32
        %dma_wait3A_221 = tpu.memref_slice %arg7[%dma_wait3A_210, %dma_wait3A_220] : memref<2x4096xf32, #tpu.memory_space<vmem>> -> memref<1x4096xf32, #tpu.memory_space<vmem>>
        %dma_wait3A_222 = tpu.memref_squeeze %dma_wait3A_221 : memref<1x4096xf32, #tpu.memory_space<vmem>> -> memref<4096xf32, #tpu.memory_space<vmem>>
        tpu.wait_dma2 semaphore(%arg10 : memref<!tpu.dma_semaphore, #tpu.memory_space<semaphore_mem>>) src(%dma_wait3A_222 : memref<4096xf32, #tpu.memory_space<vmem>>) dst(%dma_wait3A_219 : memref<4096xf32, #tpu.memory_space<hbm>>)
        %dma_wait3A_223 = arith.constant 1 : i32
        %dma_wait3A_224 = arith.constant 0 : i32
        %dma_wait3A_225 = tpu.memref_slice %arg7[%dma_wait3A_223, %dma_wait3A_224] : memref<2x4096xf32, #tpu.memory_space<vmem>> -> memref<1x4096xf32, #tpu.memory_space<vmem>>
        %dma_wait3A_226 = tpu.memref_squeeze %dma_wait3A_225 : memref<1x4096xf32, #tpu.memory_space<vmem>> -> memref<4096xf32, #tpu.memory_space<vmem>>
        %dma_wait3A_227 = arith.constant 12288 : i32
        %dma_wait3A_228 = tpu.memref_slice %arg4[%add3A_96, %dma_wait3A_227] : memref<1300x16384xf32, #tpu.memory_space<hbm>> -> memref<1x4096xf32, #tpu.memory_space<hbm>>
        %dma_wait3A_229 = tpu.memref_squeeze %dma_wait3A_228 : memref<1x4096xf32, #tpu.memory_space<hbm>> -> memref<4096xf32, #tpu.memory_space<hbm>>
        %dma_wait3A_230 = arith.constant 12288 : i32
        %dma_wait3A_231 = tpu.memref_slice %arg4[%add3A_96, %dma_wait3A_230] : memref<1300x16384xf32, #tpu.memory_space<hbm>> -> memref<1x4096xf32, #tpu.memory_space<hbm>>
        %dma_wait3A_232 = tpu.memref_squeeze %dma_wait3A_231 : memref<1x4096xf32, #tpu.memory_space<hbm>> -> memref<4096xf32, #tpu.memory_space<hbm>>
        %dma_wait3A_233 = arith.constant 0 : i32
        %dma_wait3A_234 = tpu.memref_slice %arg7[%dma_wait3A_223, %dma_wait3A_233] : memref<2x4096xf32, #tpu.memory_space<vmem>> -> memref<1x4096xf32, #tpu.memory_space<vmem>>
        %dma_wait3A_235 = tpu.memref_squeeze %dma_wait3A_234 : memref<1x4096xf32, #tpu.memory_space<vmem>> -> memref<4096xf32, #tpu.memory_space<vmem>>
        tpu.wait_dma2 semaphore(%arg11 : memref<!tpu.dma_semaphore, #tpu.memory_space<semaphore_mem>>) src(%dma_wait3A_235 : memref<4096xf32, #tpu.memory_space<vmem>>) dst(%dma_wait3A_232 : memref<4096xf32, #tpu.memory_space<hbm>>)
      }
      %while3A_92 = arith.constant 1 : i32
      scf.for %while3A_93 = %while3A_90 to %while3A_86 step %while3A_92  : i32 {
        %mul3A_94 = arith.constant 50 : i32
        %mul3A_95 = arith.muli %while3A_64, %mul3A_94 : i32
        %add3A_96 = arith.addi %mul3A_95, %while3A_93 : i32
        %dma_start3A_97 = arith.constant 0 : i32
        %dma_start3A_98 = tpu.memref_slice %arg2[%while3A_64, %while3A_93, %dma_start3A_97] : memref<26x50x100000xf32, #tpu.memory_space<hbm>> -> memref<1x1x100000xf32, #tpu.memory_space<hbm>>
        %dma_start3A_99 = tpu.memref_squeeze %dma_start3A_98 : memref<1x1x100000xf32, #tpu.memory_space<hbm>> -> memref<100000xf32, #tpu.memory_space<hbm>>
        %dma_start3A_100 = arith.constant 0 : i32
        %dma_start3A_101 = tpu.memref_slice %arg2[%while3A_64, %while3A_93, %dma_start3A_100] : memref<26x50x100000xf32, #tpu.memory_space<hbm>> -> memref<1x1x100000xf32, #tpu.memory_space<hbm>>
        %dma_start3A_102 = tpu.memref_squeeze %dma_start3A_101 : memref<1x1x100000xf32, #tpu.memory_space<hbm>> -> memref<100000xf32, #tpu.memory_space<hbm>>
        tpu.enqueue_dma source(%dma_start3A_102 : memref<100000xf32, #tpu.memory_space<hbm>>) target(%arg5 : memref<100000xf32, #tpu.memory_space<vmem>>) target_semaphore(%arg8 : memref<!tpu.dma_semaphore, #tpu.memory_space<semaphore_mem>>)
        %dma_wait3A_103 = arith.constant 0 : i32
        %dma_wait3A_104 = tpu.memref_slice %arg2[%while3A_64, %while3A_93, %dma_wait3A_103] : memref<26x50x100000xf32, #tpu.memory_space<hbm>> -> memref<1x1x100000xf32, #tpu.memory_space<hbm>>
        %dma_wait3A_105 = tpu.memref_squeeze %dma_wait3A_104 : memref<1x1x100000xf32, #tpu.memory_space<hbm>> -> memref<100000xf32, #tpu.memory_space<hbm>>
        %dma_wait3A_106 = arith.constant 0 : i32
        %dma_wait3A_107 = tpu.memref_slice %arg2[%while3A_64, %while3A_93, %dma_wait3A_106] : memref<26x50x100000xf32, #tpu.memory_space<hbm>> -> memref<1x1x100000xf32, #tpu.memory_space<hbm>>
        %dma_wait3A_108 = tpu.memref_squeeze %dma_wait3A_107 : memref<1x1x100000xf32, #tpu.memory_space<hbm>> -> memref<100000xf32, #tpu.memory_space<hbm>>
        tpu.wait_dma2 semaphore(%arg8 : memref<!tpu.dma_semaphore, #tpu.memory_space<semaphore_mem>>) src(%dma_wait3A_108 : memref<100000xf32, #tpu.memory_space<hbm>>) dst(%arg5 : memref<100000xf32, #tpu.memory_space<vmem>>)
        %scan3A = arith.constant 0 : i32
        %scan3A_109 = arith.constant 0 : i32
        %scan3A_110 = arith.constant 32 : i32
        %scan3A_111 = arith.addi %scan3A_109, %scan3A_110 : i32
        %scan3A_112 = arith.constant 1 : i32
        scf.for %scan3A_236 = %scan3A_109 to %scan3A_111 step %scan3A_112  : i32 {
          %mul3A_237 = arith.constant 8 : i32
          %mul3A_238 = arith.muli %scan3A_236, %mul3A_237 : i32
          %mul3A_239 = arith.constant 16 : i32
          %mul3A_240 = arith.muli %mul3A_238, %mul3A_239 : i32
          %add3A_241 = arith.constant 0 : i32
          %add3A_242 = arith.addi %add3A_241, %mul3A_240 : i32
          %add3A_243 = arith.constant 0 : i32
          %add3A_244 = arith.addi %add3A_242, %add3A_243 : i32
          %get3A = arith.index_cast %add3A_244 : i32 to index
          %get3A_245 = tpu.vector_load %arg6[%get3A] {strides = array<i32>} : memref<16384xi32, #tpu.memory_space<vmem>>, vector<16xi32>,
          %gather3A = tpu.vector_load_idx %arg5[%get3A_245] : memref<100000xf32, #tpu.memory_space<vmem>>[vector<16xi32>], vector<16xf32>,
          %add3A_246 = arith.constant 16 : i32
          %add3A_247 = arith.addi %add3A_242, %add3A_246 : i32
          %get3A_248 = arith.index_cast %add3A_247 : i32 to index
          %get3A_249 = tpu.vector_load %arg6[%get3A_248] {strides = array<i32>} : memref<16384xi32, #tpu.memory_space<vmem>>, vector<16xi32>,
          %gather3A_250 = tpu.vector_load_idx %arg5[%get3A_249] : memref<100000xf32, #tpu.memory_space<vmem>>[vector<16xi32>], vector<16xf32>,
          %add3A_251 = arith.constant 32 : i32
          %add3A_252 = arith.addi %add3A_242, %add3A_251 : i32
          %get3A_253 = arith.index_cast %add3A_252 : i32 to index
          %get3A_254 = tpu.vector_load %arg6[%get3A_253] {strides = array<i32>} : memref<16384xi32, #tpu.memory_space<vmem>>, vector<16xi32>,
          %gather3A_255 = tpu.vector_load_idx %arg5[%get3A_254] : memref<100000xf32, #tpu.memory_space<vmem>>[vector<16xi32>], vector<16xf32>,
          %add3A_256 = arith.constant 48 : i32
          %add3A_257 = arith.addi %add3A_242, %add3A_256 : i32
          %get3A_258 = arith.index_cast %add3A_257 : i32 to index
          %get3A_259 = tpu.vector_load %arg6[%get3A_258] {strides = array<i32>} : memref<16384xi32, #tpu.memory_space<vmem>>, vector<16xi32>,
          %gather3A_260 = tpu.vector_load_idx %arg5[%get3A_259] : memref<100000xf32, #tpu.memory_space<vmem>>[vector<16xi32>], vector<16xf32>,
          %add3A_261 = arith.constant 64 : i32
          %add3A_262 = arith.addi %add3A_242, %add3A_261 : i32
          %get3A_263 = arith.index_cast %add3A_262 : i32 to index
          %get3A_264 = tpu.vector_load %arg6[%get3A_263] {strides = array<i32>} : memref<16384xi32, #tpu.memory_space<vmem>>, vector<16xi32>,
          %gather3A_265 = tpu.vector_load_idx %arg5[%get3A_264] : memref<100000xf32, #tpu.memory_space<vmem>>[vector<16xi32>], vector<16xf32>,
          %add3A_266 = arith.constant 80 : i32
          %add3A_267 = arith.addi %add3A_242, %add3A_266 : i32
          %get3A_268 = arith.index_cast %add3A_267 : i32 to index
          %get3A_269 = tpu.vector_load %arg6[%get3A_268] {strides = array<i32>} : memref<16384xi32, #tpu.memory_space<vmem>>, vector<16xi32>,
          %gather3A_270 = tpu.vector_load_idx %arg5[%get3A_269] : memref<100000xf32, #tpu.memory_space<vmem>>[vector<16xi32>], vector<16xf32>,
          %add3A_271 = arith.constant 96 : i32
          %add3A_272 = arith.addi %add3A_242, %add3A_271 : i32
          %get3A_273 = arith.index_cast %add3A_272 : i32 to index
          %get3A_274 = tpu.vector_load %arg6[%get3A_273] {strides = array<i32>} : memref<16384xi32, #tpu.memory_space<vmem>>, vector<16xi32>,
          %gather3A_275 = tpu.vector_load_idx %arg5[%get3A_274] : memref<100000xf32, #tpu.memory_space<vmem>>[vector<16xi32>], vector<16xf32>,
          %add3A_276 = arith.constant 112 : i32
          %add3A_277 = arith.addi %add3A_242, %add3A_276 : i32
          %get3A_278 = arith.index_cast %add3A_277 : i32 to index
          %get3A_279 = tpu.vector_load %arg6[%get3A_278] {strides = array<i32>} : memref<16384xi32, #tpu.memory_space<vmem>>, vector<16xi32>,
          %gather3A_280 = tpu.vector_load_idx %arg5[%get3A_279] : memref<100000xf32, #tpu.memory_space<vmem>>[vector<16xi32>], vector<16xf32>,
          %mul3A_281 = arith.constant 8 : i32
          %mul3A_282 = arith.muli %scan3A_236, %mul3A_281 : i32
          %mul3A_283 = arith.constant 16 : i32
          %mul3A_284 = arith.muli %mul3A_282, %mul3A_283 : i32
          %add3A_285 = arith.constant 0 : i32
          %add3A_286 = arith.addi %mul3A_284, %add3A_285 : i32
          %swap3A = arith.constant 0 : i32
          %swap3A_287 = arith.index_cast %swap3A : i32 to index
          %swap3A_288 = arith.index_cast %add3A_286 : i32 to index
          %swap3A_289 = tpu.vector_load %arg7[%swap3A_287, %swap3A_288] {strides = array<i32>} : memref<2x4096xf32, #tpu.memory_space<vmem>>, vector<16xf32>,
          tpu.vector_store %arg7[%swap3A_287, %swap3A_288], %gather3A {strides = array<i32>} : memref<2x4096xf32, #tpu.memory_space<vmem>>, vector<16xf32>,
          %add3A_290 = arith.constant 16 : i32
          %add3A_291 = arith.addi %mul3A_284, %add3A_290 : i32
          %swap3A_292 = arith.constant 0 : i32
          %swap3A_293 = arith.index_cast %swap3A_292 : i32 to index
          %swap3A_294 = arith.index_cast %add3A_291 : i32 to index
          %swap3A_295 = tpu.vector_load %arg7[%swap3A_293, %swap3A_294] {strides = array<i32>} : memref<2x4096xf32, #tpu.memory_space<vmem>>, vector<16xf32>,
          tpu.vector_store %arg7[%swap3A_293, %swap3A_294], %gather3A_250 {strides = array<i32>} : memref<2x4096xf32, #tpu.memory_space<vmem>>, vector<16xf32>,
          %add3A_296 = arith.constant 32 : i32
          %add3A_297 = arith.addi %mul3A_284, %add3A_296 : i32
          %swap3A_298 = arith.constant 0 : i32
          %swap3A_299 = arith.index_cast %swap3A_298 : i32 to index
          %swap3A_300 = arith.index_cast %add3A_297 : i32 to index
          %swap3A_301 = tpu.vector_load %arg7[%swap3A_299, %swap3A_300] {strides = array<i32>} : memref<2x4096xf32, #tpu.memory_space<vmem>>, vector<16xf32>,
          tpu.vector_store %arg7[%swap3A_299, %swap3A_300], %gather3A_255 {strides = array<i32>} : memref<2x4096xf32, #tpu.memory_space<vmem>>, vector<16xf32>,
          %add3A_302 = arith.constant 48 : i32
          %add3A_303 = arith.addi %mul3A_284, %add3A_302 : i32
          %swap3A_304 = arith.constant 0 : i32
          %swap3A_305 = arith.index_cast %swap3A_304 : i32 to index
          %swap3A_306 = arith.index_cast %add3A_303 : i32 to index
          %swap3A_307 = tpu.vector_load %arg7[%swap3A_305, %swap3A_306] {strides = array<i32>} : memref<2x4096xf32, #tpu.memory_space<vmem>>, vector<16xf32>,
          tpu.vector_store %arg7[%swap3A_305, %swap3A_306], %gather3A_260 {strides = array<i32>} : memref<2x4096xf32, #tpu.memory_space<vmem>>, vector<16xf32>,
          %add3A_308 = arith.constant 64 : i32
          %add3A_309 = arith.addi %mul3A_284, %add3A_308 : i32
          %swap3A_310 = arith.constant 0 : i32
          %swap3A_311 = arith.index_cast %swap3A_310 : i32 to index
          %swap3A_312 = arith.index_cast %add3A_309 : i32 to index
          %swap3A_313 = tpu.vector_load %arg7[%swap3A_311, %swap3A_312] {strides = array<i32>} : memref<2x4096xf32, #tpu.memory_space<vmem>>, vector<16xf32>,
          tpu.vector_store %arg7[%swap3A_311, %swap3A_312], %gather3A_265 {strides = array<i32>} : memref<2x4096xf32, #tpu.memory_space<vmem>>, vector<16xf32>,
          %add3A_314 = arith.constant 80 : i32
          %add3A_315 = arith.addi %mul3A_284, %add3A_314 : i32
          %swap3A_316 = arith.constant 0 : i32
          %swap3A_317 = arith.index_cast %swap3A_316 : i32 to index
          %swap3A_318 = arith.index_cast %add3A_315 : i32 to index
          %swap3A_319 = tpu.vector_load %arg7[%swap3A_317, %swap3A_318] {strides = array<i32>} : memref<2x4096xf32, #tpu.memory_space<vmem>>, vector<16xf32>,
          tpu.vector_store %arg7[%swap3A_317, %swap3A_318], %gather3A_270 {strides = array<i32>} : memref<2x4096xf32, #tpu.memory_space<vmem>>, vector<16xf32>,
          %add3A_320 = arith.constant 96 : i32
          %add3A_321 = arith.addi %mul3A_284, %add3A_320 : i32
          %swap3A_322 = arith.constant 0 : i32
          %swap3A_323 = arith.index_cast %swap3A_322 : i32 to index
          %swap3A_324 = arith.index_cast %add3A_321 : i32 to index
          %swap3A_325 = tpu.vector_load %arg7[%swap3A_323, %swap3A_324] {strides = array<i32>} : memref<2x4096xf32, #tpu.memory_space<vmem>>, vector<16xf32>,
          tpu.vector_store %arg7[%swap3A_323, %swap3A_324], %gather3A_275 {strides = array<i32>} : memref<2x4096xf32, #tpu.memory_space<vmem>>, vector<16xf32>,
          %add3A_326 = arith.constant 112 : i32
          %add3A_327 = arith.addi %mul3A_284, %add3A_326 : i32
          %swap3A_328 = arith.constant 0 : i32
          %swap3A_329 = arith.index_cast %swap3A_328 : i32 to index
          %swap3A_330 = arith.index_cast %add3A_327 : i32 to index
          %swap3A_331 = tpu.vector_load %arg7[%swap3A_329, %swap3A_330] {strides = array<i32>} : memref<2x4096xf32, #tpu.memory_space<vmem>>, vector<16xf32>,
          tpu.vector_store %arg7[%swap3A_329, %swap3A_330], %gather3A_280 {strides = array<i32>} : memref<2x4096xf32, #tpu.memory_space<vmem>>, vector<16xf32>,
        }
        %scan3A_113 = arith.constant 32 : i32
        %dma_start3A_114 = arith.constant 0 : i32
        %dma_start3A_115 = arith.constant 0 : i32
        %dma_start3A_116 = tpu.memref_slice %arg7[%dma_start3A_114, %dma_start3A_115] : memref<2x4096xf32, #tpu.memory_space<vmem>> -> memref<1x4096xf32, #tpu.memory_space<vmem>>
        %dma_start3A_117 = tpu.memref_squeeze %dma_start3A_116 : memref<1x4096xf32, #tpu.memory_space<vmem>> -> memref<4096xf32, #tpu.memory_space<vmem>>
        %dma_start3A_118 = arith.constant 0 : i32
        %dma_start3A_119 = tpu.memref_slice %arg4[%add3A_96, %dma_start3A_118] : memref<1300x16384xf32, #tpu.memory_space<hbm>> -> memref<1x4096xf32, #tpu.memory_space<hbm>>
        %dma_start3A_120 = tpu.memref_squeeze %dma_start3A_119 : memref<1x4096xf32, #tpu.memory_space<hbm>> -> memref<4096xf32, #tpu.memory_space<hbm>>
        %dma_start3A_121 = arith.constant 0 : i32
        %dma_start3A_122 = tpu.memref_slice %arg4[%add3A_96, %dma_start3A_121] : memref<1300x16384xf32, #tpu.memory_space<hbm>> -> memref<1x4096xf32, #tpu.memory_space<hbm>>
        %dma_start3A_123 = tpu.memref_squeeze %dma_start3A_122 : memref<1x4096xf32, #tpu.memory_space<hbm>> -> memref<4096xf32, #tpu.memory_space<hbm>>
        %dma_start3A_124 = arith.constant 0 : i32
        %dma_start3A_125 = tpu.memref_slice %arg7[%dma_start3A_114, %dma_start3A_124] : memref<2x4096xf32, #tpu.memory_space<vmem>> -> memref<1x4096xf32, #tpu.memory_space<vmem>>
        %dma_start3A_126 = tpu.memref_squeeze %dma_start3A_125 : memref<1x4096xf32, #tpu.memory_space<vmem>> -> memref<4096xf32, #tpu.memory_space<vmem>>
        tpu.enqueue_dma source(%dma_start3A_126 : memref<4096xf32, #tpu.memory_space<vmem>>) target(%dma_start3A_123 : memref<4096xf32, #tpu.memory_space<hbm>>) target_semaphore(%arg10 : memref<!tpu.dma_semaphore, #tpu.memory_space<semaphore_mem>>)
        %scan3A_127 = arith.constant 0 : i32
        %scan3A_128 = arith.constant 0 : i32
        %scan3A_129 = arith.constant 32 : i32
        %scan3A_130 = arith.addi %scan3A_128, %scan3A_129 : i32
        %scan3A_131 = arith.constant 1 : i32
        scf.for %scan3A_236 = %scan3A_128 to %scan3A_130 step %scan3A_131  : i32 {
          %mul3A_237 = arith.constant 8 : i32
          %mul3A_238 = arith.muli %scan3A_236, %mul3A_237 : i32
          %mul3A_239 = arith.constant 16 : i32
          %mul3A_240 = arith.muli %mul3A_238, %mul3A_239 : i32
          %add3A_241 = arith.constant 4096 : i32
          %add3A_242 = arith.addi %add3A_241, %mul3A_240 : i32
          %add3A_243 = arith.constant 0 : i32
          %add3A_244 = arith.addi %add3A_242, %add3A_243 : i32
          %get3A = arith.index_cast %add3A_244 : i32 to index
          %get3A_245 = tpu.vector_load %arg6[%get3A] {strides = array<i32>} : memref<16384xi32, #tpu.memory_space<vmem>>, vector<16xi32>,
          %gather3A = tpu.vector_load_idx %arg5[%get3A_245] : memref<100000xf32, #tpu.memory_space<vmem>>[vector<16xi32>], vector<16xf32>,
          %add3A_246 = arith.constant 16 : i32
          %add3A_247 = arith.addi %add3A_242, %add3A_246 : i32
          %get3A_248 = arith.index_cast %add3A_247 : i32 to index
          %get3A_249 = tpu.vector_load %arg6[%get3A_248] {strides = array<i32>} : memref<16384xi32, #tpu.memory_space<vmem>>, vector<16xi32>,
          %gather3A_250 = tpu.vector_load_idx %arg5[%get3A_249] : memref<100000xf32, #tpu.memory_space<vmem>>[vector<16xi32>], vector<16xf32>,
          %add3A_251 = arith.constant 32 : i32
          %add3A_252 = arith.addi %add3A_242, %add3A_251 : i32
          %get3A_253 = arith.index_cast %add3A_252 : i32 to index
          %get3A_254 = tpu.vector_load %arg6[%get3A_253] {strides = array<i32>} : memref<16384xi32, #tpu.memory_space<vmem>>, vector<16xi32>,
          %gather3A_255 = tpu.vector_load_idx %arg5[%get3A_254] : memref<100000xf32, #tpu.memory_space<vmem>>[vector<16xi32>], vector<16xf32>,
          %add3A_256 = arith.constant 48 : i32
          %add3A_257 = arith.addi %add3A_242, %add3A_256 : i32
          %get3A_258 = arith.index_cast %add3A_257 : i32 to index
          %get3A_259 = tpu.vector_load %arg6[%get3A_258] {strides = array<i32>} : memref<16384xi32, #tpu.memory_space<vmem>>, vector<16xi32>,
          %gather3A_260 = tpu.vector_load_idx %arg5[%get3A_259] : memref<100000xf32, #tpu.memory_space<vmem>>[vector<16xi32>], vector<16xf32>,
          %add3A_261 = arith.constant 64 : i32
          %add3A_262 = arith.addi %add3A_242, %add3A_261 : i32
          %get3A_263 = arith.index_cast %add3A_262 : i32 to index
          %get3A_264 = tpu.vector_load %arg6[%get3A_263] {strides = array<i32>} : memref<16384xi32, #tpu.memory_space<vmem>>, vector<16xi32>,
          %gather3A_265 = tpu.vector_load_idx %arg5[%get3A_264] : memref<100000xf32, #tpu.memory_space<vmem>>[vector<16xi32>], vector<16xf32>,
          %add3A_266 = arith.constant 80 : i32
          %add3A_267 = arith.addi %add3A_242, %add3A_266 : i32
          %get3A_268 = arith.index_cast %add3A_267 : i32 to index
          %get3A_269 = tpu.vector_load %arg6[%get3A_268] {strides = array<i32>} : memref<16384xi32, #tpu.memory_space<vmem>>, vector<16xi32>,
          %gather3A_270 = tpu.vector_load_idx %arg5[%get3A_269] : memref<100000xf32, #tpu.memory_space<vmem>>[vector<16xi32>], vector<16xf32>,
          %add3A_271 = arith.constant 96 : i32
          %add3A_272 = arith.addi %add3A_242, %add3A_271 : i32
          %get3A_273 = arith.index_cast %add3A_272 : i32 to index
          %get3A_274 = tpu.vector_load %arg6[%get3A_273] {strides = array<i32>} : memref<16384xi32, #tpu.memory_space<vmem>>, vector<16xi32>,
          %gather3A_275 = tpu.vector_load_idx %arg5[%get3A_274] : memref<100000xf32, #tpu.memory_space<vmem>>[vector<16xi32>], vector<16xf32>,
          %add3A_276 = arith.constant 112 : i32
          %add3A_277 = arith.addi %add3A_242, %add3A_276 : i32
          %get3A_278 = arith.index_cast %add3A_277 : i32 to index
          %get3A_279 = tpu.vector_load %arg6[%get3A_278] {strides = array<i32>} : memref<16384xi32, #tpu.memory_space<vmem>>, vector<16xi32>,
          %gather3A_280 = tpu.vector_load_idx %arg5[%get3A_279] : memref<100000xf32, #tpu.memory_space<vmem>>[vector<16xi32>], vector<16xf32>,
          %mul3A_281 = arith.constant 8 : i32
          %mul3A_282 = arith.muli %scan3A_236, %mul3A_281 : i32
          %mul3A_283 = arith.constant 16 : i32
          %mul3A_284 = arith.muli %mul3A_282, %mul3A_283 : i32
          %add3A_285 = arith.constant 0 : i32
          %add3A_286 = arith.addi %mul3A_284, %add3A_285 : i32
          %swap3A = arith.constant 1 : i32
          %swap3A_287 = arith.index_cast %swap3A : i32 to index
          %swap3A_288 = arith.index_cast %add3A_286 : i32 to index
          %swap3A_289 = tpu.vector_load %arg7[%swap3A_287, %swap3A_288] {strides = array<i32>} : memref<2x4096xf32, #tpu.memory_space<vmem>>, vector<16xf32>,
          tpu.vector_store %arg7[%swap3A_287, %swap3A_288], %gather3A {strides = array<i32>} : memref<2x4096xf32, #tpu.memory_space<vmem>>, vector<16xf32>,
          %add3A_290 = arith.constant 16 : i32
          %add3A_291 = arith.addi %mul3A_284, %add3A_290 : i32
          %swap3A_292 = arith.constant 1 : i32
          %swap3A_293 = arith.index_cast %swap3A_292 : i32 to index
          %swap3A_294 = arith.index_cast %add3A_291 : i32 to index
          %swap3A_295 = tpu.vector_load %arg7[%swap3A_293, %swap3A_294] {strides = array<i32>} : memref<2x4096xf32, #tpu.memory_space<vmem>>, vector<16xf32>,
          tpu.vector_store %arg7[%swap3A_293, %swap3A_294], %gather3A_250 {strides = array<i32>} : memref<2x4096xf32, #tpu.memory_space<vmem>>, vector<16xf32>,
          %add3A_296 = arith.constant 32 : i32
          %add3A_297 = arith.addi %mul3A_284, %add3A_296 : i32
          %swap3A_298 = arith.constant 1 : i32
          %swap3A_299 = arith.index_cast %swap3A_298 : i32 to index
          %swap3A_300 = arith.index_cast %add3A_297 : i32 to index
          %swap3A_301 = tpu.vector_load %arg7[%swap3A_299, %swap3A_300] {strides = array<i32>} : memref<2x4096xf32, #tpu.memory_space<vmem>>, vector<16xf32>,
          tpu.vector_store %arg7[%swap3A_299, %swap3A_300], %gather3A_255 {strides = array<i32>} : memref<2x4096xf32, #tpu.memory_space<vmem>>, vector<16xf32>,
          %add3A_302 = arith.constant 48 : i32
          %add3A_303 = arith.addi %mul3A_284, %add3A_302 : i32
          %swap3A_304 = arith.constant 1 : i32
          %swap3A_305 = arith.index_cast %swap3A_304 : i32 to index
          %swap3A_306 = arith.index_cast %add3A_303 : i32 to index
          %swap3A_307 = tpu.vector_load %arg7[%swap3A_305, %swap3A_306] {strides = array<i32>} : memref<2x4096xf32, #tpu.memory_space<vmem>>, vector<16xf32>,
          tpu.vector_store %arg7[%swap3A_305, %swap3A_306], %gather3A_260 {strides = array<i32>} : memref<2x4096xf32, #tpu.memory_space<vmem>>, vector<16xf32>,
          %add3A_308 = arith.constant 64 : i32
          %add3A_309 = arith.addi %mul3A_284, %add3A_308 : i32
          %swap3A_310 = arith.constant 1 : i32
          %swap3A_311 = arith.index_cast %swap3A_310 : i32 to index
          %swap3A_312 = arith.index_cast %add3A_309 : i32 to index
          %swap3A_313 = tpu.vector_load %arg7[%swap3A_311, %swap3A_312] {strides = array<i32>} : memref<2x4096xf32, #tpu.memory_space<vmem>>, vector<16xf32>,
          tpu.vector_store %arg7[%swap3A_311, %swap3A_312], %gather3A_265 {strides = array<i32>} : memref<2x4096xf32, #tpu.memory_space<vmem>>, vector<16xf32>,
          %add3A_314 = arith.constant 80 : i32
          %add3A_315 = arith.addi %mul3A_284, %add3A_314 : i32
          %swap3A_316 = arith.constant 1 : i32
          %swap3A_317 = arith.index_cast %swap3A_316 : i32 to index
          %swap3A_318 = arith.index_cast %add3A_315 : i32 to index
          %swap3A_319 = tpu.vector_load %arg7[%swap3A_317, %swap3A_318] {strides = array<i32>} : memref<2x4096xf32, #tpu.memory_space<vmem>>, vector<16xf32>,
          tpu.vector_store %arg7[%swap3A_317, %swap3A_318], %gather3A_270 {strides = array<i32>} : memref<2x4096xf32, #tpu.memory_space<vmem>>, vector<16xf32>,
          %add3A_320 = arith.constant 96 : i32
          %add3A_321 = arith.addi %mul3A_284, %add3A_320 : i32
          %swap3A_322 = arith.constant 1 : i32
          %swap3A_323 = arith.index_cast %swap3A_322 : i32 to index
          %swap3A_324 = arith.index_cast %add3A_321 : i32 to index
          %swap3A_325 = tpu.vector_load %arg7[%swap3A_323, %swap3A_324] {strides = array<i32>} : memref<2x4096xf32, #tpu.memory_space<vmem>>, vector<16xf32>,
          tpu.vector_store %arg7[%swap3A_323, %swap3A_324], %gather3A_275 {strides = array<i32>} : memref<2x4096xf32, #tpu.memory_space<vmem>>, vector<16xf32>,
          %add3A_326 = arith.constant 112 : i32
          %add3A_327 = arith.addi %mul3A_284, %add3A_326 : i32
          %swap3A_328 = arith.constant 1 : i32
          %swap3A_329 = arith.index_cast %swap3A_328 : i32 to index
          %swap3A_330 = arith.index_cast %add3A_327 : i32 to index
          %swap3A_331 = tpu.vector_load %arg7[%swap3A_329, %swap3A_330] {strides = array<i32>} : memref<2x4096xf32, #tpu.memory_space<vmem>>, vector<16xf32>,
          tpu.vector_store %arg7[%swap3A_329, %swap3A_330], %gather3A_280 {strides = array<i32>} : memref<2x4096xf32, #tpu.memory_space<vmem>>, vector<16xf32>,
        }
        %scan3A_132 = arith.constant 32 : i32
        %dma_start3A_133 = arith.constant 1 : i32
        %dma_start3A_134 = arith.constant 0 : i32
        %dma_start3A_135 = tpu.memref_slice %arg7[%dma_start3A_133, %dma_start3A_134] : memref<2x4096xf32, #tpu.memory_space<vmem>> -> memref<1x4096xf32, #tpu.memory_space<vmem>>
        %dma_start3A_136 = tpu.memref_squeeze %dma_start3A_135 : memref<1x4096xf32, #tpu.memory_space<vmem>> -> memref<4096xf32, #tpu.memory_space<vmem>>
        %dma_start3A_137 = arith.constant 4096 : i32
        %dma_start3A_138 = tpu.memref_slice %arg4[%add3A_96, %dma_start3A_137] : memref<1300x16384xf32, #tpu.memory_space<hbm>> -> memref<1x4096xf32, #tpu.memory_space<hbm>>
        %dma_start3A_139 = tpu.memref_squeeze %dma_start3A_138 : memref<1x4096xf32, #tpu.memory_space<hbm>> -> memref<4096xf32, #tpu.memory_space<hbm>>
        %dma_start3A_140 = arith.constant 4096 : i32
        %dma_start3A_141 = tpu.memref_slice %arg4[%add3A_96, %dma_start3A_140] : memref<1300x16384xf32, #tpu.memory_space<hbm>> -> memref<1x4096xf32, #tpu.memory_space<hbm>>
        %dma_start3A_142 = tpu.memref_squeeze %dma_start3A_141 : memref<1x4096xf32, #tpu.memory_space<hbm>> -> memref<4096xf32, #tpu.memory_space<hbm>>
        %dma_start3A_143 = arith.constant 0 : i32
        %dma_start3A_144 = tpu.memref_slice %arg7[%dma_start3A_133, %dma_start3A_143] : memref<2x4096xf32, #tpu.memory_space<vmem>> -> memref<1x4096xf32, #tpu.memory_space<vmem>>
        %dma_start3A_145 = tpu.memref_squeeze %dma_start3A_144 : memref<1x4096xf32, #tpu.memory_space<vmem>> -> memref<4096xf32, #tpu.memory_space<vmem>>
        tpu.enqueue_dma source(%dma_start3A_145 : memref<4096xf32, #tpu.memory_space<vmem>>) target(%dma_start3A_142 : memref<4096xf32, #tpu.memory_space<hbm>>) target_semaphore(%arg11 : memref<!tpu.dma_semaphore, #tpu.memory_space<semaphore_mem>>)
        %dma_wait3A_146 = arith.constant 0 : i32
        %dma_wait3A_147 = arith.constant 0 : i32
        %dma_wait3A_148 = tpu.memref_slice %arg7[%dma_wait3A_146, %dma_wait3A_147] : memref<2x4096xf32, #tpu.memory_space<vmem>> -> memref<1x4096xf32, #tpu.memory_space<vmem>>
        %dma_wait3A_149 = tpu.memref_squeeze %dma_wait3A_148 : memref<1x4096xf32, #tpu.memory_space<vmem>> -> memref<4096xf32, #tpu.memory_space<vmem>>
        %dma_wait3A_150 = arith.constant 0 : i32
        %dma_wait3A_151 = tpu.memref_slice %arg4[%add3A_96, %dma_wait3A_150] : memref<1300x16384xf32, #tpu.memory_space<hbm>> -> memref<1x4096xf32, #tpu.memory_space<hbm>>
        %dma_wait3A_152 = tpu.memref_squeeze %dma_wait3A_151 : memref<1x4096xf32, #tpu.memory_space<hbm>> -> memref<4096xf32, #tpu.memory_space<hbm>>
        %dma_wait3A_153 = arith.constant 0 : i32
        %dma_wait3A_154 = tpu.memref_slice %arg4[%add3A_96, %dma_wait3A_153] : memref<1300x16384xf32, #tpu.memory_space<hbm>> -> memref<1x4096xf32, #tpu.memory_space<hbm>>
        %dma_wait3A_155 = tpu.memref_squeeze %dma_wait3A_154 : memref<1x4096xf32, #tpu.memory_space<hbm>> -> memref<4096xf32, #tpu.memory_space<hbm>>
        %dma_wait3A_156 = arith.constant 0 : i32
        %dma_wait3A_157 = tpu.memref_slice %arg7[%dma_wait3A_146, %dma_wait3A_156] : memref<2x4096xf32, #tpu.memory_space<vmem>> -> memref<1x4096xf32, #tpu.memory_space<vmem>>
        %dma_wait3A_158 = tpu.memref_squeeze %dma_wait3A_157 : memref<1x4096xf32, #tpu.memory_space<vmem>> -> memref<4096xf32, #tpu.memory_space<vmem>>
        tpu.wait_dma2 semaphore(%arg10 : memref<!tpu.dma_semaphore, #tpu.memory_space<semaphore_mem>>) src(%dma_wait3A_158 : memref<4096xf32, #tpu.memory_space<vmem>>) dst(%dma_wait3A_155 : memref<4096xf32, #tpu.memory_space<hbm>>)
        %scan3A_159 = arith.constant 0 : i32
        %scan3A_160 = arith.constant 0 : i32
        %scan3A_161 = arith.constant 32 : i32
        %scan3A_162 = arith.addi %scan3A_160, %scan3A_161 : i32
        %scan3A_163 = arith.constant 1 : i32
        scf.for %scan3A_236 = %scan3A_160 to %scan3A_162 step %scan3A_163  : i32 {
          %mul3A_237 = arith.constant 8 : i32
          %mul3A_238 = arith.muli %scan3A_236, %mul3A_237 : i32
          %mul3A_239 = arith.constant 16 : i32
          %mul3A_240 = arith.muli %mul3A_238, %mul3A_239 : i32
          %add3A_241 = arith.constant 8192 : i32
          %add3A_242 = arith.addi %add3A_241, %mul3A_240 : i32
          %add3A_243 = arith.constant 0 : i32
          %add3A_244 = arith.addi %add3A_242, %add3A_243 : i32
          %get3A = arith.index_cast %add3A_244 : i32 to index
          %get3A_245 = tpu.vector_load %arg6[%get3A] {strides = array<i32>} : memref<16384xi32, #tpu.memory_space<vmem>>, vector<16xi32>,
          %gather3A = tpu.vector_load_idx %arg5[%get3A_245] : memref<100000xf32, #tpu.memory_space<vmem>>[vector<16xi32>], vector<16xf32>,
          %add3A_246 = arith.constant 16 : i32
          %add3A_247 = arith.addi %add3A_242, %add3A_246 : i32
          %get3A_248 = arith.index_cast %add3A_247 : i32 to index
          %get3A_249 = tpu.vector_load %arg6[%get3A_248] {strides = array<i32>} : memref<16384xi32, #tpu.memory_space<vmem>>, vector<16xi32>,
          %gather3A_250 = tpu.vector_load_idx %arg5[%get3A_249] : memref<100000xf32, #tpu.memory_space<vmem>>[vector<16xi32>], vector<16xf32>,
          %add3A_251 = arith.constant 32 : i32
          %add3A_252 = arith.addi %add3A_242, %add3A_251 : i32
          %get3A_253 = arith.index_cast %add3A_252 : i32 to index
          %get3A_254 = tpu.vector_load %arg6[%get3A_253] {strides = array<i32>} : memref<16384xi32, #tpu.memory_space<vmem>>, vector<16xi32>,
          %gather3A_255 = tpu.vector_load_idx %arg5[%get3A_254] : memref<100000xf32, #tpu.memory_space<vmem>>[vector<16xi32>], vector<16xf32>,
          %add3A_256 = arith.constant 48 : i32
          %add3A_257 = arith.addi %add3A_242, %add3A_256 : i32
          %get3A_258 = arith.index_cast %add3A_257 : i32 to index
          %get3A_259 = tpu.vector_load %arg6[%get3A_258] {strides = array<i32>} : memref<16384xi32, #tpu.memory_space<vmem>>, vector<16xi32>,
          %gather3A_260 = tpu.vector_load_idx %arg5[%get3A_259] : memref<100000xf32, #tpu.memory_space<vmem>>[vector<16xi32>], vector<16xf32>,
          %add3A_261 = arith.constant 64 : i32
          %add3A_262 = arith.addi %add3A_242, %add3A_261 : i32
          %get3A_263 = arith.index_cast %add3A_262 : i32 to index
          %get3A_264 = tpu.vector_load %arg6[%get3A_263] {strides = array<i32>} : memref<16384xi32, #tpu.memory_space<vmem>>, vector<16xi32>,
          %gather3A_265 = tpu.vector_load_idx %arg5[%get3A_264] : memref<100000xf32, #tpu.memory_space<vmem>>[vector<16xi32>], vector<16xf32>,
          %add3A_266 = arith.constant 80 : i32
          %add3A_267 = arith.addi %add3A_242, %add3A_266 : i32
          %get3A_268 = arith.index_cast %add3A_267 : i32 to index
          %get3A_269 = tpu.vector_load %arg6[%get3A_268] {strides = array<i32>} : memref<16384xi32, #tpu.memory_space<vmem>>, vector<16xi32>,
          %gather3A_270 = tpu.vector_load_idx %arg5[%get3A_269] : memref<100000xf32, #tpu.memory_space<vmem>>[vector<16xi32>], vector<16xf32>,
          %add3A_271 = arith.constant 96 : i32
          %add3A_272 = arith.addi %add3A_242, %add3A_271 : i32
          %get3A_273 = arith.index_cast %add3A_272 : i32 to index
          %get3A_274 = tpu.vector_load %arg6[%get3A_273] {strides = array<i32>} : memref<16384xi32, #tpu.memory_space<vmem>>, vector<16xi32>,
          %gather3A_275 = tpu.vector_load_idx %arg5[%get3A_274] : memref<100000xf32, #tpu.memory_space<vmem>>[vector<16xi32>], vector<16xf32>,
          %add3A_276 = arith.constant 112 : i32
          %add3A_277 = arith.addi %add3A_242, %add3A_276 : i32
          %get3A_278 = arith.index_cast %add3A_277 : i32 to index
          %get3A_279 = tpu.vector_load %arg6[%get3A_278] {strides = array<i32>} : memref<16384xi32, #tpu.memory_space<vmem>>, vector<16xi32>,
          %gather3A_280 = tpu.vector_load_idx %arg5[%get3A_279] : memref<100000xf32, #tpu.memory_space<vmem>>[vector<16xi32>], vector<16xf32>,
          %mul3A_281 = arith.constant 8 : i32
          %mul3A_282 = arith.muli %scan3A_236, %mul3A_281 : i32
          %mul3A_283 = arith.constant 16 : i32
          %mul3A_284 = arith.muli %mul3A_282, %mul3A_283 : i32
          %add3A_285 = arith.constant 0 : i32
          %add3A_286 = arith.addi %mul3A_284, %add3A_285 : i32
          %swap3A = arith.constant 0 : i32
          %swap3A_287 = arith.index_cast %swap3A : i32 to index
          %swap3A_288 = arith.index_cast %add3A_286 : i32 to index
          %swap3A_289 = tpu.vector_load %arg7[%swap3A_287, %swap3A_288] {strides = array<i32>} : memref<2x4096xf32, #tpu.memory_space<vmem>>, vector<16xf32>,
          tpu.vector_store %arg7[%swap3A_287, %swap3A_288], %gather3A {strides = array<i32>} : memref<2x4096xf32, #tpu.memory_space<vmem>>, vector<16xf32>,
          %add3A_290 = arith.constant 16 : i32
          %add3A_291 = arith.addi %mul3A_284, %add3A_290 : i32
          %swap3A_292 = arith.constant 0 : i32
          %swap3A_293 = arith.index_cast %swap3A_292 : i32 to index
          %swap3A_294 = arith.index_cast %add3A_291 : i32 to index
          %swap3A_295 = tpu.vector_load %arg7[%swap3A_293, %swap3A_294] {strides = array<i32>} : memref<2x4096xf32, #tpu.memory_space<vmem>>, vector<16xf32>,
          tpu.vector_store %arg7[%swap3A_293, %swap3A_294], %gather3A_250 {strides = array<i32>} : memref<2x4096xf32, #tpu.memory_space<vmem>>, vector<16xf32>,
          %add3A_296 = arith.constant 32 : i32
          %add3A_297 = arith.addi %mul3A_284, %add3A_296 : i32
          %swap3A_298 = arith.constant 0 : i32
          %swap3A_299 = arith.index_cast %swap3A_298 : i32 to index
          %swap3A_300 = arith.index_cast %add3A_297 : i32 to index
          %swap3A_301 = tpu.vector_load %arg7[%swap3A_299, %swap3A_300] {strides = array<i32>} : memref<2x4096xf32, #tpu.memory_space<vmem>>, vector<16xf32>,
          tpu.vector_store %arg7[%swap3A_299, %swap3A_300], %gather3A_255 {strides = array<i32>} : memref<2x4096xf32, #tpu.memory_space<vmem>>, vector<16xf32>,
          %add3A_302 = arith.constant 48 : i32
          %add3A_303 = arith.addi %mul3A_284, %add3A_302 : i32
          %swap3A_304 = arith.constant 0 : i32
          %swap3A_305 = arith.index_cast %swap3A_304 : i32 to index
          %swap3A_306 = arith.index_cast %add3A_303 : i32 to index
          %swap3A_307 = tpu.vector_load %arg7[%swap3A_305, %swap3A_306] {strides = array<i32>} : memref<2x4096xf32, #tpu.memory_space<vmem>>, vector<16xf32>,
          tpu.vector_store %arg7[%swap3A_305, %swap3A_306], %gather3A_260 {strides = array<i32>} : memref<2x4096xf32, #tpu.memory_space<vmem>>, vector<16xf32>,
          %add3A_308 = arith.constant 64 : i32
          %add3A_309 = arith.addi %mul3A_284, %add3A_308 : i32
          %swap3A_310 = arith.constant 0 : i32
          %swap3A_311 = arith.index_cast %swap3A_310 : i32 to index
          %swap3A_312 = arith.index_cast %add3A_309 : i32 to index
          %swap3A_313 = tpu.vector_load %arg7[%swap3A_311, %swap3A_312] {strides = array<i32>} : memref<2x4096xf32, #tpu.memory_space<vmem>>, vector<16xf32>,
          tpu.vector_store %arg7[%swap3A_311, %swap3A_312], %gather3A_265 {strides = array<i32>} : memref<2x4096xf32, #tpu.memory_space<vmem>>, vector<16xf32>,
          %add3A_314 = arith.constant 80 : i32
          %add3A_315 = arith.addi %mul3A_284, %add3A_314 : i32
          %swap3A_316 = arith.constant 0 : i32
          %swap3A_317 = arith.index_cast %swap3A_316 : i32 to index
          %swap3A_318 = arith.index_cast %add3A_315 : i32 to index
          %swap3A_319 = tpu.vector_load %arg7[%swap3A_317, %swap3A_318] {strides = array<i32>} : memref<2x4096xf32, #tpu.memory_space<vmem>>, vector<16xf32>,
          tpu.vector_store %arg7[%swap3A_317, %swap3A_318], %gather3A_270 {strides = array<i32>} : memref<2x4096xf32, #tpu.memory_space<vmem>>, vector<16xf32>,
          %add3A_320 = arith.constant 96 : i32
          %add3A_321 = arith.addi %mul3A_284, %add3A_320 : i32
          %swap3A_322 = arith.constant 0 : i32
          %swap3A_323 = arith.index_cast %swap3A_322 : i32 to index
          %swap3A_324 = arith.index_cast %add3A_321 : i32 to index
          %swap3A_325 = tpu.vector_load %arg7[%swap3A_323, %swap3A_324] {strides = array<i32>} : memref<2x4096xf32, #tpu.memory_space<vmem>>, vector<16xf32>,
          tpu.vector_store %arg7[%swap3A_323, %swap3A_324], %gather3A_275 {strides = array<i32>} : memref<2x4096xf32, #tpu.memory_space<vmem>>, vector<16xf32>,
          %add3A_326 = arith.constant 112 : i32
          %add3A_327 = arith.addi %mul3A_284, %add3A_326 : i32
          %swap3A_328 = arith.constant 0 : i32
          %swap3A_329 = arith.index_cast %swap3A_328 : i32 to index
          %swap3A_330 = arith.index_cast %add3A_327 : i32 to index
          %swap3A_331 = tpu.vector_load %arg7[%swap3A_329, %swap3A_330] {strides = array<i32>} : memref<2x4096xf32, #tpu.memory_space<vmem>>, vector<16xf32>,
          tpu.vector_store %arg7[%swap3A_329, %swap3A_330], %gather3A_280 {strides = array<i32>} : memref<2x4096xf32, #tpu.memory_space<vmem>>, vector<16xf32>,
        }
        %scan3A_164 = arith.constant 32 : i32
        %dma_start3A_165 = arith.constant 0 : i32
        %dma_start3A_166 = arith.constant 0 : i32
        %dma_start3A_167 = tpu.memref_slice %arg7[%dma_start3A_165, %dma_start3A_166] : memref<2x4096xf32, #tpu.memory_space<vmem>> -> memref<1x4096xf32, #tpu.memory_space<vmem>>
        %dma_start3A_168 = tpu.memref_squeeze %dma_start3A_167 : memref<1x4096xf32, #tpu.memory_space<vmem>> -> memref<4096xf32, #tpu.memory_space<vmem>>
        %dma_start3A_169 = arith.constant 8192 : i32
        %dma_start3A_170 = tpu.memref_slice %arg4[%add3A_96, %dma_start3A_169] : memref<1300x16384xf32, #tpu.memory_space<hbm>> -> memref<1x4096xf32, #tpu.memory_space<hbm>>
        %dma_start3A_171 = tpu.memref_squeeze %dma_start3A_170 : memref<1x4096xf32, #tpu.memory_space<hbm>> -> memref<4096xf32, #tpu.memory_space<hbm>>
        %dma_start3A_172 = arith.constant 8192 : i32
        %dma_start3A_173 = tpu.memref_slice %arg4[%add3A_96, %dma_start3A_172] : memref<1300x16384xf32, #tpu.memory_space<hbm>> -> memref<1x4096xf32, #tpu.memory_space<hbm>>
        %dma_start3A_174 = tpu.memref_squeeze %dma_start3A_173 : memref<1x4096xf32, #tpu.memory_space<hbm>> -> memref<4096xf32, #tpu.memory_space<hbm>>
        %dma_start3A_175 = arith.constant 0 : i32
        %dma_start3A_176 = tpu.memref_slice %arg7[%dma_start3A_165, %dma_start3A_175] : memref<2x4096xf32, #tpu.memory_space<vmem>> -> memref<1x4096xf32, #tpu.memory_space<vmem>>
        %dma_start3A_177 = tpu.memref_squeeze %dma_start3A_176 : memref<1x4096xf32, #tpu.memory_space<vmem>> -> memref<4096xf32, #tpu.memory_space<vmem>>
        tpu.enqueue_dma source(%dma_start3A_177 : memref<4096xf32, #tpu.memory_space<vmem>>) target(%dma_start3A_174 : memref<4096xf32, #tpu.memory_space<hbm>>) target_semaphore(%arg10 : memref<!tpu.dma_semaphore, #tpu.memory_space<semaphore_mem>>)
        %dma_wait3A_178 = arith.constant 1 : i32
        %dma_wait3A_179 = arith.constant 0 : i32
        %dma_wait3A_180 = tpu.memref_slice %arg7[%dma_wait3A_178, %dma_wait3A_179] : memref<2x4096xf32, #tpu.memory_space<vmem>> -> memref<1x4096xf32, #tpu.memory_space<vmem>>
        %dma_wait3A_181 = tpu.memref_squeeze %dma_wait3A_180 : memref<1x4096xf32, #tpu.memory_space<vmem>> -> memref<4096xf32, #tpu.memory_space<vmem>>
        %dma_wait3A_182 = arith.constant 4096 : i32
        %dma_wait3A_183 = tpu.memref_slice %arg4[%add3A_96, %dma_wait3A_182] : memref<1300x16384xf32, #tpu.memory_space<hbm>> -> memref<1x4096xf32, #tpu.memory_space<hbm>>
        %dma_wait3A_184 = tpu.memref_squeeze %dma_wait3A_183 : memref<1x4096xf32, #tpu.memory_space<hbm>> -> memref<4096xf32, #tpu.memory_space<hbm>>
        %dma_wait3A_185 = arith.constant 4096 : i32
        %dma_wait3A_186 = tpu.memref_slice %arg4[%add3A_96, %dma_wait3A_185] : memref<1300x16384xf32, #tpu.memory_space<hbm>> -> memref<1x4096xf32, #tpu.memory_space<hbm>>
        %dma_wait3A_187 = tpu.memref_squeeze %dma_wait3A_186 : memref<1x4096xf32, #tpu.memory_space<hbm>> -> memref<4096xf32, #tpu.memory_space<hbm>>
        %dma_wait3A_188 = arith.constant 0 : i32
        %dma_wait3A_189 = tpu.memref_slice %arg7[%dma_wait3A_178, %dma_wait3A_188] : memref<2x4096xf32, #tpu.memory_space<vmem>> -> memref<1x4096xf32, #tpu.memory_space<vmem>>
        %dma_wait3A_190 = tpu.memref_squeeze %dma_wait3A_189 : memref<1x4096xf32, #tpu.memory_space<vmem>> -> memref<4096xf32, #tpu.memory_space<vmem>>
        tpu.wait_dma2 semaphore(%arg11 : memref<!tpu.dma_semaphore, #tpu.memory_space<semaphore_mem>>) src(%dma_wait3A_190 : memref<4096xf32, #tpu.memory_space<vmem>>) dst(%dma_wait3A_187 : memref<4096xf32, #tpu.memory_space<hbm>>)
        %scan3A_191 = arith.constant 0 : i32
        %scan3A_192 = arith.constant 0 : i32
        %scan3A_193 = arith.constant 32 : i32
        %scan3A_194 = arith.addi %scan3A_192, %scan3A_193 : i32
        %scan3A_195 = arith.constant 1 : i32
        scf.for %scan3A_236 = %scan3A_192 to %scan3A_194 step %scan3A_195  : i32 {
          %mul3A_237 = arith.constant 8 : i32
          %mul3A_238 = arith.muli %scan3A_236, %mul3A_237 : i32
          %mul3A_239 = arith.constant 16 : i32
          %mul3A_240 = arith.muli %mul3A_238, %mul3A_239 : i32
          %add3A_241 = arith.constant 12288 : i32
          %add3A_242 = arith.addi %add3A_241, %mul3A_240 : i32
          %add3A_243 = arith.constant 0 : i32
          %add3A_244 = arith.addi %add3A_242, %add3A_243 : i32
          %get3A = arith.index_cast %add3A_244 : i32 to index
          %get3A_245 = tpu.vector_load %arg6[%get3A] {strides = array<i32>} : memref<16384xi32, #tpu.memory_space<vmem>>, vector<16xi32>,
          %gather3A = tpu.vector_load_idx %arg5[%get3A_245] : memref<100000xf32, #tpu.memory_space<vmem>>[vector<16xi32>], vector<16xf32>,
          %add3A_246 = arith.constant 16 : i32
          %add3A_247 = arith.addi %add3A_242, %add3A_246 : i32
          %get3A_248 = arith.index_cast %add3A_247 : i32 to index
          %get3A_249 = tpu.vector_load %arg6[%get3A_248] {strides = array<i32>} : memref<16384xi32, #tpu.memory_space<vmem>>, vector<16xi32>,
          %gather3A_250 = tpu.vector_load_idx %arg5[%get3A_249] : memref<100000xf32, #tpu.memory_space<vmem>>[vector<16xi32>], vector<16xf32>,
          %add3A_251 = arith.constant 32 : i32
          %add3A_252 = arith.addi %add3A_242, %add3A_251 : i32
          %get3A_253 = arith.index_cast %add3A_252 : i32 to index
          %get3A_254 = tpu.vector_load %arg6[%get3A_253] {strides = array<i32>} : memref<16384xi32, #tpu.memory_space<vmem>>, vector<16xi32>,
          %gather3A_255 = tpu.vector_load_idx %arg5[%get3A_254] : memref<100000xf32, #tpu.memory_space<vmem>>[vector<16xi32>], vector<16xf32>,
          %add3A_256 = arith.constant 48 : i32
          %add3A_257 = arith.addi %add3A_242, %add3A_256 : i32
          %get3A_258 = arith.index_cast %add3A_257 : i32 to index
          %get3A_259 = tpu.vector_load %arg6[%get3A_258] {strides = array<i32>} : memref<16384xi32, #tpu.memory_space<vmem>>, vector<16xi32>,
          %gather3A_260 = tpu.vector_load_idx %arg5[%get3A_259] : memref<100000xf32, #tpu.memory_space<vmem>>[vector<16xi32>], vector<16xf32>,
          %add3A_261 = arith.constant 64 : i32
          %add3A_262 = arith.addi %add3A_242, %add3A_261 : i32
          %get3A_263 = arith.index_cast %add3A_262 : i32 to index
          %get3A_264 = tpu.vector_load %arg6[%get3A_263] {strides = array<i32>} : memref<16384xi32, #tpu.memory_space<vmem>>, vector<16xi32>,
          %gather3A_265 = tpu.vector_load_idx %arg5[%get3A_264] : memref<100000xf32, #tpu.memory_space<vmem>>[vector<16xi32>], vector<16xf32>,
          %add3A_266 = arith.constant 80 : i32
          %add3A_267 = arith.addi %add3A_242, %add3A_266 : i32
          %get3A_268 = arith.index_cast %add3A_267 : i32 to index
          %get3A_269 = tpu.vector_load %arg6[%get3A_268] {strides = array<i32>} : memref<16384xi32, #tpu.memory_space<vmem>>, vector<16xi32>,
          %gather3A_270 = tpu.vector_load_idx %arg5[%get3A_269] : memref<100000xf32, #tpu.memory_space<vmem>>[vector<16xi32>], vector<16xf32>,
          %add3A_271 = arith.constant 96 : i32
          %add3A_272 = arith.addi %add3A_242, %add3A_271 : i32
          %get3A_273 = arith.index_cast %add3A_272 : i32 to index
          %get3A_274 = tpu.vector_load %arg6[%get3A_273] {strides = array<i32>} : memref<16384xi32, #tpu.memory_space<vmem>>, vector<16xi32>,
          %gather3A_275 = tpu.vector_load_idx %arg5[%get3A_274] : memref<100000xf32, #tpu.memory_space<vmem>>[vector<16xi32>], vector<16xf32>,
          %add3A_276 = arith.constant 112 : i32
          %add3A_277 = arith.addi %add3A_242, %add3A_276 : i32
          %get3A_278 = arith.index_cast %add3A_277 : i32 to index
          %get3A_279 = tpu.vector_load %arg6[%get3A_278] {strides = array<i32>} : memref<16384xi32, #tpu.memory_space<vmem>>, vector<16xi32>,
          %gather3A_280 = tpu.vector_load_idx %arg5[%get3A_279] : memref<100000xf32, #tpu.memory_space<vmem>>[vector<16xi32>], vector<16xf32>,
          %mul3A_281 = arith.constant 8 : i32
          %mul3A_282 = arith.muli %scan3A_236, %mul3A_281 : i32
          %mul3A_283 = arith.constant 16 : i32
          %mul3A_284 = arith.muli %mul3A_282, %mul3A_283 : i32
          %add3A_285 = arith.constant 0 : i32
          %add3A_286 = arith.addi %mul3A_284, %add3A_285 : i32
          %swap3A = arith.constant 1 : i32
          %swap3A_287 = arith.index_cast %swap3A : i32 to index
          %swap3A_288 = arith.index_cast %add3A_286 : i32 to index
          %swap3A_289 = tpu.vector_load %arg7[%swap3A_287, %swap3A_288] {strides = array<i32>} : memref<2x4096xf32, #tpu.memory_space<vmem>>, vector<16xf32>,
          tpu.vector_store %arg7[%swap3A_287, %swap3A_288], %gather3A {strides = array<i32>} : memref<2x4096xf32, #tpu.memory_space<vmem>>, vector<16xf32>,
          %add3A_290 = arith.constant 16 : i32
          %add3A_291 = arith.addi %mul3A_284, %add3A_290 : i32
          %swap3A_292 = arith.constant 1 : i32
          %swap3A_293 = arith.index_cast %swap3A_292 : i32 to index
          %swap3A_294 = arith.index_cast %add3A_291 : i32 to index
          %swap3A_295 = tpu.vector_load %arg7[%swap3A_293, %swap3A_294] {strides = array<i32>} : memref<2x4096xf32, #tpu.memory_space<vmem>>, vector<16xf32>,
          tpu.vector_store %arg7[%swap3A_293, %swap3A_294], %gather3A_250 {strides = array<i32>} : memref<2x4096xf32, #tpu.memory_space<vmem>>, vector<16xf32>,
          %add3A_296 = arith.constant 32 : i32
          %add3A_297 = arith.addi %mul3A_284, %add3A_296 : i32
          %swap3A_298 = arith.constant 1 : i32
          %swap3A_299 = arith.index_cast %swap3A_298 : i32 to index
          %swap3A_300 = arith.index_cast %add3A_297 : i32 to index
          %swap3A_301 = tpu.vector_load %arg7[%swap3A_299, %swap3A_300] {strides = array<i32>} : memref<2x4096xf32, #tpu.memory_space<vmem>>, vector<16xf32>,
          tpu.vector_store %arg7[%swap3A_299, %swap3A_300], %gather3A_255 {strides = array<i32>} : memref<2x4096xf32, #tpu.memory_space<vmem>>, vector<16xf32>,
          %add3A_302 = arith.constant 48 : i32
          %add3A_303 = arith.addi %mul3A_284, %add3A_302 : i32
          %swap3A_304 = arith.constant 1 : i32
          %swap3A_305 = arith.index_cast %swap3A_304 : i32 to index
          %swap3A_306 = arith.index_cast %add3A_303 : i32 to index
          %swap3A_307 = tpu.vector_load %arg7[%swap3A_305, %swap3A_306] {strides = array<i32>} : memref<2x4096xf32, #tpu.memory_space<vmem>>, vector<16xf32>,
          tpu.vector_store %arg7[%swap3A_305, %swap3A_306], %gather3A_260 {strides = array<i32>} : memref<2x4096xf32, #tpu.memory_space<vmem>>, vector<16xf32>,
          %add3A_308 = arith.constant 64 : i32
          %add3A_309 = arith.addi %mul3A_284, %add3A_308 : i32
          %swap3A_310 = arith.constant 1 : i32
          %swap3A_311 = arith.index_cast %swap3A_310 : i32 to index
          %swap3A_312 = arith.index_cast %add3A_309 : i32 to index
          %swap3A_313 = tpu.vector_load %arg7[%swap3A_311, %swap3A_312] {strides = array<i32>} : memref<2x4096xf32, #tpu.memory_space<vmem>>, vector<16xf32>,
          tpu.vector_store %arg7[%swap3A_311, %swap3A_312], %gather3A_265 {strides = array<i32>} : memref<2x4096xf32, #tpu.memory_space<vmem>>, vector<16xf32>,
          %add3A_314 = arith.constant 80 : i32
          %add3A_315 = arith.addi %mul3A_284, %add3A_314 : i32
          %swap3A_316 = arith.constant 1 : i32
          %swap3A_317 = arith.index_cast %swap3A_316 : i32 to index
          %swap3A_318 = arith.index_cast %add3A_315 : i32 to index
          %swap3A_319 = tpu.vector_load %arg7[%swap3A_317, %swap3A_318] {strides = array<i32>} : memref<2x4096xf32, #tpu.memory_space<vmem>>, vector<16xf32>,
          tpu.vector_store %arg7[%swap3A_317, %swap3A_318], %gather3A_270 {strides = array<i32>} : memref<2x4096xf32, #tpu.memory_space<vmem>>, vector<16xf32>,
          %add3A_320 = arith.constant 96 : i32
          %add3A_321 = arith.addi %mul3A_284, %add3A_320 : i32
          %swap3A_322 = arith.constant 1 : i32
          %swap3A_323 = arith.index_cast %swap3A_322 : i32 to index
          %swap3A_324 = arith.index_cast %add3A_321 : i32 to index
          %swap3A_325 = tpu.vector_load %arg7[%swap3A_323, %swap3A_324] {strides = array<i32>} : memref<2x4096xf32, #tpu.memory_space<vmem>>, vector<16xf32>,
          tpu.vector_store %arg7[%swap3A_323, %swap3A_324], %gather3A_275 {strides = array<i32>} : memref<2x4096xf32, #tpu.memory_space<vmem>>, vector<16xf32>,
          %add3A_326 = arith.constant 112 : i32
          %add3A_327 = arith.addi %mul3A_284, %add3A_326 : i32
          %swap3A_328 = arith.constant 1 : i32
          %swap3A_329 = arith.index_cast %swap3A_328 : i32 to index
          %swap3A_330 = arith.index_cast %add3A_327 : i32 to index
          %swap3A_331 = tpu.vector_load %arg7[%swap3A_329, %swap3A_330] {strides = array<i32>} : memref<2x4096xf32, #tpu.memory_space<vmem>>, vector<16xf32>,
          tpu.vector_store %arg7[%swap3A_329, %swap3A_330], %gather3A_280 {strides = array<i32>} : memref<2x4096xf32, #tpu.memory_space<vmem>>, vector<16xf32>,
        }
        %scan3A_196 = arith.constant 32 : i32
        %dma_start3A_197 = arith.constant 1 : i32
        %dma_start3A_198 = arith.constant 0 : i32
        %dma_start3A_199 = tpu.memref_slice %arg7[%dma_start3A_197, %dma_start3A_198] : memref<2x4096xf32, #tpu.memory_space<vmem>> -> memref<1x4096xf32, #tpu.memory_space<vmem>>
        %dma_start3A_200 = tpu.memref_squeeze %dma_start3A_199 : memref<1x4096xf32, #tpu.memory_space<vmem>> -> memref<4096xf32, #tpu.memory_space<vmem>>
        %dma_start3A_201 = arith.constant 12288 : i32
        %dma_start3A_202 = tpu.memref_slice %arg4[%add3A_96, %dma_start3A_201] : memref<1300x16384xf32, #tpu.memory_space<hbm>> -> memref<1x4096xf32, #tpu.memory_space<hbm>>
        %dma_start3A_203 = tpu.memref_squeeze %dma_start3A_202 : memref<1x4096xf32, #tpu.memory_space<hbm>> -> memref<4096xf32, #tpu.memory_space<hbm>>
        %dma_start3A_204 = arith.constant 12288 : i32
        %dma_start3A_205 = tpu.memref_slice %arg4[%add3A_96, %dma_start3A_204] : memref<1300x16384xf32, #tpu.memory_space<hbm>> -> memref<1x4096xf32, #tpu.memory_space<hbm>>
        %dma_start3A_206 = tpu.memref_squeeze %dma_start3A_205 : memref<1x4096xf32, #tpu.memory_space<hbm>> -> memref<4096xf32, #tpu.memory_space<hbm>>
        %dma_start3A_207 = arith.constant 0 : i32
        %dma_start3A_208 = tpu.memref_slice %arg7[%dma_start3A_197, %dma_start3A_207] : memref<2x4096xf32, #tpu.memory_space<vmem>> -> memref<1x4096xf32, #tpu.memory_space<vmem>>
        %dma_start3A_209 = tpu.memref_squeeze %dma_start3A_208 : memref<1x4096xf32, #tpu.memory_space<vmem>> -> memref<4096xf32, #tpu.memory_space<vmem>>
        tpu.enqueue_dma source(%dma_start3A_209 : memref<4096xf32, #tpu.memory_space<vmem>>) target(%dma_start3A_206 : memref<4096xf32, #tpu.memory_space<hbm>>) target_semaphore(%arg11 : memref<!tpu.dma_semaphore, #tpu.memory_space<semaphore_mem>>)
        %dma_wait3A_210 = arith.constant 0 : i32
        %dma_wait3A_211 = arith.constant 0 : i32
        %dma_wait3A_212 = tpu.memref_slice %arg7[%dma_wait3A_210, %dma_wait3A_211] : memref<2x4096xf32, #tpu.memory_space<vmem>> -> memref<1x4096xf32, #tpu.memory_space<vmem>>
        %dma_wait3A_213 = tpu.memref_squeeze %dma_wait3A_212 : memref<1x4096xf32, #tpu.memory_space<vmem>> -> memref<4096xf32, #tpu.memory_space<vmem>>
        %dma_wait3A_214 = arith.constant 8192 : i32
        %dma_wait3A_215 = tpu.memref_slice %arg4[%add3A_96, %dma_wait3A_214] : memref<1300x16384xf32, #tpu.memory_space<hbm>> -> memref<1x4096xf32, #tpu.memory_space<hbm>>
        %dma_wait3A_216 = tpu.memref_squeeze %dma_wait3A_215 : memref<1x4096xf32, #tpu.memory_space<hbm>> -> memref<4096xf32, #tpu.memory_space<hbm>>
        %dma_wait3A_217 = arith.constant 8192 : i32
        %dma_wait3A_218 = tpu.memref_slice %arg4[%add3A_96, %dma_wait3A_217] : memref<1300x16384xf32, #tpu.memory_space<hbm>> -> memref<1x4096xf32, #tpu.memory_space<hbm>>
        %dma_wait3A_219 = tpu.memref_squeeze %dma_wait3A_218 : memref<1x4096xf32, #tpu.memory_space<hbm>> -> memref<4096xf32, #tpu.memory_space<hbm>>
        %dma_wait3A_220 = arith.constant 0 : i32
        %dma_wait3A_221 = tpu.memref_slice %arg7[%dma_wait3A_210, %dma_wait3A_220] : memref<2x4096xf32, #tpu.memory_space<vmem>> -> memref<1x4096xf32, #tpu.memory_space<vmem>>
        %dma_wait3A_222 = tpu.memref_squeeze %dma_wait3A_221 : memref<1x4096xf32, #tpu.memory_space<vmem>> -> memref<4096xf32, #tpu.memory_space<vmem>>
        tpu.wait_dma2 semaphore(%arg10 : memref<!tpu.dma_semaphore, #tpu.memory_space<semaphore_mem>>) src(%dma_wait3A_222 : memref<4096xf32, #tpu.memory_space<vmem>>) dst(%dma_wait3A_219 : memref<4096xf32, #tpu.memory_space<hbm>>)
        %dma_wait3A_223 = arith.constant 1 : i32
        %dma_wait3A_224 = arith.constant 0 : i32
        %dma_wait3A_225 = tpu.memref_slice %arg7[%dma_wait3A_223, %dma_wait3A_224] : memref<2x4096xf32, #tpu.memory_space<vmem>> -> memref<1x4096xf32, #tpu.memory_space<vmem>>
        %dma_wait3A_226 = tpu.memref_squeeze %dma_wait3A_225 : memref<1x4096xf32, #tpu.memory_space<vmem>> -> memref<4096xf32, #tpu.memory_space<vmem>>
        %dma_wait3A_227 = arith.constant 12288 : i32
        %dma_wait3A_228 = tpu.memref_slice %arg4[%add3A_96, %dma_wait3A_227] : memref<1300x16384xf32, #tpu.memory_space<hbm>> -> memref<1x4096xf32, #tpu.memory_space<hbm>>
        %dma_wait3A_229 = tpu.memref_squeeze %dma_wait3A_228 : memref<1x4096xf32, #tpu.memory_space<hbm>> -> memref<4096xf32, #tpu.memory_space<hbm>>
        %dma_wait3A_230 = arith.constant 12288 : i32
        %dma_wait3A_231 = tpu.memref_slice %arg4[%add3A_96, %dma_wait3A_230] : memref<1300x16384xf32, #tpu.memory_space<hbm>> -> memref<1x4096xf32, #tpu.memory_space<hbm>>
        %dma_wait3A_232 = tpu.memref_squeeze %dma_wait3A_231 : memref<1x4096xf32, #tpu.memory_space<hbm>> -> memref<4096xf32, #tpu.memory_space<hbm>>
        %dma_wait3A_233 = arith.constant 0 : i32
        %dma_wait3A_234 = tpu.memref_slice %arg7[%dma_wait3A_223, %dma_wait3A_233] : memref<2x4096xf32, #tpu.memory_space<vmem>> -> memref<1x4096xf32, #tpu.memory_space<vmem>>
        %dma_wait3A_235 = tpu.memref_squeeze %dma_wait3A_234 : memref<1x4096xf32, #tpu.memory_space<vmem>> -> memref<4096xf32, #tpu.memory_space<vmem>>
        tpu.wait_dma2 semaphore(%arg11 : memref<!tpu.dma_semaphore, #tpu.memory_space<semaphore_mem>>) src(%dma_wait3A_235 : memref<4096xf32, #tpu.memory_space<vmem>>) dst(%dma_wait3A_232 : memref<4096xf32, #tpu.memory_space<hbm>>)
      }
    }
    %while3A_63 = arith.constant 1 : i32
    scf.for %while3A_64 = %while3A_61 to %while3A_57 step %while3A_63  : i32 {
      %mul3A_65 = arith.constant 50 : i32
      %mul3A_66 = arith.muli %while3A_64, %mul3A_65 : i32
      %sub3A_67 = arith.subi %add3A_4, %mul3A_66 : i32
      %max3A = arith.constant 0 : i32
      %max3A_68 = arith.maxsi %sub3A_67, %max3A : i32
      %mul3A_69 = arith.constant 50 : i32
      %mul3A_70 = arith.muli %while3A_64, %mul3A_69 : i32
      %sub3A_71 = arith.subi %add3A_9, %mul3A_70 : i32
      %min3A_72 = arith.constant 50 : i32
      %min3A_73 = arith.minsi %sub3A_71, %min3A_72 : i32
      %dma_start3A = arith.constant 0 : i32
      %dma_start3A_74 = tpu.memref_slice %arg3[%while3A_64, %dma_start3A] : memref<26x16384xi32, #tpu.memory_space<hbm>> -> memref<1x16384xi32, #tpu.memory_space<hbm>>
      %dma_start3A_75 = tpu.memref_squeeze %dma_start3A_74 : memref<1x16384xi32, #tpu.memory_space<hbm>> -> memref<16384xi32, #tpu.memory_space<hbm>>
      %dma_start3A_76 = arith.constant 0 : i32
      %dma_start3A_77 = tpu.memref_slice %arg3[%while3A_64, %dma_start3A_76] : memref<26x16384xi32, #tpu.memory_space<hbm>> -> memref<1x16384xi32, #tpu.memory_space<hbm>>
      %dma_start3A_78 = tpu.memref_squeeze %dma_start3A_77 : memref<1x16384xi32, #tpu.memory_space<hbm>> -> memref<16384xi32, #tpu.memory_space<hbm>>
      tpu.enqueue_dma source(%dma_start3A_78 : memref<16384xi32, #tpu.memory_space<hbm>>) target(%arg6 : memref<16384xi32, #tpu.memory_space<vmem>>) target_semaphore(%arg9 : memref<!tpu.dma_semaphore, #tpu.memory_space<semaphore_mem>>)
      %dma_wait3A = arith.constant 0 : i32
      %dma_wait3A_79 = tpu.memref_slice %arg3[%while3A_64, %dma_wait3A] : memref<26x16384xi32, #tpu.memory_space<hbm>> -> memref<1x16384xi32, #tpu.memory_space<hbm>>
      %dma_wait3A_80 = tpu.memref_squeeze %dma_wait3A_79 : memref<1x16384xi32, #tpu.memory_space<hbm>> -> memref<16384xi32, #tpu.memory_space<hbm>>
      %dma_wait3A_81 = arith.constant 0 : i32
      %dma_wait3A_82 = tpu.memref_slice %arg3[%while3A_64, %dma_wait3A_81] : memref<26x16384xi32, #tpu.memory_space<hbm>> -> memref<1x16384xi32, #tpu.memory_space<hbm>>
      %dma_wait3A_83 = tpu.memref_squeeze %dma_wait3A_82 : memref<1x16384xi32, #tpu.memory_space<hbm>> -> memref<16384xi32, #tpu.memory_space<hbm>>
      tpu.wait_dma2 semaphore(%arg9 : memref<!tpu.dma_semaphore, #tpu.memory_space<semaphore_mem>>) src(%dma_wait3A_83 : memref<16384xi32, #tpu.memory_space<hbm>>) dst(%arg6 : memref<16384xi32, #tpu.memory_space<vmem>>)
      %while3A_84 = arith.constant 0 : i32
      %while3A_85 = arith.subi %min3A_73, %max3A_68 : i32
      %while3A_86 = arith.addi %max3A_68, %while3A_85 : i32
      %while3A_87 = arith.constant 1 : i32
      %while3A_88 = arith.divsi %while3A_85, %while3A_87 : i32
      %while3A_89 = arith.muli %while3A_88, %while3A_87 : i32
      %while3A_90 = arith.addi %max3A_68, %while3A_89 : i32
      %while3A_91 = arith.constant 1 : i32
      scf.for %while3A_93 = %max3A_68 to %while3A_90 step %while3A_91  : i32 {
        %mul3A_94 = arith.constant 50 : i32
        %mul3A_95 = arith.muli %while3A_64, %mul3A_94 : i32
        %add3A_96 = arith.addi %mul3A_95, %while3A_93 : i32
        %dma_start3A_97 = arith.constant 0 : i32
        %dma_start3A_98 = tpu.memref_slice %arg2[%while3A_64, %while3A_93, %dma_start3A_97] : memref<26x50x100000xf32, #tpu.memory_space<hbm>> -> memref<1x1x100000xf32, #tpu.memory_space<hbm>>
        %dma_start3A_99 = tpu.memref_squeeze %dma_start3A_98 : memref<1x1x100000xf32, #tpu.memory_space<hbm>> -> memref<100000xf32, #tpu.memory_space<hbm>>
        %dma_start3A_100 = arith.constant 0 : i32
        %dma_start3A_101 = tpu.memref_slice %arg2[%while3A_64, %while3A_93, %dma_start3A_100] : memref<26x50x100000xf32, #tpu.memory_space<hbm>> -> memref<1x1x100000xf32, #tpu.memory_space<hbm>>
        %dma_start3A_102 = tpu.memref_squeeze %dma_start3A_101 : memref<1x1x100000xf32, #tpu.memory_space<hbm>> -> memref<100000xf32, #tpu.memory_space<hbm>>
        tpu.enqueue_dma source(%dma_start3A_102 : memref<100000xf32, #tpu.memory_space<hbm>>) target(%arg5 : memref<100000xf32, #tpu.memory_space<vmem>>) target_semaphore(%arg8 : memref<!tpu.dma_semaphore, #tpu.memory_space<semaphore_mem>>)
        %dma_wait3A_103 = arith.constant 0 : i32
        %dma_wait3A_104 = tpu.memref_slice %arg2[%while3A_64, %while3A_93, %dma_wait3A_103] : memref<26x50x100000xf32, #tpu.memory_space<hbm>> -> memref<1x1x100000xf32, #tpu.memory_space<hbm>>
        %dma_wait3A_105 = tpu.memref_squeeze %dma_wait3A_104 : memref<1x1x100000xf32, #tpu.memory_space<hbm>> -> memref<100000xf32, #tpu.memory_space<hbm>>
        %dma_wait3A_106 = arith.constant 0 : i32
        %dma_wait3A_107 = tpu.memref_slice %arg2[%while3A_64, %while3A_93, %dma_wait3A_106] : memref<26x50x100000xf32, #tpu.memory_space<hbm>> -> memref<1x1x100000xf32, #tpu.memory_space<hbm>>
        %dma_wait3A_108 = tpu.memref_squeeze %dma_wait3A_107 : memref<1x1x100000xf32, #tpu.memory_space<hbm>> -> memref<100000xf32, #tpu.memory_space<hbm>>
        tpu.wait_dma2 semaphore(%arg8 : memref<!tpu.dma_semaphore, #tpu.memory_space<semaphore_mem>>) src(%dma_wait3A_108 : memref<100000xf32, #tpu.memory_space<hbm>>) dst(%arg5 : memref<100000xf32, #tpu.memory_space<vmem>>)
        %scan3A = arith.constant 0 : i32
        %scan3A_109 = arith.constant 0 : i32
        %scan3A_110 = arith.constant 32 : i32
        %scan3A_111 = arith.addi %scan3A_109, %scan3A_110 : i32
        %scan3A_112 = arith.constant 1 : i32
        scf.for %scan3A_236 = %scan3A_109 to %scan3A_111 step %scan3A_112  : i32 {
          %mul3A_237 = arith.constant 8 : i32
          %mul3A_238 = arith.muli %scan3A_236, %mul3A_237 : i32
          %mul3A_239 = arith.constant 16 : i32
          %mul3A_240 = arith.muli %mul3A_238, %mul3A_239 : i32
          %add3A_241 = arith.constant 0 : i32
          %add3A_242 = arith.addi %add3A_241, %mul3A_240 : i32
          %add3A_243 = arith.constant 0 : i32
          %add3A_244 = arith.addi %add3A_242, %add3A_243 : i32
          %get3A = arith.index_cast %add3A_244 : i32 to index
          %get3A_245 = tpu.vector_load %arg6[%get3A] {strides = array<i32>} : memref<16384xi32, #tpu.memory_space<vmem>>, vector<16xi32>,
          %gather3A = tpu.vector_load_idx %arg5[%get3A_245] : memref<100000xf32, #tpu.memory_space<vmem>>[vector<16xi32>], vector<16xf32>,
          %add3A_246 = arith.constant 16 : i32
          %add3A_247 = arith.addi %add3A_242, %add3A_246 : i32
          %get3A_248 = arith.index_cast %add3A_247 : i32 to index
          %get3A_249 = tpu.vector_load %arg6[%get3A_248] {strides = array<i32>} : memref<16384xi32, #tpu.memory_space<vmem>>, vector<16xi32>,
          %gather3A_250 = tpu.vector_load_idx %arg5[%get3A_249] : memref<100000xf32, #tpu.memory_space<vmem>>[vector<16xi32>], vector<16xf32>,
          %add3A_251 = arith.constant 32 : i32
          %add3A_252 = arith.addi %add3A_242, %add3A_251 : i32
          %get3A_253 = arith.index_cast %add3A_252 : i32 to index
          %get3A_254 = tpu.vector_load %arg6[%get3A_253] {strides = array<i32>} : memref<16384xi32, #tpu.memory_space<vmem>>, vector<16xi32>,
          %gather3A_255 = tpu.vector_load_idx %arg5[%get3A_254] : memref<100000xf32, #tpu.memory_space<vmem>>[vector<16xi32>], vector<16xf32>,
          %add3A_256 = arith.constant 48 : i32
          %add3A_257 = arith.addi %add3A_242, %add3A_256 : i32
          %get3A_258 = arith.index_cast %add3A_257 : i32 to index
          %get3A_259 = tpu.vector_load %arg6[%get3A_258] {strides = array<i32>} : memref<16384xi32, #tpu.memory_space<vmem>>, vector<16xi32>,
          %gather3A_260 = tpu.vector_load_idx %arg5[%get3A_259] : memref<100000xf32, #tpu.memory_space<vmem>>[vector<16xi32>], vector<16xf32>,
          %add3A_261 = arith.constant 64 : i32
          %add3A_262 = arith.addi %add3A_242, %add3A_261 : i32
          %get3A_263 = arith.index_cast %add3A_262 : i32 to index
          %get3A_264 = tpu.vector_load %arg6[%get3A_263] {strides = array<i32>} : memref<16384xi32, #tpu.memory_space<vmem>>, vector<16xi32>,
          %gather3A_265 = tpu.vector_load_idx %arg5[%get3A_264] : memref<100000xf32, #tpu.memory_space<vmem>>[vector<16xi32>], vector<16xf32>,
          %add3A_266 = arith.constant 80 : i32
          %add3A_267 = arith.addi %add3A_242, %add3A_266 : i32
          %get3A_268 = arith.index_cast %add3A_267 : i32 to index
          %get3A_269 = tpu.vector_load %arg6[%get3A_268] {strides = array<i32>} : memref<16384xi32, #tpu.memory_space<vmem>>, vector<16xi32>,
          %gather3A_270 = tpu.vector_load_idx %arg5[%get3A_269] : memref<100000xf32, #tpu.memory_space<vmem>>[vector<16xi32>], vector<16xf32>,
          %add3A_271 = arith.constant 96 : i32
          %add3A_272 = arith.addi %add3A_242, %add3A_271 : i32
          %get3A_273 = arith.index_cast %add3A_272 : i32 to index
          %get3A_274 = tpu.vector_load %arg6[%get3A_273] {strides = array<i32>} : memref<16384xi32, #tpu.memory_space<vmem>>, vector<16xi32>,
          %gather3A_275 = tpu.vector_load_idx %arg5[%get3A_274] : memref<100000xf32, #tpu.memory_space<vmem>>[vector<16xi32>], vector<16xf32>,
          %add3A_276 = arith.constant 112 : i32
          %add3A_277 = arith.addi %add3A_242, %add3A_276 : i32
          %get3A_278 = arith.index_cast %add3A_277 : i32 to index
          %get3A_279 = tpu.vector_load %arg6[%get3A_278] {strides = array<i32>} : memref<16384xi32, #tpu.memory_space<vmem>>, vector<16xi32>,
          %gather3A_280 = tpu.vector_load_idx %arg5[%get3A_279] : memref<100000xf32, #tpu.memory_space<vmem>>[vector<16xi32>], vector<16xf32>,
          %mul3A_281 = arith.constant 8 : i32
          %mul3A_282 = arith.muli %scan3A_236, %mul3A_281 : i32
          %mul3A_283 = arith.constant 16 : i32
          %mul3A_284 = arith.muli %mul3A_282, %mul3A_283 : i32
          %add3A_285 = arith.constant 0 : i32
          %add3A_286 = arith.addi %mul3A_284, %add3A_285 : i32
          %swap3A = arith.constant 0 : i32
          %swap3A_287 = arith.index_cast %swap3A : i32 to index
          %swap3A_288 = arith.index_cast %add3A_286 : i32 to index
          %swap3A_289 = tpu.vector_load %arg7[%swap3A_287, %swap3A_288] {strides = array<i32>} : memref<2x4096xf32, #tpu.memory_space<vmem>>, vector<16xf32>,
          tpu.vector_store %arg7[%swap3A_287, %swap3A_288], %gather3A {strides = array<i32>} : memref<2x4096xf32, #tpu.memory_space<vmem>>, vector<16xf32>,
          %add3A_290 = arith.constant 16 : i32
          %add3A_291 = arith.addi %mul3A_284, %add3A_290 : i32
          %swap3A_292 = arith.constant 0 : i32
          %swap3A_293 = arith.index_cast %swap3A_292 : i32 to index
          %swap3A_294 = arith.index_cast %add3A_291 : i32 to index
          %swap3A_295 = tpu.vector_load %arg7[%swap3A_293, %swap3A_294] {strides = array<i32>} : memref<2x4096xf32, #tpu.memory_space<vmem>>, vector<16xf32>,
          tpu.vector_store %arg7[%swap3A_293, %swap3A_294], %gather3A_250 {strides = array<i32>} : memref<2x4096xf32, #tpu.memory_space<vmem>>, vector<16xf32>,
          %add3A_296 = arith.constant 32 : i32
          %add3A_297 = arith.addi %mul3A_284, %add3A_296 : i32
          %swap3A_298 = arith.constant 0 : i32
          %swap3A_299 = arith.index_cast %swap3A_298 : i32 to index
          %swap3A_300 = arith.index_cast %add3A_297 : i32 to index
          %swap3A_301 = tpu.vector_load %arg7[%swap3A_299, %swap3A_300] {strides = array<i32>} : memref<2x4096xf32, #tpu.memory_space<vmem>>, vector<16xf32>,
          tpu.vector_store %arg7[%swap3A_299, %swap3A_300], %gather3A_255 {strides = array<i32>} : memref<2x4096xf32, #tpu.memory_space<vmem>>, vector<16xf32>,
          %add3A_302 = arith.constant 48 : i32
          %add3A_303 = arith.addi %mul3A_284, %add3A_302 : i32
          %swap3A_304 = arith.constant 0 : i32
          %swap3A_305 = arith.index_cast %swap3A_304 : i32 to index
          %swap3A_306 = arith.index_cast %add3A_303 : i32 to index
          %swap3A_307 = tpu.vector_load %arg7[%swap3A_305, %swap3A_306] {strides = array<i32>} : memref<2x4096xf32, #tpu.memory_space<vmem>>, vector<16xf32>,
          tpu.vector_store %arg7[%swap3A_305, %swap3A_306], %gather3A_260 {strides = array<i32>} : memref<2x4096xf32, #tpu.memory_space<vmem>>, vector<16xf32>,
          %add3A_308 = arith.constant 64 : i32
          %add3A_309 = arith.addi %mul3A_284, %add3A_308 : i32
          %swap3A_310 = arith.constant 0 : i32
          %swap3A_311 = arith.index_cast %swap3A_310 : i32 to index
          %swap3A_312 = arith.index_cast %add3A_309 : i32 to index
          %swap3A_313 = tpu.vector_load %arg7[%swap3A_311, %swap3A_312] {strides = array<i32>} : memref<2x4096xf32, #tpu.memory_space<vmem>>, vector<16xf32>,
          tpu.vector_store %arg7[%swap3A_311, %swap3A_312], %gather3A_265 {strides = array<i32>} : memref<2x4096xf32, #tpu.memory_space<vmem>>, vector<16xf32>,
          %add3A_314 = arith.constant 80 : i32
          %add3A_315 = arith.addi %mul3A_284, %add3A_314 : i32
          %swap3A_316 = arith.constant 0 : i32
          %swap3A_317 = arith.index_cast %swap3A_316 : i32 to index
          %swap3A_318 = arith.index_cast %add3A_315 : i32 to index
          %swap3A_319 = tpu.vector_load %arg7[%swap3A_317, %swap3A_318] {strides = array<i32>} : memref<2x4096xf32, #tpu.memory_space<vmem>>, vector<16xf32>,
          tpu.vector_store %arg7[%swap3A_317, %swap3A_318], %gather3A_270 {strides = array<i32>} : memref<2x4096xf32, #tpu.memory_space<vmem>>, vector<16xf32>,
          %add3A_320 = arith.constant 96 : i32
          %add3A_321 = arith.addi %mul3A_284, %add3A_320 : i32
          %swap3A_322 = arith.constant 0 : i32
          %swap3A_323 = arith.index_cast %swap3A_322 : i32 to index
          %swap3A_324 = arith.index_cast %add3A_321 : i32 to index
          %swap3A_325 = tpu.vector_load %arg7[%swap3A_323, %swap3A_324] {strides = array<i32>} : memref<2x4096xf32, #tpu.memory_space<vmem>>, vector<16xf32>,
          tpu.vector_store %arg7[%swap3A_323, %swap3A_324], %gather3A_275 {strides = array<i32>} : memref<2x4096xf32, #tpu.memory_space<vmem>>, vector<16xf32>,
          %add3A_326 = arith.constant 112 : i32
          %add3A_327 = arith.addi %mul3A_284, %add3A_326 : i32
          %swap3A_328 = arith.constant 0 : i32
          %swap3A_329 = arith.index_cast %swap3A_328 : i32 to index
          %swap3A_330 = arith.index_cast %add3A_327 : i32 to index
          %swap3A_331 = tpu.vector_load %arg7[%swap3A_329, %swap3A_330] {strides = array<i32>} : memref<2x4096xf32, #tpu.memory_space<vmem>>, vector<16xf32>,
          tpu.vector_store %arg7[%swap3A_329, %swap3A_330], %gather3A_280 {strides = array<i32>} : memref<2x4096xf32, #tpu.memory_space<vmem>>, vector<16xf32>,
        }
        %scan3A_113 = arith.constant 32 : i32
        %dma_start3A_114 = arith.constant 0 : i32
        %dma_start3A_115 = arith.constant 0 : i32
        %dma_start3A_116 = tpu.memref_slice %arg7[%dma_start3A_114, %dma_start3A_115] : memref<2x4096xf32, #tpu.memory_space<vmem>> -> memref<1x4096xf32, #tpu.memory_space<vmem>>
        %dma_start3A_117 = tpu.memref_squeeze %dma_start3A_116 : memref<1x4096xf32, #tpu.memory_space<vmem>> -> memref<4096xf32, #tpu.memory_space<vmem>>
        %dma_start3A_118 = arith.constant 0 : i32
        %dma_start3A_119 = tpu.memref_slice %arg4[%add3A_96, %dma_start3A_118] : memref<1300x16384xf32, #tpu.memory_space<hbm>> -> memref<1x4096xf32, #tpu.memory_space<hbm>>
        %dma_start3A_120 = tpu.memref_squeeze %dma_start3A_119 : memref<1x4096xf32, #tpu.memory_space<hbm>> -> memref<4096xf32, #tpu.memory_space<hbm>>
        %dma_start3A_121 = arith.constant 0 : i32
        %dma_start3A_122 = tpu.memref_slice %arg4[%add3A_96, %dma_start3A_121] : memref<1300x16384xf32, #tpu.memory_space<hbm>> -> memref<1x4096xf32, #tpu.memory_space<hbm>>
        %dma_start3A_123 = tpu.memref_squeeze %dma_start3A_122 : memref<1x4096xf32, #tpu.memory_space<hbm>> -> memref<4096xf32, #tpu.memory_space<hbm>>
        %dma_start3A_124 = arith.constant 0 : i32
        %dma_start3A_125 = tpu.memref_slice %arg7[%dma_start3A_114, %dma_start3A_124] : memref<2x4096xf32, #tpu.memory_space<vmem>> -> memref<1x4096xf32, #tpu.memory_space<vmem>>
        %dma_start3A_126 = tpu.memref_squeeze %dma_start3A_125 : memref<1x4096xf32, #tpu.memory_space<vmem>> -> memref<4096xf32, #tpu.memory_space<vmem>>
        tpu.enqueue_dma source(%dma_start3A_126 : memref<4096xf32, #tpu.memory_space<vmem>>) target(%dma_start3A_123 : memref<4096xf32, #tpu.memory_space<hbm>>) target_semaphore(%arg10 : memref<!tpu.dma_semaphore, #tpu.memory_space<semaphore_mem>>)
        %scan3A_127 = arith.constant 0 : i32
        %scan3A_128 = arith.constant 0 : i32
        %scan3A_129 = arith.constant 32 : i32
        %scan3A_130 = arith.addi %scan3A_128, %scan3A_129 : i32
        %scan3A_131 = arith.constant 1 : i32
        scf.for %scan3A_236 = %scan3A_128 to %scan3A_130 step %scan3A_131  : i32 {
          %mul3A_237 = arith.constant 8 : i32
          %mul3A_238 = arith.muli %scan3A_236, %mul3A_237 : i32
          %mul3A_239 = arith.constant 16 : i32
          %mul3A_240 = arith.muli %mul3A_238, %mul3A_239 : i32
          %add3A_241 = arith.constant 4096 : i32
          %add3A_242 = arith.addi %add3A_241, %mul3A_240 : i32
          %add3A_243 = arith.constant 0 : i32
          %add3A_244 = arith.addi %add3A_242, %add3A_243 : i32
          %get3A = arith.index_cast %add3A_244 : i32 to index
          %get3A_245 = tpu.vector_load %arg6[%get3A] {strides = array<i32>} : memref<16384xi32, #tpu.memory_space<vmem>>, vector<16xi32>,
          %gather3A = tpu.vector_load_idx %arg5[%get3A_245] : memref<100000xf32, #tpu.memory_space<vmem>>[vector<16xi32>], vector<16xf32>,
          %add3A_246 = arith.constant 16 : i32
          %add3A_247 = arith.addi %add3A_242, %add3A_246 : i32
          %get3A_248 = arith.index_cast %add3A_247 : i32 to index
          %get3A_249 = tpu.vector_load %arg6[%get3A_248] {strides = array<i32>} : memref<16384xi32, #tpu.memory_space<vmem>>, vector<16xi32>,
          %gather3A_250 = tpu.vector_load_idx %arg5[%get3A_249] : memref<100000xf32, #tpu.memory_space<vmem>>[vector<16xi32>], vector<16xf32>,
          %add3A_251 = arith.constant 32 : i32
          %add3A_252 = arith.addi %add3A_242, %add3A_251 : i32
          %get3A_253 = arith.index_cast %add3A_252 : i32 to index
          %get3A_254 = tpu.vector_load %arg6[%get3A_253] {strides = array<i32>} : memref<16384xi32, #tpu.memory_space<vmem>>, vector<16xi32>,
          %gather3A_255 = tpu.vector_load_idx %arg5[%get3A_254] : memref<100000xf32, #tpu.memory_space<vmem>>[vector<16xi32>], vector<16xf32>,
          %add3A_256 = arith.constant 48 : i32
          %add3A_257 = arith.addi %add3A_242, %add3A_256 : i32
          %get3A_258 = arith.index_cast %add3A_257 : i32 to index
          %get3A_259 = tpu.vector_load %arg6[%get3A_258] {strides = array<i32>} : memref<16384xi32, #tpu.memory_space<vmem>>, vector<16xi32>,
          %gather3A_260 = tpu.vector_load_idx %arg5[%get3A_259] : memref<100000xf32, #tpu.memory_space<vmem>>[vector<16xi32>], vector<16xf32>,
          %add3A_261 = arith.constant 64 : i32
          %add3A_262 = arith.addi %add3A_242, %add3A_261 : i32
          %get3A_263 = arith.index_cast %add3A_262 : i32 to index
          %get3A_264 = tpu.vector_load %arg6[%get3A_263] {strides = array<i32>} : memref<16384xi32, #tpu.memory_space<vmem>>, vector<16xi32>,
          %gather3A_265 = tpu.vector_load_idx %arg5[%get3A_264] : memref<100000xf32, #tpu.memory_space<vmem>>[vector<16xi32>], vector<16xf32>,
          %add3A_266 = arith.constant 80 : i32
          %add3A_267 = arith.addi %add3A_242, %add3A_266 : i32
          %get3A_268 = arith.index_cast %add3A_267 : i32 to index
          %get3A_269 = tpu.vector_load %arg6[%get3A_268] {strides = array<i32>} : memref<16384xi32, #tpu.memory_space<vmem>>, vector<16xi32>,
          %gather3A_270 = tpu.vector_load_idx %arg5[%get3A_269] : memref<100000xf32, #tpu.memory_space<vmem>>[vector<16xi32>], vector<16xf32>,
          %add3A_271 = arith.constant 96 : i32
          %add3A_272 = arith.addi %add3A_242, %add3A_271 : i32
          %get3A_273 = arith.index_cast %add3A_272 : i32 to index
          %get3A_274 = tpu.vector_load %arg6[%get3A_273] {strides = array<i32>} : memref<16384xi32, #tpu.memory_space<vmem>>, vector<16xi32>,
          %gather3A_275 = tpu.vector_load_idx %arg5[%get3A_274] : memref<100000xf32, #tpu.memory_space<vmem>>[vector<16xi32>], vector<16xf32>,
          %add3A_276 = arith.constant 112 : i32
          %add3A_277 = arith.addi %add3A_242, %add3A_276 : i32
          %get3A_278 = arith.index_cast %add3A_277 : i32 to index
          %get3A_279 = tpu.vector_load %arg6[%get3A_278] {strides = array<i32>} : memref<16384xi32, #tpu.memory_space<vmem>>, vector<16xi32>,
          %gather3A_280 = tpu.vector_load_idx %arg5[%get3A_279] : memref<100000xf32, #tpu.memory_space<vmem>>[vector<16xi32>], vector<16xf32>,
          %mul3A_281 = arith.constant 8 : i32
          %mul3A_282 = arith.muli %scan3A_236, %mul3A_281 : i32
          %mul3A_283 = arith.constant 16 : i32
          %mul3A_284 = arith.muli %mul3A_282, %mul3A_283 : i32
          %add3A_285 = arith.constant 0 : i32
          %add3A_286 = arith.addi %mul3A_284, %add3A_285 : i32
          %swap3A = arith.constant 1 : i32
          %swap3A_287 = arith.index_cast %swap3A : i32 to index
          %swap3A_288 = arith.index_cast %add3A_286 : i32 to index
          %swap3A_289 = tpu.vector_load %arg7[%swap3A_287, %swap3A_288] {strides = array<i32>} : memref<2x4096xf32, #tpu.memory_space<vmem>>, vector<16xf32>,
          tpu.vector_store %arg7[%swap3A_287, %swap3A_288], %gather3A {strides = array<i32>} : memref<2x4096xf32, #tpu.memory_space<vmem>>, vector<16xf32>,
          %add3A_290 = arith.constant 16 : i32
          %add3A_291 = arith.addi %mul3A_284, %add3A_290 : i32
          %swap3A_292 = arith.constant 1 : i32
          %swap3A_293 = arith.index_cast %swap3A_292 : i32 to index
          %swap3A_294 = arith.index_cast %add3A_291 : i32 to index
          %swap3A_295 = tpu.vector_load %arg7[%swap3A_293, %swap3A_294] {strides = array<i32>} : memref<2x4096xf32, #tpu.memory_space<vmem>>, vector<16xf32>,
          tpu.vector_store %arg7[%swap3A_293, %swap3A_294], %gather3A_250 {strides = array<i32>} : memref<2x4096xf32, #tpu.memory_space<vmem>>, vector<16xf32>,
          %add3A_296 = arith.constant 32 : i32
          %add3A_297 = arith.addi %mul3A_284, %add3A_296 : i32
          %swap3A_298 = arith.constant 1 : i32
          %swap3A_299 = arith.index_cast %swap3A_298 : i32 to index
          %swap3A_300 = arith.index_cast %add3A_297 : i32 to index
          %swap3A_301 = tpu.vector_load %arg7[%swap3A_299, %swap3A_300] {strides = array<i32>} : memref<2x4096xf32, #tpu.memory_space<vmem>>, vector<16xf32>,
          tpu.vector_store %arg7[%swap3A_299, %swap3A_300], %gather3A_255 {strides = array<i32>} : memref<2x4096xf32, #tpu.memory_space<vmem>>, vector<16xf32>,
          %add3A_302 = arith.constant 48 : i32
          %add3A_303 = arith.addi %mul3A_284, %add3A_302 : i32
          %swap3A_304 = arith.constant 1 : i32
          %swap3A_305 = arith.index_cast %swap3A_304 : i32 to index
          %swap3A_306 = arith.index_cast %add3A_303 : i32 to index
          %swap3A_307 = tpu.vector_load %arg7[%swap3A_305, %swap3A_306] {strides = array<i32>} : memref<2x4096xf32, #tpu.memory_space<vmem>>, vector<16xf32>,
          tpu.vector_store %arg7[%swap3A_305, %swap3A_306], %gather3A_260 {strides = array<i32>} : memref<2x4096xf32, #tpu.memory_space<vmem>>, vector<16xf32>,
          %add3A_308 = arith.constant 64 : i32
          %add3A_309 = arith.addi %mul3A_284, %add3A_308 : i32
          %swap3A_310 = arith.constant 1 : i32
          %swap3A_311 = arith.index_cast %swap3A_310 : i32 to index
          %swap3A_312 = arith.index_cast %add3A_309 : i32 to index
          %swap3A_313 = tpu.vector_load %arg7[%swap3A_311, %swap3A_312] {strides = array<i32>} : memref<2x4096xf32, #tpu.memory_space<vmem>>, vector<16xf32>,
          tpu.vector_store %arg7[%swap3A_311, %swap3A_312], %gather3A_265 {strides = array<i32>} : memref<2x4096xf32, #tpu.memory_space<vmem>>, vector<16xf32>,
          %add3A_314 = arith.constant 80 : i32
          %add3A_315 = arith.addi %mul3A_284, %add3A_314 : i32
          %swap3A_316 = arith.constant 1 : i32
          %swap3A_317 = arith.index_cast %swap3A_316 : i32 to index
          %swap3A_318 = arith.index_cast %add3A_315 : i32 to index
          %swap3A_319 = tpu.vector_load %arg7[%swap3A_317, %swap3A_318] {strides = array<i32>} : memref<2x4096xf32, #tpu.memory_space<vmem>>, vector<16xf32>,
          tpu.vector_store %arg7[%swap3A_317, %swap3A_318], %gather3A_270 {strides = array<i32>} : memref<2x4096xf32, #tpu.memory_space<vmem>>, vector<16xf32>,
          %add3A_320 = arith.constant 96 : i32
          %add3A_321 = arith.addi %mul3A_284, %add3A_320 : i32
          %swap3A_322 = arith.constant 1 : i32
          %swap3A_323 = arith.index_cast %swap3A_322 : i32 to index
          %swap3A_324 = arith.index_cast %add3A_321 : i32 to index
          %swap3A_325 = tpu.vector_load %arg7[%swap3A_323, %swap3A_324] {strides = array<i32>} : memref<2x4096xf32, #tpu.memory_space<vmem>>, vector<16xf32>,
          tpu.vector_store %arg7[%swap3A_323, %swap3A_324], %gather3A_275 {strides = array<i32>} : memref<2x4096xf32, #tpu.memory_space<vmem>>, vector<16xf32>,
          %add3A_326 = arith.constant 112 : i32
          %add3A_327 = arith.addi %mul3A_284, %add3A_326 : i32
          %swap3A_328 = arith.constant 1 : i32
          %swap3A_329 = arith.index_cast %swap3A_328 : i32 to index
          %swap3A_330 = arith.index_cast %add3A_327 : i32 to index
          %swap3A_331 = tpu.vector_load %arg7[%swap3A_329, %swap3A_330] {strides = array<i32>} : memref<2x4096xf32, #tpu.memory_space<vmem>>, vector<16xf32>,
          tpu.vector_store %arg7[%swap3A_329, %swap3A_330], %gather3A_280 {strides = array<i32>} : memref<2x4096xf32, #tpu.memory_space<vmem>>, vector<16xf32>,
        }
        %scan3A_132 = arith.constant 32 : i32
        %dma_start3A_133 = arith.constant 1 : i32
        %dma_start3A_134 = arith.constant 0 : i32
        %dma_start3A_135 = tpu.memref_slice %arg7[%dma_start3A_133, %dma_start3A_134] : memref<2x4096xf32, #tpu.memory_space<vmem>> -> memref<1x4096xf32, #tpu.memory_space<vmem>>
        %dma_start3A_136 = tpu.memref_squeeze %dma_start3A_135 : memref<1x4096xf32, #tpu.memory_space<vmem>> -> memref<4096xf32, #tpu.memory_space<vmem>>
        %dma_start3A_137 = arith.constant 4096 : i32
        %dma_start3A_138 = tpu.memref_slice %arg4[%add3A_96, %dma_start3A_137] : memref<1300x16384xf32, #tpu.memory_space<hbm>> -> memref<1x4096xf32, #tpu.memory_space<hbm>>
        %dma_start3A_139 = tpu.memref_squeeze %dma_start3A_138 : memref<1x4096xf32, #tpu.memory_space<hbm>> -> memref<4096xf32, #tpu.memory_space<hbm>>
        %dma_start3A_140 = arith.constant 4096 : i32
        %dma_start3A_141 = tpu.memref_slice %arg4[%add3A_96, %dma_start3A_140] : memref<1300x16384xf32, #tpu.memory_space<hbm>> -> memref<1x4096xf32, #tpu.memory_space<hbm>>
        %dma_start3A_142 = tpu.memref_squeeze %dma_start3A_141 : memref<1x4096xf32, #tpu.memory_space<hbm>> -> memref<4096xf32, #tpu.memory_space<hbm>>
        %dma_start3A_143 = arith.constant 0 : i32
        %dma_start3A_144 = tpu.memref_slice %arg7[%dma_start3A_133, %dma_start3A_143] : memref<2x4096xf32, #tpu.memory_space<vmem>> -> memref<1x4096xf32, #tpu.memory_space<vmem>>
        %dma_start3A_145 = tpu.memref_squeeze %dma_start3A_144 : memref<1x4096xf32, #tpu.memory_space<vmem>> -> memref<4096xf32, #tpu.memory_space<vmem>>
        tpu.enqueue_dma source(%dma_start3A_145 : memref<4096xf32, #tpu.memory_space<vmem>>) target(%dma_start3A_142 : memref<4096xf32, #tpu.memory_space<hbm>>) target_semaphore(%arg11 : memref<!tpu.dma_semaphore, #tpu.memory_space<semaphore_mem>>)
        %dma_wait3A_146 = arith.constant 0 : i32
        %dma_wait3A_147 = arith.constant 0 : i32
        %dma_wait3A_148 = tpu.memref_slice %arg7[%dma_wait3A_146, %dma_wait3A_147] : memref<2x4096xf32, #tpu.memory_space<vmem>> -> memref<1x4096xf32, #tpu.memory_space<vmem>>
        %dma_wait3A_149 = tpu.memref_squeeze %dma_wait3A_148 : memref<1x4096xf32, #tpu.memory_space<vmem>> -> memref<4096xf32, #tpu.memory_space<vmem>>
        %dma_wait3A_150 = arith.constant 0 : i32
        %dma_wait3A_151 = tpu.memref_slice %arg4[%add3A_96, %dma_wait3A_150] : memref<1300x16384xf32, #tpu.memory_space<hbm>> -> memref<1x4096xf32, #tpu.memory_space<hbm>>
        %dma_wait3A_152 = tpu.memref_squeeze %dma_wait3A_151 : memref<1x4096xf32, #tpu.memory_space<hbm>> -> memref<4096xf32, #tpu.memory_space<hbm>>
        %dma_wait3A_153 = arith.constant 0 : i32
        %dma_wait3A_154 = tpu.memref_slice %arg4[%add3A_96, %dma_wait3A_153] : memref<1300x16384xf32, #tpu.memory_space<hbm>> -> memref<1x4096xf32, #tpu.memory_space<hbm>>
        %dma_wait3A_155 = tpu.memref_squeeze %dma_wait3A_154 : memref<1x4096xf32, #tpu.memory_space<hbm>> -> memref<4096xf32, #tpu.memory_space<hbm>>
        %dma_wait3A_156 = arith.constant 0 : i32
        %dma_wait3A_157 = tpu.memref_slice %arg7[%dma_wait3A_146, %dma_wait3A_156] : memref<2x4096xf32, #tpu.memory_space<vmem>> -> memref<1x4096xf32, #tpu.memory_space<vmem>>
        %dma_wait3A_158 = tpu.memref_squeeze %dma_wait3A_157 : memref<1x4096xf32, #tpu.memory_space<vmem>> -> memref<4096xf32, #tpu.memory_space<vmem>>
        tpu.wait_dma2 semaphore(%arg10 : memref<!tpu.dma_semaphore, #tpu.memory_space<semaphore_mem>>) src(%dma_wait3A_158 : memref<4096xf32, #tpu.memory_space<vmem>>) dst(%dma_wait3A_155 : memref<4096xf32, #tpu.memory_space<hbm>>)
        %scan3A_159 = arith.constant 0 : i32
        %scan3A_160 = arith.constant 0 : i32
        %scan3A_161 = arith.constant 32 : i32
        %scan3A_162 = arith.addi %scan3A_160, %scan3A_161 : i32
        %scan3A_163 = arith.constant 1 : i32
        scf.for %scan3A_236 = %scan3A_160 to %scan3A_162 step %scan3A_163  : i32 {
          %mul3A_237 = arith.constant 8 : i32
          %mul3A_238 = arith.muli %scan3A_236, %mul3A_237 : i32
          %mul3A_239 = arith.constant 16 : i32
          %mul3A_240 = arith.muli %mul3A_238, %mul3A_239 : i32
          %add3A_241 = arith.constant 8192 : i32
          %add3A_242 = arith.addi %add3A_241, %mul3A_240 : i32
          %add3A_243 = arith.constant 0 : i32
          %add3A_244 = arith.addi %add3A_242, %add3A_243 : i32
          %get3A = arith.index_cast %add3A_244 : i32 to index
          %get3A_245 = tpu.vector_load %arg6[%get3A] {strides = array<i32>} : memref<16384xi32, #tpu.memory_space<vmem>>, vector<16xi32>,
          %gather3A = tpu.vector_load_idx %arg5[%get3A_245] : memref<100000xf32, #tpu.memory_space<vmem>>[vector<16xi32>], vector<16xf32>,
          %add3A_246 = arith.constant 16 : i32
          %add3A_247 = arith.addi %add3A_242, %add3A_246 : i32
          %get3A_248 = arith.index_cast %add3A_247 : i32 to index
          %get3A_249 = tpu.vector_load %arg6[%get3A_248] {strides = array<i32>} : memref<16384xi32, #tpu.memory_space<vmem>>, vector<16xi32>,
          %gather3A_250 = tpu.vector_load_idx %arg5[%get3A_249] : memref<100000xf32, #tpu.memory_space<vmem>>[vector<16xi32>], vector<16xf32>,
          %add3A_251 = arith.constant 32 : i32
          %add3A_252 = arith.addi %add3A_242, %add3A_251 : i32
          %get3A_253 = arith.index_cast %add3A_252 : i32 to index
          %get3A_254 = tpu.vector_load %arg6[%get3A_253] {strides = array<i32>} : memref<16384xi32, #tpu.memory_space<vmem>>, vector<16xi32>,
          %gather3A_255 = tpu.vector_load_idx %arg5[%get3A_254] : memref<100000xf32, #tpu.memory_space<vmem>>[vector<16xi32>], vector<16xf32>,
          %add3A_256 = arith.constant 48 : i32
          %add3A_257 = arith.addi %add3A_242, %add3A_256 : i32
          %get3A_258 = arith.index_cast %add3A_257 : i32 to index
          %get3A_259 = tpu.vector_load %arg6[%get3A_258] {strides = array<i32>} : memref<16384xi32, #tpu.memory_space<vmem>>, vector<16xi32>,
          %gather3A_260 = tpu.vector_load_idx %arg5[%get3A_259] : memref<100000xf32, #tpu.memory_space<vmem>>[vector<16xi32>], vector<16xf32>,
          %add3A_261 = arith.constant 64 : i32
          %add3A_262 = arith.addi %add3A_242, %add3A_261 : i32
          %get3A_263 = arith.index_cast %add3A_262 : i32 to index
          %get3A_264 = tpu.vector_load %arg6[%get3A_263] {strides = array<i32>} : memref<16384xi32, #tpu.memory_space<vmem>>, vector<16xi32>,
          %gather3A_265 = tpu.vector_load_idx %arg5[%get3A_264] : memref<100000xf32, #tpu.memory_space<vmem>>[vector<16xi32>], vector<16xf32>,
          %add3A_266 = arith.constant 80 : i32
          %add3A_267 = arith.addi %add3A_242, %add3A_266 : i32
          %get3A_268 = arith.index_cast %add3A_267 : i32 to index
          %get3A_269 = tpu.vector_load %arg6[%get3A_268] {strides = array<i32>} : memref<16384xi32, #tpu.memory_space<vmem>>, vector<16xi32>,
          %gather3A_270 = tpu.vector_load_idx %arg5[%get3A_269] : memref<100000xf32, #tpu.memory_space<vmem>>[vector<16xi32>], vector<16xf32>,
          %add3A_271 = arith.constant 96 : i32
          %add3A_272 = arith.addi %add3A_242, %add3A_271 : i32
          %get3A_273 = arith.index_cast %add3A_272 : i32 to index
          %get3A_274 = tpu.vector_load %arg6[%get3A_273] {strides = array<i32>} : memref<16384xi32, #tpu.memory_space<vmem>>, vector<16xi32>,
          %gather3A_275 = tpu.vector_load_idx %arg5[%get3A_274] : memref<100000xf32, #tpu.memory_space<vmem>>[vector<16xi32>], vector<16xf32>,
          %add3A_276 = arith.constant 112 : i32
          %add3A_277 = arith.addi %add3A_242, %add3A_276 : i32
          %get3A_278 = arith.index_cast %add3A_277 : i32 to index
          %get3A_279 = tpu.vector_load %arg6[%get3A_278] {strides = array<i32>} : memref<16384xi32, #tpu.memory_space<vmem>>, vector<16xi32>,
          %gather3A_280 = tpu.vector_load_idx %arg5[%get3A_279] : memref<100000xf32, #tpu.memory_space<vmem>>[vector<16xi32>], vector<16xf32>,
          %mul3A_281 = arith.constant 8 : i32
          %mul3A_282 = arith.muli %scan3A_236, %mul3A_281 : i32
          %mul3A_283 = arith.constant 16 : i32
          %mul3A_284 = arith.muli %mul3A_282, %mul3A_283 : i32
          %add3A_285 = arith.constant 0 : i32
          %add3A_286 = arith.addi %mul3A_284, %add3A_285 : i32
          %swap3A = arith.constant 0 : i32
          %swap3A_287 = arith.index_cast %swap3A : i32 to index
          %swap3A_288 = arith.index_cast %add3A_286 : i32 to index
          %swap3A_289 = tpu.vector_load %arg7[%swap3A_287, %swap3A_288] {strides = array<i32>} : memref<2x4096xf32, #tpu.memory_space<vmem>>, vector<16xf32>,
          tpu.vector_store %arg7[%swap3A_287, %swap3A_288], %gather3A {strides = array<i32>} : memref<2x4096xf32, #tpu.memory_space<vmem>>, vector<16xf32>,
          %add3A_290 = arith.constant 16 : i32
          %add3A_291 = arith.addi %mul3A_284, %add3A_290 : i32
          %swap3A_292 = arith.constant 0 : i32
          %swap3A_293 = arith.index_cast %swap3A_292 : i32 to index
          %swap3A_294 = arith.index_cast %add3A_291 : i32 to index
          %swap3A_295 = tpu.vector_load %arg7[%swap3A_293, %swap3A_294] {strides = array<i32>} : memref<2x4096xf32, #tpu.memory_space<vmem>>, vector<16xf32>,
          tpu.vector_store %arg7[%swap3A_293, %swap3A_294], %gather3A_250 {strides = array<i32>} : memref<2x4096xf32, #tpu.memory_space<vmem>>, vector<16xf32>,
          %add3A_296 = arith.constant 32 : i32
          %add3A_297 = arith.addi %mul3A_284, %add3A_296 : i32
          %swap3A_298 = arith.constant 0 : i32
          %swap3A_299 = arith.index_cast %swap3A_298 : i32 to index
          %swap3A_300 = arith.index_cast %add3A_297 : i32 to index
          %swap3A_301 = tpu.vector_load %arg7[%swap3A_299, %swap3A_300] {strides = array<i32>} : memref<2x4096xf32, #tpu.memory_space<vmem>>, vector<16xf32>,
          tpu.vector_store %arg7[%swap3A_299, %swap3A_300], %gather3A_255 {strides = array<i32>} : memref<2x4096xf32, #tpu.memory_space<vmem>>, vector<16xf32>,
          %add3A_302 = arith.constant 48 : i32
          %add3A_303 = arith.addi %mul3A_284, %add3A_302 : i32
          %swap3A_304 = arith.constant 0 : i32
          %swap3A_305 = arith.index_cast %swap3A_304 : i32 to index
          %swap3A_306 = arith.index_cast %add3A_303 : i32 to index
          %swap3A_307 = tpu.vector_load %arg7[%swap3A_305, %swap3A_306] {strides = array<i32>} : memref<2x4096xf32, #tpu.memory_space<vmem>>, vector<16xf32>,
          tpu.vector_store %arg7[%swap3A_305, %swap3A_306], %gather3A_260 {strides = array<i32>} : memref<2x4096xf32, #tpu.memory_space<vmem>>, vector<16xf32>,
          %add3A_308 = arith.constant 64 : i32
          %add3A_309 = arith.addi %mul3A_284, %add3A_308 : i32
          %swap3A_310 = arith.constant 0 : i32
          %swap3A_311 = arith.index_cast %swap3A_310 : i32 to index
          %swap3A_312 = arith.index_cast %add3A_309 : i32 to index
          %swap3A_313 = tpu.vector_load %arg7[%swap3A_311, %swap3A_312] {strides = array<i32>} : memref<2x4096xf32, #tpu.memory_space<vmem>>, vector<16xf32>,
          tpu.vector_store %arg7[%swap3A_311, %swap3A_312], %gather3A_265 {strides = array<i32>} : memref<2x4096xf32, #tpu.memory_space<vmem>>, vector<16xf32>,
          %add3A_314 = arith.constant 80 : i32
          %add3A_315 = arith.addi %mul3A_284, %add3A_314 : i32
          %swap3A_316 = arith.constant 0 : i32
          %swap3A_317 = arith.index_cast %swap3A_316 : i32 to index
          %swap3A_318 = arith.index_cast %add3A_315 : i32 to index
          %swap3A_319 = tpu.vector_load %arg7[%swap3A_317, %swap3A_318] {strides = array<i32>} : memref<2x4096xf32, #tpu.memory_space<vmem>>, vector<16xf32>,
          tpu.vector_store %arg7[%swap3A_317, %swap3A_318], %gather3A_270 {strides = array<i32>} : memref<2x4096xf32, #tpu.memory_space<vmem>>, vector<16xf32>,
          %add3A_320 = arith.constant 96 : i32
          %add3A_321 = arith.addi %mul3A_284, %add3A_320 : i32
          %swap3A_322 = arith.constant 0 : i32
          %swap3A_323 = arith.index_cast %swap3A_322 : i32 to index
          %swap3A_324 = arith.index_cast %add3A_321 : i32 to index
          %swap3A_325 = tpu.vector_load %arg7[%swap3A_323, %swap3A_324] {strides = array<i32>} : memref<2x4096xf32, #tpu.memory_space<vmem>>, vector<16xf32>,
          tpu.vector_store %arg7[%swap3A_323, %swap3A_324], %gather3A_275 {strides = array<i32>} : memref<2x4096xf32, #tpu.memory_space<vmem>>, vector<16xf32>,
          %add3A_326 = arith.constant 112 : i32
          %add3A_327 = arith.addi %mul3A_284, %add3A_326 : i32
          %swap3A_328 = arith.constant 0 : i32
          %swap3A_329 = arith.index_cast %swap3A_328 : i32 to index
          %swap3A_330 = arith.index_cast %add3A_327 : i32 to index
          %swap3A_331 = tpu.vector_load %arg7[%swap3A_329, %swap3A_330] {strides = array<i32>} : memref<2x4096xf32, #tpu.memory_space<vmem>>, vector<16xf32>,
          tpu.vector_store %arg7[%swap3A_329, %swap3A_330], %gather3A_280 {strides = array<i32>} : memref<2x4096xf32, #tpu.memory_space<vmem>>, vector<16xf32>,
        }
        %scan3A_164 = arith.constant 32 : i32
        %dma_start3A_165 = arith.constant 0 : i32
        %dma_start3A_166 = arith.constant 0 : i32
        %dma_start3A_167 = tpu.memref_slice %arg7[%dma_start3A_165, %dma_start3A_166] : memref<2x4096xf32, #tpu.memory_space<vmem>> -> memref<1x4096xf32, #tpu.memory_space<vmem>>
        %dma_start3A_168 = tpu.memref_squeeze %dma_start3A_167 : memref<1x4096xf32, #tpu.memory_space<vmem>> -> memref<4096xf32, #tpu.memory_space<vmem>>
        %dma_start3A_169 = arith.constant 8192 : i32
        %dma_start3A_170 = tpu.memref_slice %arg4[%add3A_96, %dma_start3A_169] : memref<1300x16384xf32, #tpu.memory_space<hbm>> -> memref<1x4096xf32, #tpu.memory_space<hbm>>
        %dma_start3A_171 = tpu.memref_squeeze %dma_start3A_170 : memref<1x4096xf32, #tpu.memory_space<hbm>> -> memref<4096xf32, #tpu.memory_space<hbm>>
        %dma_start3A_172 = arith.constant 8192 : i32
        %dma_start3A_173 = tpu.memref_slice %arg4[%add3A_96, %dma_start3A_172] : memref<1300x16384xf32, #tpu.memory_space<hbm>> -> memref<1x4096xf32, #tpu.memory_space<hbm>>
        %dma_start3A_174 = tpu.memref_squeeze %dma_start3A_173 : memref<1x4096xf32, #tpu.memory_space<hbm>> -> memref<4096xf32, #tpu.memory_space<hbm>>
        %dma_start3A_175 = arith.constant 0 : i32
        %dma_start3A_176 = tpu.memref_slice %arg7[%dma_start3A_165, %dma_start3A_175] : memref<2x4096xf32, #tpu.memory_space<vmem>> -> memref<1x4096xf32, #tpu.memory_space<vmem>>
        %dma_start3A_177 = tpu.memref_squeeze %dma_start3A_176 : memref<1x4096xf32, #tpu.memory_space<vmem>> -> memref<4096xf32, #tpu.memory_space<vmem>>
        tpu.enqueue_dma source(%dma_start3A_177 : memref<4096xf32, #tpu.memory_space<vmem>>) target(%dma_start3A_174 : memref<4096xf32, #tpu.memory_space<hbm>>) target_semaphore(%arg10 : memref<!tpu.dma_semaphore, #tpu.memory_space<semaphore_mem>>)
        %dma_wait3A_178 = arith.constant 1 : i32
        %dma_wait3A_179 = arith.constant 0 : i32
        %dma_wait3A_180 = tpu.memref_slice %arg7[%dma_wait3A_178, %dma_wait3A_179] : memref<2x4096xf32, #tpu.memory_space<vmem>> -> memref<1x4096xf32, #tpu.memory_space<vmem>>
        %dma_wait3A_181 = tpu.memref_squeeze %dma_wait3A_180 : memref<1x4096xf32, #tpu.memory_space<vmem>> -> memref<4096xf32, #tpu.memory_space<vmem>>
        %dma_wait3A_182 = arith.constant 4096 : i32
        %dma_wait3A_183 = tpu.memref_slice %arg4[%add3A_96, %dma_wait3A_182] : memref<1300x16384xf32, #tpu.memory_space<hbm>> -> memref<1x4096xf32, #tpu.memory_space<hbm>>
        %dma_wait3A_184 = tpu.memref_squeeze %dma_wait3A_183 : memref<1x4096xf32, #tpu.memory_space<hbm>> -> memref<4096xf32, #tpu.memory_space<hbm>>
        %dma_wait3A_185 = arith.constant 4096 : i32
        %dma_wait3A_186 = tpu.memref_slice %arg4[%add3A_96, %dma_wait3A_185] : memref<1300x16384xf32, #tpu.memory_space<hbm>> -> memref<1x4096xf32, #tpu.memory_space<hbm>>
        %dma_wait3A_187 = tpu.memref_squeeze %dma_wait3A_186 : memref<1x4096xf32, #tpu.memory_space<hbm>> -> memref<4096xf32, #tpu.memory_space<hbm>>
        %dma_wait3A_188 = arith.constant 0 : i32
        %dma_wait3A_189 = tpu.memref_slice %arg7[%dma_wait3A_178, %dma_wait3A_188] : memref<2x4096xf32, #tpu.memory_space<vmem>> -> memref<1x4096xf32, #tpu.memory_space<vmem>>
        %dma_wait3A_190 = tpu.memref_squeeze %dma_wait3A_189 : memref<1x4096xf32, #tpu.memory_space<vmem>> -> memref<4096xf32, #tpu.memory_space<vmem>>
        tpu.wait_dma2 semaphore(%arg11 : memref<!tpu.dma_semaphore, #tpu.memory_space<semaphore_mem>>) src(%dma_wait3A_190 : memref<4096xf32, #tpu.memory_space<vmem>>) dst(%dma_wait3A_187 : memref<4096xf32, #tpu.memory_space<hbm>>)
        %scan3A_191 = arith.constant 0 : i32
        %scan3A_192 = arith.constant 0 : i32
        %scan3A_193 = arith.constant 32 : i32
        %scan3A_194 = arith.addi %scan3A_192, %scan3A_193 : i32
        %scan3A_195 = arith.constant 1 : i32
        scf.for %scan3A_236 = %scan3A_192 to %scan3A_194 step %scan3A_195  : i32 {
          %mul3A_237 = arith.constant 8 : i32
          %mul3A_238 = arith.muli %scan3A_236, %mul3A_237 : i32
          %mul3A_239 = arith.constant 16 : i32
          %mul3A_240 = arith.muli %mul3A_238, %mul3A_239 : i32
          %add3A_241 = arith.constant 12288 : i32
          %add3A_242 = arith.addi %add3A_241, %mul3A_240 : i32
          %add3A_243 = arith.constant 0 : i32
          %add3A_244 = arith.addi %add3A_242, %add3A_243 : i32
          %get3A = arith.index_cast %add3A_244 : i32 to index
          %get3A_245 = tpu.vector_load %arg6[%get3A] {strides = array<i32>} : memref<16384xi32, #tpu.memory_space<vmem>>, vector<16xi32>,
          %gather3A = tpu.vector_load_idx %arg5[%get3A_245] : memref<100000xf32, #tpu.memory_space<vmem>>[vector<16xi32>], vector<16xf32>,
          %add3A_246 = arith.constant 16 : i32
          %add3A_247 = arith.addi %add3A_242, %add3A_246 : i32
          %get3A_248 = arith.index_cast %add3A_247 : i32 to index
          %get3A_249 = tpu.vector_load %arg6[%get3A_248] {strides = array<i32>} : memref<16384xi32, #tpu.memory_space<vmem>>, vector<16xi32>,
          %gather3A_250 = tpu.vector_load_idx %arg5[%get3A_249] : memref<100000xf32, #tpu.memory_space<vmem>>[vector<16xi32>], vector<16xf32>,
          %add3A_251 = arith.constant 32 : i32
          %add3A_252 = arith.addi %add3A_242, %add3A_251 : i32
          %get3A_253 = arith.index_cast %add3A_252 : i32 to index
          %get3A_254 = tpu.vector_load %arg6[%get3A_253] {strides = array<i32>} : memref<16384xi32, #tpu.memory_space<vmem>>, vector<16xi32>,
          %gather3A_255 = tpu.vector_load_idx %arg5[%get3A_254] : memref<100000xf32, #tpu.memory_space<vmem>>[vector<16xi32>], vector<16xf32>,
          %add3A_256 = arith.constant 48 : i32
          %add3A_257 = arith.addi %add3A_242, %add3A_256 : i32
          %get3A_258 = arith.index_cast %add3A_257 : i32 to index
          %get3A_259 = tpu.vector_load %arg6[%get3A_258] {strides = array<i32>} : memref<16384xi32, #tpu.memory_space<vmem>>, vector<16xi32>,
          %gather3A_260 = tpu.vector_load_idx %arg5[%get3A_259] : memref<100000xf32, #tpu.memory_space<vmem>>[vector<16xi32>], vector<16xf32>,
          %add3A_261 = arith.constant 64 : i32
          %add3A_262 = arith.addi %add3A_242, %add3A_261 : i32
          %get3A_263 = arith.index_cast %add3A_262 : i32 to index
          %get3A_264 = tpu.vector_load %arg6[%get3A_263] {strides = array<i32>} : memref<16384xi32, #tpu.memory_space<vmem>>, vector<16xi32>,
          %gather3A_265 = tpu.vector_load_idx %arg5[%get3A_264] : memref<100000xf32, #tpu.memory_space<vmem>>[vector<16xi32>], vector<16xf32>,
          %add3A_266 = arith.constant 80 : i32
          %add3A_267 = arith.addi %add3A_242, %add3A_266 : i32
          %get3A_268 = arith.index_cast %add3A_267 : i32 to index
          %get3A_269 = tpu.vector_load %arg6[%get3A_268] {strides = array<i32>} : memref<16384xi32, #tpu.memory_space<vmem>>, vector<16xi32>,
          %gather3A_270 = tpu.vector_load_idx %arg5[%get3A_269] : memref<100000xf32, #tpu.memory_space<vmem>>[vector<16xi32>], vector<16xf32>,
          %add3A_271 = arith.constant 96 : i32
          %add3A_272 = arith.addi %add3A_242, %add3A_271 : i32
          %get3A_273 = arith.index_cast %add3A_272 : i32 to index
          %get3A_274 = tpu.vector_load %arg6[%get3A_273] {strides = array<i32>} : memref<16384xi32, #tpu.memory_space<vmem>>, vector<16xi32>,
          %gather3A_275 = tpu.vector_load_idx %arg5[%get3A_274] : memref<100000xf32, #tpu.memory_space<vmem>>[vector<16xi32>], vector<16xf32>,
          %add3A_276 = arith.constant 112 : i32
          %add3A_277 = arith.addi %add3A_242, %add3A_276 : i32
          %get3A_278 = arith.index_cast %add3A_277 : i32 to index
          %get3A_279 = tpu.vector_load %arg6[%get3A_278] {strides = array<i32>} : memref<16384xi32, #tpu.memory_space<vmem>>, vector<16xi32>,
          %gather3A_280 = tpu.vector_load_idx %arg5[%get3A_279] : memref<100000xf32, #tpu.memory_space<vmem>>[vector<16xi32>], vector<16xf32>,
          %mul3A_281 = arith.constant 8 : i32
          %mul3A_282 = arith.muli %scan3A_236, %mul3A_281 : i32
          %mul3A_283 = arith.constant 16 : i32
          %mul3A_284 = arith.muli %mul3A_282, %mul3A_283 : i32
          %add3A_285 = arith.constant 0 : i32
          %add3A_286 = arith.addi %mul3A_284, %add3A_285 : i32
          %swap3A = arith.constant 1 : i32
          %swap3A_287 = arith.index_cast %swap3A : i32 to index
          %swap3A_288 = arith.index_cast %add3A_286 : i32 to index
          %swap3A_289 = tpu.vector_load %arg7[%swap3A_287, %swap3A_288] {strides = array<i32>} : memref<2x4096xf32, #tpu.memory_space<vmem>>, vector<16xf32>,
          tpu.vector_store %arg7[%swap3A_287, %swap3A_288], %gather3A {strides = array<i32>} : memref<2x4096xf32, #tpu.memory_space<vmem>>, vector<16xf32>,
          %add3A_290 = arith.constant 16 : i32
          %add3A_291 = arith.addi %mul3A_284, %add3A_290 : i32
          %swap3A_292 = arith.constant 1 : i32
          %swap3A_293 = arith.index_cast %swap3A_292 : i32 to index
          %swap3A_294 = arith.index_cast %add3A_291 : i32 to index
          %swap3A_295 = tpu.vector_load %arg7[%swap3A_293, %swap3A_294] {strides = array<i32>} : memref<2x4096xf32, #tpu.memory_space<vmem>>, vector<16xf32>,
          tpu.vector_store %arg7[%swap3A_293, %swap3A_294], %gather3A_250 {strides = array<i32>} : memref<2x4096xf32, #tpu.memory_space<vmem>>, vector<16xf32>,
          %add3A_296 = arith.constant 32 : i32
          %add3A_297 = arith.addi %mul3A_284, %add3A_296 : i32
          %swap3A_298 = arith.constant 1 : i32
          %swap3A_299 = arith.index_cast %swap3A_298 : i32 to index
          %swap3A_300 = arith.index_cast %add3A_297 : i32 to index
          %swap3A_301 = tpu.vector_load %arg7[%swap3A_299, %swap3A_300] {strides = array<i32>} : memref<2x4096xf32, #tpu.memory_space<vmem>>, vector<16xf32>,
          tpu.vector_store %arg7[%swap3A_299, %swap3A_300], %gather3A_255 {strides = array<i32>} : memref<2x4096xf32, #tpu.memory_space<vmem>>, vector<16xf32>,
          %add3A_302 = arith.constant 48 : i32
          %add3A_303 = arith.addi %mul3A_284, %add3A_302 : i32
          %swap3A_304 = arith.constant 1 : i32
          %swap3A_305 = arith.index_cast %swap3A_304 : i32 to index
          %swap3A_306 = arith.index_cast %add3A_303 : i32 to index
          %swap3A_307 = tpu.vector_load %arg7[%swap3A_305, %swap3A_306] {strides = array<i32>} : memref<2x4096xf32, #tpu.memory_space<vmem>>, vector<16xf32>,
          tpu.vector_store %arg7[%swap3A_305, %swap3A_306], %gather3A_260 {strides = array<i32>} : memref<2x4096xf32, #tpu.memory_space<vmem>>, vector<16xf32>,
          %add3A_308 = arith.constant 64 : i32
          %add3A_309 = arith.addi %mul3A_284, %add3A_308 : i32
          %swap3A_310 = arith.constant 1 : i32
          %swap3A_311 = arith.index_cast %swap3A_310 : i32 to index
          %swap3A_312 = arith.index_cast %add3A_309 : i32 to index
          %swap3A_313 = tpu.vector_load %arg7[%swap3A_311, %swap3A_312] {strides = array<i32>} : memref<2x4096xf32, #tpu.memory_space<vmem>>, vector<16xf32>,
          tpu.vector_store %arg7[%swap3A_311, %swap3A_312], %gather3A_265 {strides = array<i32>} : memref<2x4096xf32, #tpu.memory_space<vmem>>, vector<16xf32>,
          %add3A_314 = arith.constant 80 : i32
          %add3A_315 = arith.addi %mul3A_284, %add3A_314 : i32
          %swap3A_316 = arith.constant 1 : i32
          %swap3A_317 = arith.index_cast %swap3A_316 : i32 to index
          %swap3A_318 = arith.index_cast %add3A_315 : i32 to index
          %swap3A_319 = tpu.vector_load %arg7[%swap3A_317, %swap3A_318] {strides = array<i32>} : memref<2x4096xf32, #tpu.memory_space<vmem>>, vector<16xf32>,
          tpu.vector_store %arg7[%swap3A_317, %swap3A_318], %gather3A_270 {strides = array<i32>} : memref<2x4096xf32, #tpu.memory_space<vmem>>, vector<16xf32>,
          %add3A_320 = arith.constant 96 : i32
          %add3A_321 = arith.addi %mul3A_284, %add3A_320 : i32
          %swap3A_322 = arith.constant 1 : i32
          %swap3A_323 = arith.index_cast %swap3A_322 : i32 to index
          %swap3A_324 = arith.index_cast %add3A_321 : i32 to index
          %swap3A_325 = tpu.vector_load %arg7[%swap3A_323, %swap3A_324] {strides = array<i32>} : memref<2x4096xf32, #tpu.memory_space<vmem>>, vector<16xf32>,
          tpu.vector_store %arg7[%swap3A_323, %swap3A_324], %gather3A_275 {strides = array<i32>} : memref<2x4096xf32, #tpu.memory_space<vmem>>, vector<16xf32>,
          %add3A_326 = arith.constant 112 : i32
          %add3A_327 = arith.addi %mul3A_284, %add3A_326 : i32
          %swap3A_328 = arith.constant 1 : i32
          %swap3A_329 = arith.index_cast %swap3A_328 : i32 to index
          %swap3A_330 = arith.index_cast %add3A_327 : i32 to index
          %swap3A_331 = tpu.vector_load %arg7[%swap3A_329, %swap3A_330] {strides = array<i32>} : memref<2x4096xf32, #tpu.memory_space<vmem>>, vector<16xf32>,
          tpu.vector_store %arg7[%swap3A_329, %swap3A_330], %gather3A_280 {strides = array<i32>} : memref<2x4096xf32, #tpu.memory_space<vmem>>, vector<16xf32>,
        }
        %scan3A_196 = arith.constant 32 : i32
        %dma_start3A_197 = arith.constant 1 : i32
        %dma_start3A_198 = arith.constant 0 : i32
        %dma_start3A_199 = tpu.memref_slice %arg7[%dma_start3A_197, %dma_start3A_198] : memref<2x4096xf32, #tpu.memory_space<vmem>> -> memref<1x4096xf32, #tpu.memory_space<vmem>>
        %dma_start3A_200 = tpu.memref_squeeze %dma_start3A_199 : memref<1x4096xf32, #tpu.memory_space<vmem>> -> memref<4096xf32, #tpu.memory_space<vmem>>
        %dma_start3A_201 = arith.constant 12288 : i32
        %dma_start3A_202 = tpu.memref_slice %arg4[%add3A_96, %dma_start3A_201] : memref<1300x16384xf32, #tpu.memory_space<hbm>> -> memref<1x4096xf32, #tpu.memory_space<hbm>>
        %dma_start3A_203 = tpu.memref_squeeze %dma_start3A_202 : memref<1x4096xf32, #tpu.memory_space<hbm>> -> memref<4096xf32, #tpu.memory_space<hbm>>
        %dma_start3A_204 = arith.constant 12288 : i32
        %dma_start3A_205 = tpu.memref_slice %arg4[%add3A_96, %dma_start3A_204] : memref<1300x16384xf32, #tpu.memory_space<hbm>> -> memref<1x4096xf32, #tpu.memory_space<hbm>>
        %dma_start3A_206 = tpu.memref_squeeze %dma_start3A_205 : memref<1x4096xf32, #tpu.memory_space<hbm>> -> memref<4096xf32, #tpu.memory_space<hbm>>
        %dma_start3A_207 = arith.constant 0 : i32
        %dma_start3A_208 = tpu.memref_slice %arg7[%dma_start3A_197, %dma_start3A_207] : memref<2x4096xf32, #tpu.memory_space<vmem>> -> memref<1x4096xf32, #tpu.memory_space<vmem>>
        %dma_start3A_209 = tpu.memref_squeeze %dma_start3A_208 : memref<1x4096xf32, #tpu.memory_space<vmem>> -> memref<4096xf32, #tpu.memory_space<vmem>>
        tpu.enqueue_dma source(%dma_start3A_209 : memref<4096xf32, #tpu.memory_space<vmem>>) target(%dma_start3A_206 : memref<4096xf32, #tpu.memory_space<hbm>>) target_semaphore(%arg11 : memref<!tpu.dma_semaphore, #tpu.memory_space<semaphore_mem>>)
        %dma_wait3A_210 = arith.constant 0 : i32
        %dma_wait3A_211 = arith.constant 0 : i32
        %dma_wait3A_212 = tpu.memref_slice %arg7[%dma_wait3A_210, %dma_wait3A_211] : memref<2x4096xf32, #tpu.memory_space<vmem>> -> memref<1x4096xf32, #tpu.memory_space<vmem>>
        %dma_wait3A_213 = tpu.memref_squeeze %dma_wait3A_212 : memref<1x4096xf32, #tpu.memory_space<vmem>> -> memref<4096xf32, #tpu.memory_space<vmem>>
        %dma_wait3A_214 = arith.constant 8192 : i32
        %dma_wait3A_215 = tpu.memref_slice %arg4[%add3A_96, %dma_wait3A_214] : memref<1300x16384xf32, #tpu.memory_space<hbm>> -> memref<1x4096xf32, #tpu.memory_space<hbm>>
        %dma_wait3A_216 = tpu.memref_squeeze %dma_wait3A_215 : memref<1x4096xf32, #tpu.memory_space<hbm>> -> memref<4096xf32, #tpu.memory_space<hbm>>
        %dma_wait3A_217 = arith.constant 8192 : i32
        %dma_wait3A_218 = tpu.memref_slice %arg4[%add3A_96, %dma_wait3A_217] : memref<1300x16384xf32, #tpu.memory_space<hbm>> -> memref<1x4096xf32, #tpu.memory_space<hbm>>
        %dma_wait3A_219 = tpu.memref_squeeze %dma_wait3A_218 : memref<1x4096xf32, #tpu.memory_space<hbm>> -> memref<4096xf32, #tpu.memory_space<hbm>>
        %dma_wait3A_220 = arith.constant 0 : i32
        %dma_wait3A_221 = tpu.memref_slice %arg7[%dma_wait3A_210, %dma_wait3A_220] : memref<2x4096xf32, #tpu.memory_space<vmem>> -> memref<1x4096xf32, #tpu.memory_space<vmem>>
        %dma_wait3A_222 = tpu.memref_squeeze %dma_wait3A_221 : memref<1x4096xf32, #tpu.memory_space<vmem>> -> memref<4096xf32, #tpu.memory_space<vmem>>
        tpu.wait_dma2 semaphore(%arg10 : memref<!tpu.dma_semaphore, #tpu.memory_space<semaphore_mem>>) src(%dma_wait3A_222 : memref<4096xf32, #tpu.memory_space<vmem>>) dst(%dma_wait3A_219 : memref<4096xf32, #tpu.memory_space<hbm>>)
        %dma_wait3A_223 = arith.constant 1 : i32
        %dma_wait3A_224 = arith.constant 0 : i32
        %dma_wait3A_225 = tpu.memref_slice %arg7[%dma_wait3A_223, %dma_wait3A_224] : memref<2x4096xf32, #tpu.memory_space<vmem>> -> memref<1x4096xf32, #tpu.memory_space<vmem>>
        %dma_wait3A_226 = tpu.memref_squeeze %dma_wait3A_225 : memref<1x4096xf32, #tpu.memory_space<vmem>> -> memref<4096xf32, #tpu.memory_space<vmem>>
        %dma_wait3A_227 = arith.constant 12288 : i32
        %dma_wait3A_228 = tpu.memref_slice %arg4[%add3A_96, %dma_wait3A_227] : memref<1300x16384xf32, #tpu.memory_space<hbm>> -> memref<1x4096xf32, #tpu.memory_space<hbm>>
        %dma_wait3A_229 = tpu.memref_squeeze %dma_wait3A_228 : memref<1x4096xf32, #tpu.memory_space<hbm>> -> memref<4096xf32, #tpu.memory_space<hbm>>
        %dma_wait3A_230 = arith.constant 12288 : i32
        %dma_wait3A_231 = tpu.memref_slice %arg4[%add3A_96, %dma_wait3A_230] : memref<1300x16384xf32, #tpu.memory_space<hbm>> -> memref<1x4096xf32, #tpu.memory_space<hbm>>
        %dma_wait3A_232 = tpu.memref_squeeze %dma_wait3A_231 : memref<1x4096xf32, #tpu.memory_space<hbm>> -> memref<4096xf32, #tpu.memory_space<hbm>>
        %dma_wait3A_233 = arith.constant 0 : i32
        %dma_wait3A_234 = tpu.memref_slice %arg7[%dma_wait3A_223, %dma_wait3A_233] : memref<2x4096xf32, #tpu.memory_space<vmem>> -> memref<1x4096xf32, #tpu.memory_space<vmem>>
        %dma_wait3A_235 = tpu.memref_squeeze %dma_wait3A_234 : memref<1x4096xf32, #tpu.memory_space<vmem>> -> memref<4096xf32, #tpu.memory_space<vmem>>
        tpu.wait_dma2 semaphore(%arg11 : memref<!tpu.dma_semaphore, #tpu.memory_space<semaphore_mem>>) src(%dma_wait3A_235 : memref<4096xf32, #tpu.memory_space<vmem>>) dst(%dma_wait3A_232 : memref<4096xf32, #tpu.memory_space<hbm>>)
      }
      %while3A_92 = arith.constant 1 : i32
      scf.for %while3A_93 = %while3A_90 to %while3A_86 step %while3A_92  : i32 {
        %mul3A_94 = arith.constant 50 : i32
        %mul3A_95 = arith.muli %while3A_64, %mul3A_94 : i32
        %add3A_96 = arith.addi %mul3A_95, %while3A_93 : i32
        %dma_start3A_97 = arith.constant 0 : i32
        %dma_start3A_98 = tpu.memref_slice %arg2[%while3A_64, %while3A_93, %dma_start3A_97] : memref<26x50x100000xf32, #tpu.memory_space<hbm>> -> memref<1x1x100000xf32, #tpu.memory_space<hbm>>
        %dma_start3A_99 = tpu.memref_squeeze %dma_start3A_98 : memref<1x1x100000xf32, #tpu.memory_space<hbm>> -> memref<100000xf32, #tpu.memory_space<hbm>>
        %dma_start3A_100 = arith.constant 0 : i32
        %dma_start3A_101 = tpu.memref_slice %arg2[%while3A_64, %while3A_93, %dma_start3A_100] : memref<26x50x100000xf32, #tpu.memory_space<hbm>> -> memref<1x1x100000xf32, #tpu.memory_space<hbm>>
        %dma_start3A_102 = tpu.memref_squeeze %dma_start3A_101 : memref<1x1x100000xf32, #tpu.memory_space<hbm>> -> memref<100000xf32, #tpu.memory_space<hbm>>
        tpu.enqueue_dma source(%dma_start3A_102 : memref<100000xf32, #tpu.memory_space<hbm>>) target(%arg5 : memref<100000xf32, #tpu.memory_space<vmem>>) target_semaphore(%arg8 : memref<!tpu.dma_semaphore, #tpu.memory_space<semaphore_mem>>)
        %dma_wait3A_103 = arith.constant 0 : i32
        %dma_wait3A_104 = tpu.memref_slice %arg2[%while3A_64, %while3A_93, %dma_wait3A_103] : memref<26x50x100000xf32, #tpu.memory_space<hbm>> -> memref<1x1x100000xf32, #tpu.memory_space<hbm>>
        %dma_wait3A_105 = tpu.memref_squeeze %dma_wait3A_104 : memref<1x1x100000xf32, #tpu.memory_space<hbm>> -> memref<100000xf32, #tpu.memory_space<hbm>>
        %dma_wait3A_106 = arith.constant 0 : i32
        %dma_wait3A_107 = tpu.memref_slice %arg2[%while3A_64, %while3A_93, %dma_wait3A_106] : memref<26x50x100000xf32, #tpu.memory_space<hbm>> -> memref<1x1x100000xf32, #tpu.memory_space<hbm>>
        %dma_wait3A_108 = tpu.memref_squeeze %dma_wait3A_107 : memref<1x1x100000xf32, #tpu.memory_space<hbm>> -> memref<100000xf32, #tpu.memory_space<hbm>>
        tpu.wait_dma2 semaphore(%arg8 : memref<!tpu.dma_semaphore, #tpu.memory_space<semaphore_mem>>) src(%dma_wait3A_108 : memref<100000xf32, #tpu.memory_space<hbm>>) dst(%arg5 : memref<100000xf32, #tpu.memory_space<vmem>>)
        %scan3A = arith.constant 0 : i32
        %scan3A_109 = arith.constant 0 : i32
        %scan3A_110 = arith.constant 32 : i32
        %scan3A_111 = arith.addi %scan3A_109, %scan3A_110 : i32
        %scan3A_112 = arith.constant 1 : i32
        scf.for %scan3A_236 = %scan3A_109 to %scan3A_111 step %scan3A_112  : i32 {
          %mul3A_237 = arith.constant 8 : i32
          %mul3A_238 = arith.muli %scan3A_236, %mul3A_237 : i32
          %mul3A_239 = arith.constant 16 : i32
          %mul3A_240 = arith.muli %mul3A_238, %mul3A_239 : i32
          %add3A_241 = arith.constant 0 : i32
          %add3A_242 = arith.addi %add3A_241, %mul3A_240 : i32
          %add3A_243 = arith.constant 0 : i32
          %add3A_244 = arith.addi %add3A_242, %add3A_243 : i32
          %get3A = arith.index_cast %add3A_244 : i32 to index
          %get3A_245 = tpu.vector_load %arg6[%get3A] {strides = array<i32>} : memref<16384xi32, #tpu.memory_space<vmem>>, vector<16xi32>,
          %gather3A = tpu.vector_load_idx %arg5[%get3A_245] : memref<100000xf32, #tpu.memory_space<vmem>>[vector<16xi32>], vector<16xf32>,
          %add3A_246 = arith.constant 16 : i32
          %add3A_247 = arith.addi %add3A_242, %add3A_246 : i32
          %get3A_248 = arith.index_cast %add3A_247 : i32 to index
          %get3A_249 = tpu.vector_load %arg6[%get3A_248] {strides = array<i32>} : memref<16384xi32, #tpu.memory_space<vmem>>, vector<16xi32>,
          %gather3A_250 = tpu.vector_load_idx %arg5[%get3A_249] : memref<100000xf32, #tpu.memory_space<vmem>>[vector<16xi32>], vector<16xf32>,
          %add3A_251 = arith.constant 32 : i32
          %add3A_252 = arith.addi %add3A_242, %add3A_251 : i32
          %get3A_253 = arith.index_cast %add3A_252 : i32 to index
          %get3A_254 = tpu.vector_load %arg6[%get3A_253] {strides = array<i32>} : memref<16384xi32, #tpu.memory_space<vmem>>, vector<16xi32>,
          %gather3A_255 = tpu.vector_load_idx %arg5[%get3A_254] : memref<100000xf32, #tpu.memory_space<vmem>>[vector<16xi32>], vector<16xf32>,
          %add3A_256 = arith.constant 48 : i32
          %add3A_257 = arith.addi %add3A_242, %add3A_256 : i32
          %get3A_258 = arith.index_cast %add3A_257 : i32 to index
          %get3A_259 = tpu.vector_load %arg6[%get3A_258] {strides = array<i32>} : memref<16384xi32, #tpu.memory_space<vmem>>, vector<16xi32>,
          %gather3A_260 = tpu.vector_load_idx %arg5[%get3A_259] : memref<100000xf32, #tpu.memory_space<vmem>>[vector<16xi32>], vector<16xf32>,
          %add3A_261 = arith.constant 64 : i32
          %add3A_262 = arith.addi %add3A_242, %add3A_261 : i32
          %get3A_263 = arith.index_cast %add3A_262 : i32 to index
          %get3A_264 = tpu.vector_load %arg6[%get3A_263] {strides = array<i32>} : memref<16384xi32, #tpu.memory_space<vmem>>, vector<16xi32>,
          %gather3A_265 = tpu.vector_load_idx %arg5[%get3A_264] : memref<100000xf32, #tpu.memory_space<vmem>>[vector<16xi32>], vector<16xf32>,
          %add3A_266 = arith.constant 80 : i32
          %add3A_267 = arith.addi %add3A_242, %add3A_266 : i32
          %get3A_268 = arith.index_cast %add3A_267 : i32 to index
          %get3A_269 = tpu.vector_load %arg6[%get3A_268] {strides = array<i32>} : memref<16384xi32, #tpu.memory_space<vmem>>, vector<16xi32>,
          %gather3A_270 = tpu.vector_load_idx %arg5[%get3A_269] : memref<100000xf32, #tpu.memory_space<vmem>>[vector<16xi32>], vector<16xf32>,
          %add3A_271 = arith.constant 96 : i32
          %add3A_272 = arith.addi %add3A_242, %add3A_271 : i32
          %get3A_273 = arith.index_cast %add3A_272 : i32 to index
          %get3A_274 = tpu.vector_load %arg6[%get3A_273] {strides = array<i32>} : memref<16384xi32, #tpu.memory_space<vmem>>, vector<16xi32>,
          %gather3A_275 = tpu.vector_load_idx %arg5[%get3A_274] : memref<100000xf32, #tpu.memory_space<vmem>>[vector<16xi32>], vector<16xf32>,
          %add3A_276 = arith.constant 112 : i32
          %add3A_277 = arith.addi %add3A_242, %add3A_276 : i32
          %get3A_278 = arith.index_cast %add3A_277 : i32 to index
          %get3A_279 = tpu.vector_load %arg6[%get3A_278] {strides = array<i32>} : memref<16384xi32, #tpu.memory_space<vmem>>, vector<16xi32>,
          %gather3A_280 = tpu.vector_load_idx %arg5[%get3A_279] : memref<100000xf32, #tpu.memory_space<vmem>>[vector<16xi32>], vector<16xf32>,
          %mul3A_281 = arith.constant 8 : i32
          %mul3A_282 = arith.muli %scan3A_236, %mul3A_281 : i32
          %mul3A_283 = arith.constant 16 : i32
          %mul3A_284 = arith.muli %mul3A_282, %mul3A_283 : i32
          %add3A_285 = arith.constant 0 : i32
          %add3A_286 = arith.addi %mul3A_284, %add3A_285 : i32
          %swap3A = arith.constant 0 : i32
          %swap3A_287 = arith.index_cast %swap3A : i32 to index
          %swap3A_288 = arith.index_cast %add3A_286 : i32 to index
          %swap3A_289 = tpu.vector_load %arg7[%swap3A_287, %swap3A_288] {strides = array<i32>} : memref<2x4096xf32, #tpu.memory_space<vmem>>, vector<16xf32>,
          tpu.vector_store %arg7[%swap3A_287, %swap3A_288], %gather3A {strides = array<i32>} : memref<2x4096xf32, #tpu.memory_space<vmem>>, vector<16xf32>,
          %add3A_290 = arith.constant 16 : i32
          %add3A_291 = arith.addi %mul3A_284, %add3A_290 : i32
          %swap3A_292 = arith.constant 0 : i32
          %swap3A_293 = arith.index_cast %swap3A_292 : i32 to index
          %swap3A_294 = arith.index_cast %add3A_291 : i32 to index
          %swap3A_295 = tpu.vector_load %arg7[%swap3A_293, %swap3A_294] {strides = array<i32>} : memref<2x4096xf32, #tpu.memory_space<vmem>>, vector<16xf32>,
          tpu.vector_store %arg7[%swap3A_293, %swap3A_294], %gather3A_250 {strides = array<i32>} : memref<2x4096xf32, #tpu.memory_space<vmem>>, vector<16xf32>,
          %add3A_296 = arith.constant 32 : i32
          %add3A_297 = arith.addi %mul3A_284, %add3A_296 : i32
          %swap3A_298 = arith.constant 0 : i32
          %swap3A_299 = arith.index_cast %swap3A_298 : i32 to index
          %swap3A_300 = arith.index_cast %add3A_297 : i32 to index
          %swap3A_301 = tpu.vector_load %arg7[%swap3A_299, %swap3A_300] {strides = array<i32>} : memref<2x4096xf32, #tpu.memory_space<vmem>>, vector<16xf32>,
          tpu.vector_store %arg7[%swap3A_299, %swap3A_300], %gather3A_255 {strides = array<i32>} : memref<2x4096xf32, #tpu.memory_space<vmem>>, vector<16xf32>,
          %add3A_302 = arith.constant 48 : i32
          %add3A_303 = arith.addi %mul3A_284, %add3A_302 : i32
          %swap3A_304 = arith.constant 0 : i32
          %swap3A_305 = arith.index_cast %swap3A_304 : i32 to index
          %swap3A_306 = arith.index_cast %add3A_303 : i32 to index
          %swap3A_307 = tpu.vector_load %arg7[%swap3A_305, %swap3A_306] {strides = array<i32>} : memref<2x4096xf32, #tpu.memory_space<vmem>>, vector<16xf32>,
          tpu.vector_store %arg7[%swap3A_305, %swap3A_306], %gather3A_260 {strides = array<i32>} : memref<2x4096xf32, #tpu.memory_space<vmem>>, vector<16xf32>,
          %add3A_308 = arith.constant 64 : i32
          %add3A_309 = arith.addi %mul3A_284, %add3A_308 : i32
          %swap3A_310 = arith.constant 0 : i32
          %swap3A_311 = arith.index_cast %swap3A_310 : i32 to index
          %swap3A_312 = arith.index_cast %add3A_309 : i32 to index
          %swap3A_313 = tpu.vector_load %arg7[%swap3A_311, %swap3A_312] {strides = array<i32>} : memref<2x4096xf32, #tpu.memory_space<vmem>>, vector<16xf32>,
          tpu.vector_store %arg7[%swap3A_311, %swap3A_312], %gather3A_265 {strides = array<i32>} : memref<2x4096xf32, #tpu.memory_space<vmem>>, vector<16xf32>,
          %add3A_314 = arith.constant 80 : i32
          %add3A_315 = arith.addi %mul3A_284, %add3A_314 : i32
          %swap3A_316 = arith.constant 0 : i32
          %swap3A_317 = arith.index_cast %swap3A_316 : i32 to index
          %swap3A_318 = arith.index_cast %add3A_315 : i32 to index
          %swap3A_319 = tpu.vector_load %arg7[%swap3A_317, %swap3A_318] {strides = array<i32>} : memref<2x4096xf32, #tpu.memory_space<vmem>>, vector<16xf32>,
          tpu.vector_store %arg7[%swap3A_317, %swap3A_318], %gather3A_270 {strides = array<i32>} : memref<2x4096xf32, #tpu.memory_space<vmem>>, vector<16xf32>,
          %add3A_320 = arith.constant 96 : i32
          %add3A_321 = arith.addi %mul3A_284, %add3A_320 : i32
          %swap3A_322 = arith.constant 0 : i32
          %swap3A_323 = arith.index_cast %swap3A_322 : i32 to index
          %swap3A_324 = arith.index_cast %add3A_321 : i32 to index
          %swap3A_325 = tpu.vector_load %arg7[%swap3A_323, %swap3A_324] {strides = array<i32>} : memref<2x4096xf32, #tpu.memory_space<vmem>>, vector<16xf32>,
          tpu.vector_store %arg7[%swap3A_323, %swap3A_324], %gather3A_275 {strides = array<i32>} : memref<2x4096xf32, #tpu.memory_space<vmem>>, vector<16xf32>,
          %add3A_326 = arith.constant 112 : i32
          %add3A_327 = arith.addi %mul3A_284, %add3A_326 : i32
          %swap3A_328 = arith.constant 0 : i32
          %swap3A_329 = arith.index_cast %swap3A_328 : i32 to index
          %swap3A_330 = arith.index_cast %add3A_327 : i32 to index
          %swap3A_331 = tpu.vector_load %arg7[%swap3A_329, %swap3A_330] {strides = array<i32>} : memref<2x4096xf32, #tpu.memory_space<vmem>>, vector<16xf32>,
          tpu.vector_store %arg7[%swap3A_329, %swap3A_330], %gather3A_280 {strides = array<i32>} : memref<2x4096xf32, #tpu.memory_space<vmem>>, vector<16xf32>,
        }
        %scan3A_113 = arith.constant 32 : i32
        %dma_start3A_114 = arith.constant 0 : i32
        %dma_start3A_115 = arith.constant 0 : i32
        %dma_start3A_116 = tpu.memref_slice %arg7[%dma_start3A_114, %dma_start3A_115] : memref<2x4096xf32, #tpu.memory_space<vmem>> -> memref<1x4096xf32, #tpu.memory_space<vmem>>
        %dma_start3A_117 = tpu.memref_squeeze %dma_start3A_116 : memref<1x4096xf32, #tpu.memory_space<vmem>> -> memref<4096xf32, #tpu.memory_space<vmem>>
        %dma_start3A_118 = arith.constant 0 : i32
        %dma_start3A_119 = tpu.memref_slice %arg4[%add3A_96, %dma_start3A_118] : memref<1300x16384xf32, #tpu.memory_space<hbm>> -> memref<1x4096xf32, #tpu.memory_space<hbm>>
        %dma_start3A_120 = tpu.memref_squeeze %dma_start3A_119 : memref<1x4096xf32, #tpu.memory_space<hbm>> -> memref<4096xf32, #tpu.memory_space<hbm>>
        %dma_start3A_121 = arith.constant 0 : i32
        %dma_start3A_122 = tpu.memref_slice %arg4[%add3A_96, %dma_start3A_121] : memref<1300x16384xf32, #tpu.memory_space<hbm>> -> memref<1x4096xf32, #tpu.memory_space<hbm>>
        %dma_start3A_123 = tpu.memref_squeeze %dma_start3A_122 : memref<1x4096xf32, #tpu.memory_space<hbm>> -> memref<4096xf32, #tpu.memory_space<hbm>>
        %dma_start3A_124 = arith.constant 0 : i32
        %dma_start3A_125 = tpu.memref_slice %arg7[%dma_start3A_114, %dma_start3A_124] : memref<2x4096xf32, #tpu.memory_space<vmem>> -> memref<1x4096xf32, #tpu.memory_space<vmem>>
        %dma_start3A_126 = tpu.memref_squeeze %dma_start3A_125 : memref<1x4096xf32, #tpu.memory_space<vmem>> -> memref<4096xf32, #tpu.memory_space<vmem>>
        tpu.enqueue_dma source(%dma_start3A_126 : memref<4096xf32, #tpu.memory_space<vmem>>) target(%dma_start3A_123 : memref<4096xf32, #tpu.memory_space<hbm>>) target_semaphore(%arg10 : memref<!tpu.dma_semaphore, #tpu.memory_space<semaphore_mem>>)
        %scan3A_127 = arith.constant 0 : i32
        %scan3A_128 = arith.constant 0 : i32
        %scan3A_129 = arith.constant 32 : i32
        %scan3A_130 = arith.addi %scan3A_128, %scan3A_129 : i32
        %scan3A_131 = arith.constant 1 : i32
        scf.for %scan3A_236 = %scan3A_128 to %scan3A_130 step %scan3A_131  : i32 {
          %mul3A_237 = arith.constant 8 : i32
          %mul3A_238 = arith.muli %scan3A_236, %mul3A_237 : i32
          %mul3A_239 = arith.constant 16 : i32
          %mul3A_240 = arith.muli %mul3A_238, %mul3A_239 : i32
          %add3A_241 = arith.constant 4096 : i32
          %add3A_242 = arith.addi %add3A_241, %mul3A_240 : i32
          %add3A_243 = arith.constant 0 : i32
          %add3A_244 = arith.addi %add3A_242, %add3A_243 : i32
          %get3A = arith.index_cast %add3A_244 : i32 to index
          %get3A_245 = tpu.vector_load %arg6[%get3A] {strides = array<i32>} : memref<16384xi32, #tpu.memory_space<vmem>>, vector<16xi32>,
          %gather3A = tpu.vector_load_idx %arg5[%get3A_245] : memref<100000xf32, #tpu.memory_space<vmem>>[vector<16xi32>], vector<16xf32>,
          %add3A_246 = arith.constant 16 : i32
          %add3A_247 = arith.addi %add3A_242, %add3A_246 : i32
          %get3A_248 = arith.index_cast %add3A_247 : i32 to index
          %get3A_249 = tpu.vector_load %arg6[%get3A_248] {strides = array<i32>} : memref<16384xi32, #tpu.memory_space<vmem>>, vector<16xi32>,
          %gather3A_250 = tpu.vector_load_idx %arg5[%get3A_249] : memref<100000xf32, #tpu.memory_space<vmem>>[vector<16xi32>], vector<16xf32>,
          %add3A_251 = arith.constant 32 : i32
          %add3A_252 = arith.addi %add3A_242, %add3A_251 : i32
          %get3A_253 = arith.index_cast %add3A_252 : i32 to index
          %get3A_254 = tpu.vector_load %arg6[%get3A_253] {strides = array<i32>} : memref<16384xi32, #tpu.memory_space<vmem>>, vector<16xi32>,
          %gather3A_255 = tpu.vector_load_idx %arg5[%get3A_254] : memref<100000xf32, #tpu.memory_space<vmem>>[vector<16xi32>], vector<16xf32>,
          %add3A_256 = arith.constant 48 : i32
          %add3A_257 = arith.addi %add3A_242, %add3A_256 : i32
          %get3A_258 = arith.index_cast %add3A_257 : i32 to index
          %get3A_259 = tpu.vector_load %arg6[%get3A_258] {strides = array<i32>} : memref<16384xi32, #tpu.memory_space<vmem>>, vector<16xi32>,
          %gather3A_260 = tpu.vector_load_idx %arg5[%get3A_259] : memref<100000xf32, #tpu.memory_space<vmem>>[vector<16xi32>], vector<16xf32>,
          %add3A_261 = arith.constant 64 : i32
          %add3A_262 = arith.addi %add3A_242, %add3A_261 : i32
          %get3A_263 = arith.index_cast %add3A_262 : i32 to index
          %get3A_264 = tpu.vector_load %arg6[%get3A_263] {strides = array<i32>} : memref<16384xi32, #tpu.memory_space<vmem>>, vector<16xi32>,
          %gather3A_265 = tpu.vector_load_idx %arg5[%get3A_264] : memref<100000xf32, #tpu.memory_space<vmem>>[vector<16xi32>], vector<16xf32>,
          %add3A_266 = arith.constant 80 : i32
          %add3A_267 = arith.addi %add3A_242, %add3A_266 : i32
          %get3A_268 = arith.index_cast %add3A_267 : i32 to index
          %get3A_269 = tpu.vector_load %arg6[%get3A_268] {strides = array<i32>} : memref<16384xi32, #tpu.memory_space<vmem>>, vector<16xi32>,
          %gather3A_270 = tpu.vector_load_idx %arg5[%get3A_269] : memref<100000xf32, #tpu.memory_space<vmem>>[vector<16xi32>], vector<16xf32>,
          %add3A_271 = arith.constant 96 : i32
          %add3A_272 = arith.addi %add3A_242, %add3A_271 : i32
          %get3A_273 = arith.index_cast %add3A_272 : i32 to index
          %get3A_274 = tpu.vector_load %arg6[%get3A_273] {strides = array<i32>} : memref<16384xi32, #tpu.memory_space<vmem>>, vector<16xi32>,
          %gather3A_275 = tpu.vector_load_idx %arg5[%get3A_274] : memref<100000xf32, #tpu.memory_space<vmem>>[vector<16xi32>], vector<16xf32>,
          %add3A_276 = arith.constant 112 : i32
          %add3A_277 = arith.addi %add3A_242, %add3A_276 : i32
          %get3A_278 = arith.index_cast %add3A_277 : i32 to index
          %get3A_279 = tpu.vector_load %arg6[%get3A_278] {strides = array<i32>} : memref<16384xi32, #tpu.memory_space<vmem>>, vector<16xi32>,
          %gather3A_280 = tpu.vector_load_idx %arg5[%get3A_279] : memref<100000xf32, #tpu.memory_space<vmem>>[vector<16xi32>], vector<16xf32>,
          %mul3A_281 = arith.constant 8 : i32
          %mul3A_282 = arith.muli %scan3A_236, %mul3A_281 : i32
          %mul3A_283 = arith.constant 16 : i32
          %mul3A_284 = arith.muli %mul3A_282, %mul3A_283 : i32
          %add3A_285 = arith.constant 0 : i32
          %add3A_286 = arith.addi %mul3A_284, %add3A_285 : i32
          %swap3A = arith.constant 1 : i32
          %swap3A_287 = arith.index_cast %swap3A : i32 to index
          %swap3A_288 = arith.index_cast %add3A_286 : i32 to index
          %swap3A_289 = tpu.vector_load %arg7[%swap3A_287, %swap3A_288] {strides = array<i32>} : memref<2x4096xf32, #tpu.memory_space<vmem>>, vector<16xf32>,
          tpu.vector_store %arg7[%swap3A_287, %swap3A_288], %gather3A {strides = array<i32>} : memref<2x4096xf32, #tpu.memory_space<vmem>>, vector<16xf32>,
          %add3A_290 = arith.constant 16 : i32
          %add3A_291 = arith.addi %mul3A_284, %add3A_290 : i32
          %swap3A_292 = arith.constant 1 : i32
          %swap3A_293 = arith.index_cast %swap3A_292 : i32 to index
          %swap3A_294 = arith.index_cast %add3A_291 : i32 to index
          %swap3A_295 = tpu.vector_load %arg7[%swap3A_293, %swap3A_294] {strides = array<i32>} : memref<2x4096xf32, #tpu.memory_space<vmem>>, vector<16xf32>,
          tpu.vector_store %arg7[%swap3A_293, %swap3A_294], %gather3A_250 {strides = array<i32>} : memref<2x4096xf32, #tpu.memory_space<vmem>>, vector<16xf32>,
          %add3A_296 = arith.constant 32 : i32
          %add3A_297 = arith.addi %mul3A_284, %add3A_296 : i32
          %swap3A_298 = arith.constant 1 : i32
          %swap3A_299 = arith.index_cast %swap3A_298 : i32 to index
          %swap3A_300 = arith.index_cast %add3A_297 : i32 to index
          %swap3A_301 = tpu.vector_load %arg7[%swap3A_299, %swap3A_300] {strides = array<i32>} : memref<2x4096xf32, #tpu.memory_space<vmem>>, vector<16xf32>,
          tpu.vector_store %arg7[%swap3A_299, %swap3A_300], %gather3A_255 {strides = array<i32>} : memref<2x4096xf32, #tpu.memory_space<vmem>>, vector<16xf32>,
          %add3A_302 = arith.constant 48 : i32
          %add3A_303 = arith.addi %mul3A_284, %add3A_302 : i32
          %swap3A_304 = arith.constant 1 : i32
          %swap3A_305 = arith.index_cast %swap3A_304 : i32 to index
          %swap3A_306 = arith.index_cast %add3A_303 : i32 to index
          %swap3A_307 = tpu.vector_load %arg7[%swap3A_305, %swap3A_306] {strides = array<i32>} : memref<2x4096xf32, #tpu.memory_space<vmem>>, vector<16xf32>,
          tpu.vector_store %arg7[%swap3A_305, %swap3A_306], %gather3A_260 {strides = array<i32>} : memref<2x4096xf32, #tpu.memory_space<vmem>>, vector<16xf32>,
          %add3A_308 = arith.constant 64 : i32
          %add3A_309 = arith.addi %mul3A_284, %add3A_308 : i32
          %swap3A_310 = arith.constant 1 : i32
          %swap3A_311 = arith.index_cast %swap3A_310 : i32 to index
          %swap3A_312 = arith.index_cast %add3A_309 : i32 to index
          %swap3A_313 = tpu.vector_load %arg7[%swap3A_311, %swap3A_312] {strides = array<i32>} : memref<2x4096xf32, #tpu.memory_space<vmem>>, vector<16xf32>,
          tpu.vector_store %arg7[%swap3A_311, %swap3A_312], %gather3A_265 {strides = array<i32>} : memref<2x4096xf32, #tpu.memory_space<vmem>>, vector<16xf32>,
          %add3A_314 = arith.constant 80 : i32
          %add3A_315 = arith.addi %mul3A_284, %add3A_314 : i32
          %swap3A_316 = arith.constant 1 : i32
          %swap3A_317 = arith.index_cast %swap3A_316 : i32 to index
          %swap3A_318 = arith.index_cast %add3A_315 : i32 to index
          %swap3A_319 = tpu.vector_load %arg7[%swap3A_317, %swap3A_318] {strides = array<i32>} : memref<2x4096xf32, #tpu.memory_space<vmem>>, vector<16xf32>,
          tpu.vector_store %arg7[%swap3A_317, %swap3A_318], %gather3A_270 {strides = array<i32>} : memref<2x4096xf32, #tpu.memory_space<vmem>>, vector<16xf32>,
          %add3A_320 = arith.constant 96 : i32
          %add3A_321 = arith.addi %mul3A_284, %add3A_320 : i32
          %swap3A_322 = arith.constant 1 : i32
          %swap3A_323 = arith.index_cast %swap3A_322 : i32 to index
          %swap3A_324 = arith.index_cast %add3A_321 : i32 to index
          %swap3A_325 = tpu.vector_load %arg7[%swap3A_323, %swap3A_324] {strides = array<i32>} : memref<2x4096xf32, #tpu.memory_space<vmem>>, vector<16xf32>,
          tpu.vector_store %arg7[%swap3A_323, %swap3A_324], %gather3A_275 {strides = array<i32>} : memref<2x4096xf32, #tpu.memory_space<vmem>>, vector<16xf32>,
          %add3A_326 = arith.constant 112 : i32
          %add3A_327 = arith.addi %mul3A_284, %add3A_326 : i32
          %swap3A_328 = arith.constant 1 : i32
          %swap3A_329 = arith.index_cast %swap3A_328 : i32 to index
          %swap3A_330 = arith.index_cast %add3A_327 : i32 to index
          %swap3A_331 = tpu.vector_load %arg7[%swap3A_329, %swap3A_330] {strides = array<i32>} : memref<2x4096xf32, #tpu.memory_space<vmem>>, vector<16xf32>,
          tpu.vector_store %arg7[%swap3A_329, %swap3A_330], %gather3A_280 {strides = array<i32>} : memref<2x4096xf32, #tpu.memory_space<vmem>>, vector<16xf32>,
        }
        %scan3A_132 = arith.constant 32 : i32
        %dma_start3A_133 = arith.constant 1 : i32
        %dma_start3A_134 = arith.constant 0 : i32
        %dma_start3A_135 = tpu.memref_slice %arg7[%dma_start3A_133, %dma_start3A_134] : memref<2x4096xf32, #tpu.memory_space<vmem>> -> memref<1x4096xf32, #tpu.memory_space<vmem>>
        %dma_start3A_136 = tpu.memref_squeeze %dma_start3A_135 : memref<1x4096xf32, #tpu.memory_space<vmem>> -> memref<4096xf32, #tpu.memory_space<vmem>>
        %dma_start3A_137 = arith.constant 4096 : i32
        %dma_start3A_138 = tpu.memref_slice %arg4[%add3A_96, %dma_start3A_137] : memref<1300x16384xf32, #tpu.memory_space<hbm>> -> memref<1x4096xf32, #tpu.memory_space<hbm>>
        %dma_start3A_139 = tpu.memref_squeeze %dma_start3A_138 : memref<1x4096xf32, #tpu.memory_space<hbm>> -> memref<4096xf32, #tpu.memory_space<hbm>>
        %dma_start3A_140 = arith.constant 4096 : i32
        %dma_start3A_141 = tpu.memref_slice %arg4[%add3A_96, %dma_start3A_140] : memref<1300x16384xf32, #tpu.memory_space<hbm>> -> memref<1x4096xf32, #tpu.memory_space<hbm>>
        %dma_start3A_142 = tpu.memref_squeeze %dma_start3A_141 : memref<1x4096xf32, #tpu.memory_space<hbm>> -> memref<4096xf32, #tpu.memory_space<hbm>>
        %dma_start3A_143 = arith.constant 0 : i32
        %dma_start3A_144 = tpu.memref_slice %arg7[%dma_start3A_133, %dma_start3A_143] : memref<2x4096xf32, #tpu.memory_space<vmem>> -> memref<1x4096xf32, #tpu.memory_space<vmem>>
        %dma_start3A_145 = tpu.memref_squeeze %dma_start3A_144 : memref<1x4096xf32, #tpu.memory_space<vmem>> -> memref<4096xf32, #tpu.memory_space<vmem>>
        tpu.enqueue_dma source(%dma_start3A_145 : memref<4096xf32, #tpu.memory_space<vmem>>) target(%dma_start3A_142 : memref<4096xf32, #tpu.memory_space<hbm>>) target_semaphore(%arg11 : memref<!tpu.dma_semaphore, #tpu.memory_space<semaphore_mem>>)
        %dma_wait3A_146 = arith.constant 0 : i32
        %dma_wait3A_147 = arith.constant 0 : i32
        %dma_wait3A_148 = tpu.memref_slice %arg7[%dma_wait3A_146, %dma_wait3A_147] : memref<2x4096xf32, #tpu.memory_space<vmem>> -> memref<1x4096xf32, #tpu.memory_space<vmem>>
        %dma_wait3A_149 = tpu.memref_squeeze %dma_wait3A_148 : memref<1x4096xf32, #tpu.memory_space<vmem>> -> memref<4096xf32, #tpu.memory_space<vmem>>
        %dma_wait3A_150 = arith.constant 0 : i32
        %dma_wait3A_151 = tpu.memref_slice %arg4[%add3A_96, %dma_wait3A_150] : memref<1300x16384xf32, #tpu.memory_space<hbm>> -> memref<1x4096xf32, #tpu.memory_space<hbm>>
        %dma_wait3A_152 = tpu.memref_squeeze %dma_wait3A_151 : memref<1x4096xf32, #tpu.memory_space<hbm>> -> memref<4096xf32, #tpu.memory_space<hbm>>
        %dma_wait3A_153 = arith.constant 0 : i32
        %dma_wait3A_154 = tpu.memref_slice %arg4[%add3A_96, %dma_wait3A_153] : memref<1300x16384xf32, #tpu.memory_space<hbm>> -> memref<1x4096xf32, #tpu.memory_space<hbm>>
        %dma_wait3A_155 = tpu.memref_squeeze %dma_wait3A_154 : memref<1x4096xf32, #tpu.memory_space<hbm>> -> memref<4096xf32, #tpu.memory_space<hbm>>
        %dma_wait3A_156 = arith.constant 0 : i32
        %dma_wait3A_157 = tpu.memref_slice %arg7[%dma_wait3A_146, %dma_wait3A_156] : memref<2x4096xf32, #tpu.memory_space<vmem>> -> memref<1x4096xf32, #tpu.memory_space<vmem>>
        %dma_wait3A_158 = tpu.memref_squeeze %dma_wait3A_157 : memref<1x4096xf32, #tpu.memory_space<vmem>> -> memref<4096xf32, #tpu.memory_space<vmem>>
        tpu.wait_dma2 semaphore(%arg10 : memref<!tpu.dma_semaphore, #tpu.memory_space<semaphore_mem>>) src(%dma_wait3A_158 : memref<4096xf32, #tpu.memory_space<vmem>>) dst(%dma_wait3A_155 : memref<4096xf32, #tpu.memory_space<hbm>>)
        %scan3A_159 = arith.constant 0 : i32
        %scan3A_160 = arith.constant 0 : i32
        %scan3A_161 = arith.constant 32 : i32
        %scan3A_162 = arith.addi %scan3A_160, %scan3A_161 : i32
        %scan3A_163 = arith.constant 1 : i32
        scf.for %scan3A_236 = %scan3A_160 to %scan3A_162 step %scan3A_163  : i32 {
          %mul3A_237 = arith.constant 8 : i32
          %mul3A_238 = arith.muli %scan3A_236, %mul3A_237 : i32
          %mul3A_239 = arith.constant 16 : i32
          %mul3A_240 = arith.muli %mul3A_238, %mul3A_239 : i32
          %add3A_241 = arith.constant 8192 : i32
          %add3A_242 = arith.addi %add3A_241, %mul3A_240 : i32
          %add3A_243 = arith.constant 0 : i32
          %add3A_244 = arith.addi %add3A_242, %add3A_243 : i32
          %get3A = arith.index_cast %add3A_244 : i32 to index
          %get3A_245 = tpu.vector_load %arg6[%get3A] {strides = array<i32>} : memref<16384xi32, #tpu.memory_space<vmem>>, vector<16xi32>,
          %gather3A = tpu.vector_load_idx %arg5[%get3A_245] : memref<100000xf32, #tpu.memory_space<vmem>>[vector<16xi32>], vector<16xf32>,
          %add3A_246 = arith.constant 16 : i32
          %add3A_247 = arith.addi %add3A_242, %add3A_246 : i32
          %get3A_248 = arith.index_cast %add3A_247 : i32 to index
          %get3A_249 = tpu.vector_load %arg6[%get3A_248] {strides = array<i32>} : memref<16384xi32, #tpu.memory_space<vmem>>, vector<16xi32>,
          %gather3A_250 = tpu.vector_load_idx %arg5[%get3A_249] : memref<100000xf32, #tpu.memory_space<vmem>>[vector<16xi32>], vector<16xf32>,
          %add3A_251 = arith.constant 32 : i32
          %add3A_252 = arith.addi %add3A_242, %add3A_251 : i32
          %get3A_253 = arith.index_cast %add3A_252 : i32 to index
          %get3A_254 = tpu.vector_load %arg6[%get3A_253] {strides = array<i32>} : memref<16384xi32, #tpu.memory_space<vmem>>, vector<16xi32>,
          %gather3A_255 = tpu.vector_load_idx %arg5[%get3A_254] : memref<100000xf32, #tpu.memory_space<vmem>>[vector<16xi32>], vector<16xf32>,
          %add3A_256 = arith.constant 48 : i32
          %add3A_257 = arith.addi %add3A_242, %add3A_256 : i32
          %get3A_258 = arith.index_cast %add3A_257 : i32 to index
          %get3A_259 = tpu.vector_load %arg6[%get3A_258] {strides = array<i32>} : memref<16384xi32, #tpu.memory_space<vmem>>, vector<16xi32>,
          %gather3A_260 = tpu.vector_load_idx %arg5[%get3A_259] : memref<100000xf32, #tpu.memory_space<vmem>>[vector<16xi32>], vector<16xf32>,
          %add3A_261 = arith.constant 64 : i32
          %add3A_262 = arith.addi %add3A_242, %add3A_261 : i32
          %get3A_263 = arith.index_cast %add3A_262 : i32 to index
          %get3A_264 = tpu.vector_load %arg6[%get3A_263] {strides = array<i32>} : memref<16384xi32, #tpu.memory_space<vmem>>, vector<16xi32>,
          %gather3A_265 = tpu.vector_load_idx %arg5[%get3A_264] : memref<100000xf32, #tpu.memory_space<vmem>>[vector<16xi32>], vector<16xf32>,
          %add3A_266 = arith.constant 80 : i32
          %add3A_267 = arith.addi %add3A_242, %add3A_266 : i32
          %get3A_268 = arith.index_cast %add3A_267 : i32 to index
          %get3A_269 = tpu.vector_load %arg6[%get3A_268] {strides = array<i32>} : memref<16384xi32, #tpu.memory_space<vmem>>, vector<16xi32>,
          %gather3A_270 = tpu.vector_load_idx %arg5[%get3A_269] : memref<100000xf32, #tpu.memory_space<vmem>>[vector<16xi32>], vector<16xf32>,
          %add3A_271 = arith.constant 96 : i32
          %add3A_272 = arith.addi %add3A_242, %add3A_271 : i32
          %get3A_273 = arith.index_cast %add3A_272 : i32 to index
          %get3A_274 = tpu.vector_load %arg6[%get3A_273] {strides = array<i32>} : memref<16384xi32, #tpu.memory_space<vmem>>, vector<16xi32>,
          %gather3A_275 = tpu.vector_load_idx %arg5[%get3A_274] : memref<100000xf32, #tpu.memory_space<vmem>>[vector<16xi32>], vector<16xf32>,
          %add3A_276 = arith.constant 112 : i32
          %add3A_277 = arith.addi %add3A_242, %add3A_276 : i32
          %get3A_278 = arith.index_cast %add3A_277 : i32 to index
          %get3A_279 = tpu.vector_load %arg6[%get3A_278] {strides = array<i32>} : memref<16384xi32, #tpu.memory_space<vmem>>, vector<16xi32>,
          %gather3A_280 = tpu.vector_load_idx %arg5[%get3A_279] : memref<100000xf32, #tpu.memory_space<vmem>>[vector<16xi32>], vector<16xf32>,
          %mul3A_281 = arith.constant 8 : i32
          %mul3A_282 = arith.muli %scan3A_236, %mul3A_281 : i32
          %mul3A_283 = arith.constant 16 : i32
          %mul3A_284 = arith.muli %mul3A_282, %mul3A_283 : i32
          %add3A_285 = arith.constant 0 : i32
          %add3A_286 = arith.addi %mul3A_284, %add3A_285 : i32
          %swap3A = arith.constant 0 : i32
          %swap3A_287 = arith.index_cast %swap3A : i32 to index
          %swap3A_288 = arith.index_cast %add3A_286 : i32 to index
          %swap3A_289 = tpu.vector_load %arg7[%swap3A_287, %swap3A_288] {strides = array<i32>} : memref<2x4096xf32, #tpu.memory_space<vmem>>, vector<16xf32>,
          tpu.vector_store %arg7[%swap3A_287, %swap3A_288], %gather3A {strides = array<i32>} : memref<2x4096xf32, #tpu.memory_space<vmem>>, vector<16xf32>,
          %add3A_290 = arith.constant 16 : i32
          %add3A_291 = arith.addi %mul3A_284, %add3A_290 : i32
          %swap3A_292 = arith.constant 0 : i32
          %swap3A_293 = arith.index_cast %swap3A_292 : i32 to index
          %swap3A_294 = arith.index_cast %add3A_291 : i32 to index
          %swap3A_295 = tpu.vector_load %arg7[%swap3A_293, %swap3A_294] {strides = array<i32>} : memref<2x4096xf32, #tpu.memory_space<vmem>>, vector<16xf32>,
          tpu.vector_store %arg7[%swap3A_293, %swap3A_294], %gather3A_250 {strides = array<i32>} : memref<2x4096xf32, #tpu.memory_space<vmem>>, vector<16xf32>,
          %add3A_296 = arith.constant 32 : i32
          %add3A_297 = arith.addi %mul3A_284, %add3A_296 : i32
          %swap3A_298 = arith.constant 0 : i32
          %swap3A_299 = arith.index_cast %swap3A_298 : i32 to index
          %swap3A_300 = arith.index_cast %add3A_297 : i32 to index
          %swap3A_301 = tpu.vector_load %arg7[%swap3A_299, %swap3A_300] {strides = array<i32>} : memref<2x4096xf32, #tpu.memory_space<vmem>>, vector<16xf32>,
          tpu.vector_store %arg7[%swap3A_299, %swap3A_300], %gather3A_255 {strides = array<i32>} : memref<2x4096xf32, #tpu.memory_space<vmem>>, vector<16xf32>,
          %add3A_302 = arith.constant 48 : i32
          %add3A_303 = arith.addi %mul3A_284, %add3A_302 : i32
          %swap3A_304 = arith.constant 0 : i32
          %swap3A_305 = arith.index_cast %swap3A_304 : i32 to index
          %swap3A_306 = arith.index_cast %add3A_303 : i32 to index
          %swap3A_307 = tpu.vector_load %arg7[%swap3A_305, %swap3A_306] {strides = array<i32>} : memref<2x4096xf32, #tpu.memory_space<vmem>>, vector<16xf32>,
          tpu.vector_store %arg7[%swap3A_305, %swap3A_306], %gather3A_260 {strides = array<i32>} : memref<2x4096xf32, #tpu.memory_space<vmem>>, vector<16xf32>,
          %add3A_308 = arith.constant 64 : i32
          %add3A_309 = arith.addi %mul3A_284, %add3A_308 : i32
          %swap3A_310 = arith.constant 0 : i32
          %swap3A_311 = arith.index_cast %swap3A_310 : i32 to index
          %swap3A_312 = arith.index_cast %add3A_309 : i32 to index
          %swap3A_313 = tpu.vector_load %arg7[%swap3A_311, %swap3A_312] {strides = array<i32>} : memref<2x4096xf32, #tpu.memory_space<vmem>>, vector<16xf32>,
          tpu.vector_store %arg7[%swap3A_311, %swap3A_312], %gather3A_265 {strides = array<i32>} : memref<2x4096xf32, #tpu.memory_space<vmem>>, vector<16xf32>,
          %add3A_314 = arith.constant 80 : i32
          %add3A_315 = arith.addi %mul3A_284, %add3A_314 : i32
          %swap3A_316 = arith.constant 0 : i32
          %swap3A_317 = arith.index_cast %swap3A_316 : i32 to index
          %swap3A_318 = arith.index_cast %add3A_315 : i32 to index
          %swap3A_319 = tpu.vector_load %arg7[%swap3A_317, %swap3A_318] {strides = array<i32>} : memref<2x4096xf32, #tpu.memory_space<vmem>>, vector<16xf32>,
          tpu.vector_store %arg7[%swap3A_317, %swap3A_318], %gather3A_270 {strides = array<i32>} : memref<2x4096xf32, #tpu.memory_space<vmem>>, vector<16xf32>,
          %add3A_320 = arith.constant 96 : i32
          %add3A_321 = arith.addi %mul3A_284, %add3A_320 : i32
          %swap3A_322 = arith.constant 0 : i32
          %swap3A_323 = arith.index_cast %swap3A_322 : i32 to index
          %swap3A_324 = arith.index_cast %add3A_321 : i32 to index
          %swap3A_325 = tpu.vector_load %arg7[%swap3A_323, %swap3A_324] {strides = array<i32>} : memref<2x4096xf32, #tpu.memory_space<vmem>>, vector<16xf32>,
          tpu.vector_store %arg7[%swap3A_323, %swap3A_324], %gather3A_275 {strides = array<i32>} : memref<2x4096xf32, #tpu.memory_space<vmem>>, vector<16xf32>,
          %add3A_326 = arith.constant 112 : i32
          %add3A_327 = arith.addi %mul3A_284, %add3A_326 : i32
          %swap3A_328 = arith.constant 0 : i32
          %swap3A_329 = arith.index_cast %swap3A_328 : i32 to index
          %swap3A_330 = arith.index_cast %add3A_327 : i32 to index
          %swap3A_331 = tpu.vector_load %arg7[%swap3A_329, %swap3A_330] {strides = array<i32>} : memref<2x4096xf32, #tpu.memory_space<vmem>>, vector<16xf32>,
          tpu.vector_store %arg7[%swap3A_329, %swap3A_330], %gather3A_280 {strides = array<i32>} : memref<2x4096xf32, #tpu.memory_space<vmem>>, vector<16xf32>,
        }
        %scan3A_164 = arith.constant 32 : i32
        %dma_start3A_165 = arith.constant 0 : i32
        %dma_start3A_166 = arith.constant 0 : i32
        %dma_start3A_167 = tpu.memref_slice %arg7[%dma_start3A_165, %dma_start3A_166] : memref<2x4096xf32, #tpu.memory_space<vmem>> -> memref<1x4096xf32, #tpu.memory_space<vmem>>
        %dma_start3A_168 = tpu.memref_squeeze %dma_start3A_167 : memref<1x4096xf32, #tpu.memory_space<vmem>> -> memref<4096xf32, #tpu.memory_space<vmem>>
        %dma_start3A_169 = arith.constant 8192 : i32
        %dma_start3A_170 = tpu.memref_slice %arg4[%add3A_96, %dma_start3A_169] : memref<1300x16384xf32, #tpu.memory_space<hbm>> -> memref<1x4096xf32, #tpu.memory_space<hbm>>
        %dma_start3A_171 = tpu.memref_squeeze %dma_start3A_170 : memref<1x4096xf32, #tpu.memory_space<hbm>> -> memref<4096xf32, #tpu.memory_space<hbm>>
        %dma_start3A_172 = arith.constant 8192 : i32
        %dma_start3A_173 = tpu.memref_slice %arg4[%add3A_96, %dma_start3A_172] : memref<1300x16384xf32, #tpu.memory_space<hbm>> -> memref<1x4096xf32, #tpu.memory_space<hbm>>
        %dma_start3A_174 = tpu.memref_squeeze %dma_start3A_173 : memref<1x4096xf32, #tpu.memory_space<hbm>> -> memref<4096xf32, #tpu.memory_space<hbm>>
        %dma_start3A_175 = arith.constant 0 : i32
        %dma_start3A_176 = tpu.memref_slice %arg7[%dma_start3A_165, %dma_start3A_175] : memref<2x4096xf32, #tpu.memory_space<vmem>> -> memref<1x4096xf32, #tpu.memory_space<vmem>>
        %dma_start3A_177 = tpu.memref_squeeze %dma_start3A_176 : memref<1x4096xf32, #tpu.memory_space<vmem>> -> memref<4096xf32, #tpu.memory_space<vmem>>
        tpu.enqueue_dma source(%dma_start3A_177 : memref<4096xf32, #tpu.memory_space<vmem>>) target(%dma_start3A_174 : memref<4096xf32, #tpu.memory_space<hbm>>) target_semaphore(%arg10 : memref<!tpu.dma_semaphore, #tpu.memory_space<semaphore_mem>>)
        %dma_wait3A_178 = arith.constant 1 : i32
        %dma_wait3A_179 = arith.constant 0 : i32
        %dma_wait3A_180 = tpu.memref_slice %arg7[%dma_wait3A_178, %dma_wait3A_179] : memref<2x4096xf32, #tpu.memory_space<vmem>> -> memref<1x4096xf32, #tpu.memory_space<vmem>>
        %dma_wait3A_181 = tpu.memref_squeeze %dma_wait3A_180 : memref<1x4096xf32, #tpu.memory_space<vmem>> -> memref<4096xf32, #tpu.memory_space<vmem>>
        %dma_wait3A_182 = arith.constant 4096 : i32
        %dma_wait3A_183 = tpu.memref_slice %arg4[%add3A_96, %dma_wait3A_182] : memref<1300x16384xf32, #tpu.memory_space<hbm>> -> memref<1x4096xf32, #tpu.memory_space<hbm>>
        %dma_wait3A_184 = tpu.memref_squeeze %dma_wait3A_183 : memref<1x4096xf32, #tpu.memory_space<hbm>> -> memref<4096xf32, #tpu.memory_space<hbm>>
        %dma_wait3A_185 = arith.constant 4096 : i32
        %dma_wait3A_186 = tpu.memref_slice %arg4[%add3A_96, %dma_wait3A_185] : memref<1300x16384xf32, #tpu.memory_space<hbm>> -> memref<1x4096xf32, #tpu.memory_space<hbm>>
        %dma_wait3A_187 = tpu.memref_squeeze %dma_wait3A_186 : memref<1x4096xf32, #tpu.memory_space<hbm>> -> memref<4096xf32, #tpu.memory_space<hbm>>
        %dma_wait3A_188 = arith.constant 0 : i32
        %dma_wait3A_189 = tpu.memref_slice %arg7[%dma_wait3A_178, %dma_wait3A_188] : memref<2x4096xf32, #tpu.memory_space<vmem>> -> memref<1x4096xf32, #tpu.memory_space<vmem>>
        %dma_wait3A_190 = tpu.memref_squeeze %dma_wait3A_189 : memref<1x4096xf32, #tpu.memory_space<vmem>> -> memref<4096xf32, #tpu.memory_space<vmem>>
        tpu.wait_dma2 semaphore(%arg11 : memref<!tpu.dma_semaphore, #tpu.memory_space<semaphore_mem>>) src(%dma_wait3A_190 : memref<4096xf32, #tpu.memory_space<vmem>>) dst(%dma_wait3A_187 : memref<4096xf32, #tpu.memory_space<hbm>>)
        %scan3A_191 = arith.constant 0 : i32
        %scan3A_192 = arith.constant 0 : i32
        %scan3A_193 = arith.constant 32 : i32
        %scan3A_194 = arith.addi %scan3A_192, %scan3A_193 : i32
        %scan3A_195 = arith.constant 1 : i32
        scf.for %scan3A_236 = %scan3A_192 to %scan3A_194 step %scan3A_195  : i32 {
          %mul3A_237 = arith.constant 8 : i32
          %mul3A_238 = arith.muli %scan3A_236, %mul3A_237 : i32
          %mul3A_239 = arith.constant 16 : i32
          %mul3A_240 = arith.muli %mul3A_238, %mul3A_239 : i32
          %add3A_241 = arith.constant 12288 : i32
          %add3A_242 = arith.addi %add3A_241, %mul3A_240 : i32
          %add3A_243 = arith.constant 0 : i32
          %add3A_244 = arith.addi %add3A_242, %add3A_243 : i32
          %get3A = arith.index_cast %add3A_244 : i32 to index
          %get3A_245 = tpu.vector_load %arg6[%get3A] {strides = array<i32>} : memref<16384xi32, #tpu.memory_space<vmem>>, vector<16xi32>,
          %gather3A = tpu.vector_load_idx %arg5[%get3A_245] : memref<100000xf32, #tpu.memory_space<vmem>>[vector<16xi32>], vector<16xf32>,
          %add3A_246 = arith.constant 16 : i32
          %add3A_247 = arith.addi %add3A_242, %add3A_246 : i32
          %get3A_248 = arith.index_cast %add3A_247 : i32 to index
          %get3A_249 = tpu.vector_load %arg6[%get3A_248] {strides = array<i32>} : memref<16384xi32, #tpu.memory_space<vmem>>, vector<16xi32>,
          %gather3A_250 = tpu.vector_load_idx %arg5[%get3A_249] : memref<100000xf32, #tpu.memory_space<vmem>>[vector<16xi32>], vector<16xf32>,
          %add3A_251 = arith.constant 32 : i32
          %add3A_252 = arith.addi %add3A_242, %add3A_251 : i32
          %get3A_253 = arith.index_cast %add3A_252 : i32 to index
          %get3A_254 = tpu.vector_load %arg6[%get3A_253] {strides = array<i32>} : memref<16384xi32, #tpu.memory_space<vmem>>, vector<16xi32>,
          %gather3A_255 = tpu.vector_load_idx %arg5[%get3A_254] : memref<100000xf32, #tpu.memory_space<vmem>>[vector<16xi32>], vector<16xf32>,
          %add3A_256 = arith.constant 48 : i32
          %add3A_257 = arith.addi %add3A_242, %add3A_256 : i32
          %get3A_258 = arith.index_cast %add3A_257 : i32 to index
          %get3A_259 = tpu.vector_load %arg6[%get3A_258] {strides = array<i32>} : memref<16384xi32, #tpu.memory_space<vmem>>, vector<16xi32>,
          %gather3A_260 = tpu.vector_load_idx %arg5[%get3A_259] : memref<100000xf32, #tpu.memory_space<vmem>>[vector<16xi32>], vector<16xf32>,
          %add3A_261 = arith.constant 64 : i32
          %add3A_262 = arith.addi %add3A_242, %add3A_261 : i32
          %get3A_263 = arith.index_cast %add3A_262 : i32 to index
          %get3A_264 = tpu.vector_load %arg6[%get3A_263] {strides = array<i32>} : memref<16384xi32, #tpu.memory_space<vmem>>, vector<16xi32>,
          %gather3A_265 = tpu.vector_load_idx %arg5[%get3A_264] : memref<100000xf32, #tpu.memory_space<vmem>>[vector<16xi32>], vector<16xf32>,
          %add3A_266 = arith.constant 80 : i32
          %add3A_267 = arith.addi %add3A_242, %add3A_266 : i32
          %get3A_268 = arith.index_cast %add3A_267 : i32 to index
          %get3A_269 = tpu.vector_load %arg6[%get3A_268] {strides = array<i32>} : memref<16384xi32, #tpu.memory_space<vmem>>, vector<16xi32>,
          %gather3A_270 = tpu.vector_load_idx %arg5[%get3A_269] : memref<100000xf32, #tpu.memory_space<vmem>>[vector<16xi32>], vector<16xf32>,
          %add3A_271 = arith.constant 96 : i32
          %add3A_272 = arith.addi %add3A_242, %add3A_271 : i32
          %get3A_273 = arith.index_cast %add3A_272 : i32 to index
          %get3A_274 = tpu.vector_load %arg6[%get3A_273] {strides = array<i32>} : memref<16384xi32, #tpu.memory_space<vmem>>, vector<16xi32>,
          %gather3A_275 = tpu.vector_load_idx %arg5[%get3A_274] : memref<100000xf32, #tpu.memory_space<vmem>>[vector<16xi32>], vector<16xf32>,
          %add3A_276 = arith.constant 112 : i32
          %add3A_277 = arith.addi %add3A_242, %add3A_276 : i32
          %get3A_278 = arith.index_cast %add3A_277 : i32 to index
          %get3A_279 = tpu.vector_load %arg6[%get3A_278] {strides = array<i32>} : memref<16384xi32, #tpu.memory_space<vmem>>, vector<16xi32>,
          %gather3A_280 = tpu.vector_load_idx %arg5[%get3A_279] : memref<100000xf32, #tpu.memory_space<vmem>>[vector<16xi32>], vector<16xf32>,
          %mul3A_281 = arith.constant 8 : i32
          %mul3A_282 = arith.muli %scan3A_236, %mul3A_281 : i32
          %mul3A_283 = arith.constant 16 : i32
          %mul3A_284 = arith.muli %mul3A_282, %mul3A_283 : i32
          %add3A_285 = arith.constant 0 : i32
          %add3A_286 = arith.addi %mul3A_284, %add3A_285 : i32
          %swap3A = arith.constant 1 : i32
          %swap3A_287 = arith.index_cast %swap3A : i32 to index
          %swap3A_288 = arith.index_cast %add3A_286 : i32 to index
          %swap3A_289 = tpu.vector_load %arg7[%swap3A_287, %swap3A_288] {strides = array<i32>} : memref<2x4096xf32, #tpu.memory_space<vmem>>, vector<16xf32>,
          tpu.vector_store %arg7[%swap3A_287, %swap3A_288], %gather3A {strides = array<i32>} : memref<2x4096xf32, #tpu.memory_space<vmem>>, vector<16xf32>,
          %add3A_290 = arith.constant 16 : i32
          %add3A_291 = arith.addi %mul3A_284, %add3A_290 : i32
          %swap3A_292 = arith.constant 1 : i32
          %swap3A_293 = arith.index_cast %swap3A_292 : i32 to index
          %swap3A_294 = arith.index_cast %add3A_291 : i32 to index
          %swap3A_295 = tpu.vector_load %arg7[%swap3A_293, %swap3A_294] {strides = array<i32>} : memref<2x4096xf32, #tpu.memory_space<vmem>>, vector<16xf32>,
          tpu.vector_store %arg7[%swap3A_293, %swap3A_294], %gather3A_250 {strides = array<i32>} : memref<2x4096xf32, #tpu.memory_space<vmem>>, vector<16xf32>,
          %add3A_296 = arith.constant 32 : i32
          %add3A_297 = arith.addi %mul3A_284, %add3A_296 : i32
          %swap3A_298 = arith.constant 1 : i32
          %swap3A_299 = arith.index_cast %swap3A_298 : i32 to index
          %swap3A_300 = arith.index_cast %add3A_297 : i32 to index
          %swap3A_301 = tpu.vector_load %arg7[%swap3A_299, %swap3A_300] {strides = array<i32>} : memref<2x4096xf32, #tpu.memory_space<vmem>>, vector<16xf32>,
          tpu.vector_store %arg7[%swap3A_299, %swap3A_300], %gather3A_255 {strides = array<i32>} : memref<2x4096xf32, #tpu.memory_space<vmem>>, vector<16xf32>,
          %add3A_302 = arith.constant 48 : i32
          %add3A_303 = arith.addi %mul3A_284, %add3A_302 : i32
          %swap3A_304 = arith.constant 1 : i32
          %swap3A_305 = arith.index_cast %swap3A_304 : i32 to index
          %swap3A_306 = arith.index_cast %add3A_303 : i32 to index
          %swap3A_307 = tpu.vector_load %arg7[%swap3A_305, %swap3A_306] {strides = array<i32>} : memref<2x4096xf32, #tpu.memory_space<vmem>>, vector<16xf32>,
          tpu.vector_store %arg7[%swap3A_305, %swap3A_306], %gather3A_260 {strides = array<i32>} : memref<2x4096xf32, #tpu.memory_space<vmem>>, vector<16xf32>,
          %add3A_308 = arith.constant 64 : i32
          %add3A_309 = arith.addi %mul3A_284, %add3A_308 : i32
          %swap3A_310 = arith.constant 1 : i32
          %swap3A_311 = arith.index_cast %swap3A_310 : i32 to index
          %swap3A_312 = arith.index_cast %add3A_309 : i32 to index
          %swap3A_313 = tpu.vector_load %arg7[%swap3A_311, %swap3A_312] {strides = array<i32>} : memref<2x4096xf32, #tpu.memory_space<vmem>>, vector<16xf32>,
          tpu.vector_store %arg7[%swap3A_311, %swap3A_312], %gather3A_265 {strides = array<i32>} : memref<2x4096xf32, #tpu.memory_space<vmem>>, vector<16xf32>,
          %add3A_314 = arith.constant 80 : i32
          %add3A_315 = arith.addi %mul3A_284, %add3A_314 : i32
          %swap3A_316 = arith.constant 1 : i32
          %swap3A_317 = arith.index_cast %swap3A_316 : i32 to index
          %swap3A_318 = arith.index_cast %add3A_315 : i32 to index
          %swap3A_319 = tpu.vector_load %arg7[%swap3A_317, %swap3A_318] {strides = array<i32>} : memref<2x4096xf32, #tpu.memory_space<vmem>>, vector<16xf32>,
          tpu.vector_store %arg7[%swap3A_317, %swap3A_318], %gather3A_270 {strides = array<i32>} : memref<2x4096xf32, #tpu.memory_space<vmem>>, vector<16xf32>,
          %add3A_320 = arith.constant 96 : i32
          %add3A_321 = arith.addi %mul3A_284, %add3A_320 : i32
          %swap3A_322 = arith.constant 1 : i32
          %swap3A_323 = arith.index_cast %swap3A_322 : i32 to index
          %swap3A_324 = arith.index_cast %add3A_321 : i32 to index
          %swap3A_325 = tpu.vector_load %arg7[%swap3A_323, %swap3A_324] {strides = array<i32>} : memref<2x4096xf32, #tpu.memory_space<vmem>>, vector<16xf32>,
          tpu.vector_store %arg7[%swap3A_323, %swap3A_324], %gather3A_275 {strides = array<i32>} : memref<2x4096xf32, #tpu.memory_space<vmem>>, vector<16xf32>,
          %add3A_326 = arith.constant 112 : i32
          %add3A_327 = arith.addi %mul3A_284, %add3A_326 : i32
          %swap3A_328 = arith.constant 1 : i32
          %swap3A_329 = arith.index_cast %swap3A_328 : i32 to index
          %swap3A_330 = arith.index_cast %add3A_327 : i32 to index
          %swap3A_331 = tpu.vector_load %arg7[%swap3A_329, %swap3A_330] {strides = array<i32>} : memref<2x4096xf32, #tpu.memory_space<vmem>>, vector<16xf32>,
          tpu.vector_store %arg7[%swap3A_329, %swap3A_330], %gather3A_280 {strides = array<i32>} : memref<2x4096xf32, #tpu.memory_space<vmem>>, vector<16xf32>,
        }
        %scan3A_196 = arith.constant 32 : i32
        %dma_start3A_197 = arith.constant 1 : i32
        %dma_start3A_198 = arith.constant 0 : i32
        %dma_start3A_199 = tpu.memref_slice %arg7[%dma_start3A_197, %dma_start3A_198] : memref<2x4096xf32, #tpu.memory_space<vmem>> -> memref<1x4096xf32, #tpu.memory_space<vmem>>
        %dma_start3A_200 = tpu.memref_squeeze %dma_start3A_199 : memref<1x4096xf32, #tpu.memory_space<vmem>> -> memref<4096xf32, #tpu.memory_space<vmem>>
        %dma_start3A_201 = arith.constant 12288 : i32
        %dma_start3A_202 = tpu.memref_slice %arg4[%add3A_96, %dma_start3A_201] : memref<1300x16384xf32, #tpu.memory_space<hbm>> -> memref<1x4096xf32, #tpu.memory_space<hbm>>
        %dma_start3A_203 = tpu.memref_squeeze %dma_start3A_202 : memref<1x4096xf32, #tpu.memory_space<hbm>> -> memref<4096xf32, #tpu.memory_space<hbm>>
        %dma_start3A_204 = arith.constant 12288 : i32
        %dma_start3A_205 = tpu.memref_slice %arg4[%add3A_96, %dma_start3A_204] : memref<1300x16384xf32, #tpu.memory_space<hbm>> -> memref<1x4096xf32, #tpu.memory_space<hbm>>
        %dma_start3A_206 = tpu.memref_squeeze %dma_start3A_205 : memref<1x4096xf32, #tpu.memory_space<hbm>> -> memref<4096xf32, #tpu.memory_space<hbm>>
        %dma_start3A_207 = arith.constant 0 : i32
        %dma_start3A_208 = tpu.memref_slice %arg7[%dma_start3A_197, %dma_start3A_207] : memref<2x4096xf32, #tpu.memory_space<vmem>> -> memref<1x4096xf32, #tpu.memory_space<vmem>>
        %dma_start3A_209 = tpu.memref_squeeze %dma_start3A_208 : memref<1x4096xf32, #tpu.memory_space<vmem>> -> memref<4096xf32, #tpu.memory_space<vmem>>
        tpu.enqueue_dma source(%dma_start3A_209 : memref<4096xf32, #tpu.memory_space<vmem>>) target(%dma_start3A_206 : memref<4096xf32, #tpu.memory_space<hbm>>) target_semaphore(%arg11 : memref<!tpu.dma_semaphore, #tpu.memory_space<semaphore_mem>>)
        %dma_wait3A_210 = arith.constant 0 : i32
        %dma_wait3A_211 = arith.constant 0 : i32
        %dma_wait3A_212 = tpu.memref_slice %arg7[%dma_wait3A_210, %dma_wait3A_211] : memref<2x4096xf32, #tpu.memory_space<vmem>> -> memref<1x4096xf32, #tpu.memory_space<vmem>>
        %dma_wait3A_213 = tpu.memref_squeeze %dma_wait3A_212 : memref<1x4096xf32, #tpu.memory_space<vmem>> -> memref<4096xf32, #tpu.memory_space<vmem>>
        %dma_wait3A_214 = arith.constant 8192 : i32
        %dma_wait3A_215 = tpu.memref_slice %arg4[%add3A_96, %dma_wait3A_214] : memref<1300x16384xf32, #tpu.memory_space<hbm>> -> memref<1x4096xf32, #tpu.memory_space<hbm>>
        %dma_wait3A_216 = tpu.memref_squeeze %dma_wait3A_215 : memref<1x4096xf32, #tpu.memory_space<hbm>> -> memref<4096xf32, #tpu.memory_space<hbm>>
        %dma_wait3A_217 = arith.constant 8192 : i32
        %dma_wait3A_218 = tpu.memref_slice %arg4[%add3A_96, %dma_wait3A_217] : memref<1300x16384xf32, #tpu.memory_space<hbm>> -> memref<1x4096xf32, #tpu.memory_space<hbm>>
        %dma_wait3A_219 = tpu.memref_squeeze %dma_wait3A_218 : memref<1x4096xf32, #tpu.memory_space<hbm>> -> memref<4096xf32, #tpu.memory_space<hbm>>
        %dma_wait3A_220 = arith.constant 0 : i32
        %dma_wait3A_221 = tpu.memref_slice %arg7[%dma_wait3A_210, %dma_wait3A_220] : memref<2x4096xf32, #tpu.memory_space<vmem>> -> memref<1x4096xf32, #tpu.memory_space<vmem>>
        %dma_wait3A_222 = tpu.memref_squeeze %dma_wait3A_221 : memref<1x4096xf32, #tpu.memory_space<vmem>> -> memref<4096xf32, #tpu.memory_space<vmem>>
        tpu.wait_dma2 semaphore(%arg10 : memref<!tpu.dma_semaphore, #tpu.memory_space<semaphore_mem>>) src(%dma_wait3A_222 : memref<4096xf32, #tpu.memory_space<vmem>>) dst(%dma_wait3A_219 : memref<4096xf32, #tpu.memory_space<hbm>>)
        %dma_wait3A_223 = arith.constant 1 : i32
        %dma_wait3A_224 = arith.constant 0 : i32
        %dma_wait3A_225 = tpu.memref_slice %arg7[%dma_wait3A_223, %dma_wait3A_224] : memref<2x4096xf32, #tpu.memory_space<vmem>> -> memref<1x4096xf32, #tpu.memory_space<vmem>>
        %dma_wait3A_226 = tpu.memref_squeeze %dma_wait3A_225 : memref<1x4096xf32, #tpu.memory_space<vmem>> -> memref<4096xf32, #tpu.memory_space<vmem>>
        %dma_wait3A_227 = arith.constant 12288 : i32
        %dma_wait3A_228 = tpu.memref_slice %arg4[%add3A_96, %dma_wait3A_227] : memref<1300x16384xf32, #tpu.memory_space<hbm>> -> memref<1x4096xf32, #tpu.memory_space<hbm>>
        %dma_wait3A_229 = tpu.memref_squeeze %dma_wait3A_228 : memref<1x4096xf32, #tpu.memory_space<hbm>> -> memref<4096xf32, #tpu.memory_space<hbm>>
        %dma_wait3A_230 = arith.constant 12288 : i32
        %dma_wait3A_231 = tpu.memref_slice %arg4[%add3A_96, %dma_wait3A_230] : memref<1300x16384xf32, #tpu.memory_space<hbm>> -> memref<1x4096xf32, #tpu.memory_space<hbm>>
        %dma_wait3A_232 = tpu.memref_squeeze %dma_wait3A_231 : memref<1x4096xf32, #tpu.memory_space<hbm>> -> memref<4096xf32, #tpu.memory_space<hbm>>
        %dma_wait3A_233 = arith.constant 0 : i32
        %dma_wait3A_234 = tpu.memref_slice %arg7[%dma_wait3A_223, %dma_wait3A_233] : memref<2x4096xf32, #tpu.memory_space<vmem>> -> memref<1x4096xf32, #tpu.memory_space<vmem>>
        %dma_wait3A_235 = tpu.memref_squeeze %dma_wait3A_234 : memref<1x4096xf32, #tpu.memory_space<vmem>> -> memref<4096xf32, #tpu.memory_space<vmem>>
        tpu.wait_dma2 semaphore(%arg11 : memref<!tpu.dma_semaphore, #tpu.memory_space<semaphore_mem>>) src(%dma_wait3A_235 : memref<4096xf32, #tpu.memory_space<vmem>>) dst(%dma_wait3A_232 : memref<4096xf32, #tpu.memory_space<hbm>>)
      }
    }
    return
  }
}

module attributes {stable_mosaic.version = 14 : i64} {
  func.func @_mlp_t_body(%arg0: i32, %arg1: memref<1300x2048xf32, #tpu.memory_space<vmem>>, %arg2: memref<13x2048xf32, #tpu.memory_space<vmem>>, %arg3: memref<256x1300xf32, #tpu.memory_space<vmem>>, %arg4: memref<256x13xf32, #tpu.memory_space<vmem>>, %arg5: memref<256x1xf32, #tpu.memory_space<vmem>>, %arg6: memref<128x256xf32, #tpu.memory_space<vmem>>, %arg7: memref<128x1xf32, #tpu.memory_space<vmem>>, %arg8: memref<64x128xf32, #tpu.memory_space<vmem>>, %arg9: memref<64x1xf32, #tpu.memory_space<vmem>>, %arg10: memref<1x64xf32, #tpu.memory_space<vmem>>, %arg11: memref<1x1xf32, #tpu.memory_space<vmem>>, %arg12: memref<1x1xf32, #tpu.memory_space<vmem>>, %arg13: memref<1x2048xf32, #tpu.memory_space<vmem>>) attributes {dimension_semantics = [#tpu.dimension_semantics<arbitrary>], iteration_bounds = array<i64: 8>, scalar_prefetch = 0 : i64, scratch_operands = 0 : i64, tpu.core_type = #tpu.core_type<tc>, window_params = [{transform_indices = @transform_0, window_bounds = array<i64: 1300, 2048>}, {transform_indices = @transform_1, window_bounds = array<i64: 13, 2048>}, {pipeline_mode = #tpu.pipeline_mode<synchronous>, transform_indices = @transform_2, window_bounds = array<i64: 256, 1300>}, {pipeline_mode = #tpu.pipeline_mode<synchronous>, transform_indices = @transform_3, window_bounds = array<i64: 256, 13>}, {pipeline_mode = #tpu.pipeline_mode<synchronous>, transform_indices = @transform_4, window_bounds = array<i64: 256, 1>}, {pipeline_mode = #tpu.pipeline_mode<synchronous>, transform_indices = @transform_5, window_bounds = array<i64: 128, 256>}, {pipeline_mode = #tpu.pipeline_mode<synchronous>, transform_indices = @transform_6, window_bounds = array<i64: 128, 1>}, {pipeline_mode = #tpu.pipeline_mode<synchronous>, transform_indices = @transform_7, window_bounds = array<i64: 64, 128>}, {pipeline_mode = #tpu.pipeline_mode<synchronous>, transform_indices = @transform_8, window_bounds = array<i64: 64, 1>}, {pipeline_mode = #tpu.pipeline_mode<synchronous>, transform_indices = @transform_9, window_bounds = array<i64: 1, 64>}, {pipeline_mode = #tpu.pipeline_mode<synchronous>, transform_indices = @transform_10, window_bounds = array<i64: 1, 1>}, {pipeline_mode = #tpu.pipeline_mode<synchronous>, transform_indices = @transform_11, window_bounds = array<i64: 1, 1>}, {transform_indices = @transform_12, window_bounds = array<i64: 1, 2048>}]} {
    %get3A = arith.constant 0 : index
    %get3A_0 = arith.constant 0 : index
    %get3A_1 = vector.load %arg1[%get3A, %get3A_0] : memref<1300x2048xf32, #tpu.memory_space<vmem>>, vector<1300x2048xf32>
    %get3A_2 = arith.constant 0 : index
    %get3A_3 = arith.constant 0 : index
    %get3A_4 = vector.load %arg2[%get3A_2, %get3A_3] : memref<13x2048xf32, #tpu.memory_space<vmem>>, vector<13x2048xf32>
    %get3A_5 = arith.constant 0 : index
    %get3A_6 = arith.constant 0 : index
    %get3A_7 = vector.load %arg3[%get3A_5, %get3A_6] : memref<256x1300xf32, #tpu.memory_space<vmem>>, vector<256x1300xf32>
    %dot_general3A = arith.constant dense<0.000000e+00> : vector<256x2048xf32>
    %dot_general3A_8 = tpu.matmul %get3A_7, %get3A_1, %dot_general3A {dimension_numbers = #tpu.dot_dimension_numbers<[1], [0], [0], [1], [0, 0, 1, 1], [], []>, transpose_lhs_hint = false} : vector<256x1300xf32>, vector<1300x2048xf32>, vector<256x2048xf32> -> vector<256x2048xf32>
    %get3A_9 = arith.constant 0 : index
    %get3A_10 = arith.constant 0 : index
    %get3A_11 = vector.load %arg4[%get3A_9, %get3A_10] : memref<256x13xf32, #tpu.memory_space<vmem>>, vector<256x13xf32>
    %dot_general3A_12 = arith.constant dense<0.000000e+00> : vector<256x2048xf32>
    %dot_general3A_13 = tpu.matmul %get3A_11, %get3A_4, %dot_general3A_12 {dimension_numbers = #tpu.dot_dimension_numbers<[1], [0], [0], [1], [0, 0, 1, 1], [], []>, transpose_lhs_hint = false} : vector<256x13xf32>, vector<13x2048xf32>, vector<256x2048xf32> -> vector<256x2048xf32>
    %add3A = arith.addf %dot_general3A_8, %dot_general3A_13 : vector<256x2048xf32>
    %get3A_14 = arith.constant 0 : index
    %get3A_15 = arith.constant 0 : index
    %get3A_16 = vector.load %arg5[%get3A_14, %get3A_15] : memref<256x1xf32, #tpu.memory_space<vmem>>, vector<256x1xf32>
    %add3A_17 = vector.broadcast %get3A_16 : vector<256x1xf32> to vector<256x2048xf32>
    %add3A_18 = arith.addf %add3A, %add3A_17 : vector<256x2048xf32>
    %max3A = arith.constant 0.000000e+00 : f32
    %max3A_19 = vector.broadcast %max3A : f32 to vector<256x2048xf32>
    %max3A_20 = arith.maximumf %add3A_18, %max3A_19 : vector<256x2048xf32>
    %get3A_21 = arith.constant 0 : index
    %get3A_22 = arith.constant 0 : index
    %get3A_23 = vector.load %arg6[%get3A_21, %get3A_22] : memref<128x256xf32, #tpu.memory_space<vmem>>, vector<128x256xf32>
    %dot_general3A_24 = arith.constant dense<0.000000e+00> : vector<128x2048xf32>
    %dot_general3A_25 = tpu.matmul %get3A_23, %max3A_20, %dot_general3A_24 {dimension_numbers = #tpu.dot_dimension_numbers<[1], [0], [0], [1], [0, 0, 1, 1], [], []>, transpose_lhs_hint = false} : vector<128x256xf32>, vector<256x2048xf32>, vector<128x2048xf32> -> vector<128x2048xf32>
    %get3A_26 = arith.constant 0 : index
    %get3A_27 = arith.constant 0 : index
    %get3A_28 = vector.load %arg7[%get3A_26, %get3A_27] : memref<128x1xf32, #tpu.memory_space<vmem>>, vector<128x1xf32>
    %add3A_29 = vector.broadcast %get3A_28 : vector<128x1xf32> to vector<128x2048xf32>
    %add3A_30 = arith.addf %dot_general3A_25, %add3A_29 : vector<128x2048xf32>
    %max3A_31 = arith.constant 0.000000e+00 : f32
    %max3A_32 = vector.broadcast %max3A_31 : f32 to vector<128x2048xf32>
    %max3A_33 = arith.maximumf %add3A_30, %max3A_32 : vector<128x2048xf32>
    %get3A_34 = arith.constant 0 : index
    %get3A_35 = arith.constant 0 : index
    %get3A_36 = vector.load %arg8[%get3A_34, %get3A_35] : memref<64x128xf32, #tpu.memory_space<vmem>>, vector<64x128xf32>
    %dot_general3A_37 = arith.constant dense<0.000000e+00> : vector<64x2048xf32>
    %dot_general3A_38 = tpu.matmul %get3A_36, %max3A_33, %dot_general3A_37 {dimension_numbers = #tpu.dot_dimension_numbers<[1], [0], [0], [1], [0, 0, 1, 1], [], []>, transpose_lhs_hint = false} : vector<64x128xf32>, vector<128x2048xf32>, vector<64x2048xf32> -> vector<64x2048xf32>
    %get3A_39 = arith.constant 0 : index
    %get3A_40 = arith.constant 0 : index
    %get3A_41 = vector.load %arg9[%get3A_39, %get3A_40] : memref<64x1xf32, #tpu.memory_space<vmem>>, vector<64x1xf32>
    %add3A_42 = vector.broadcast %get3A_41 : vector<64x1xf32> to vector<64x2048xf32>
    %add3A_43 = arith.addf %dot_general3A_38, %add3A_42 : vector<64x2048xf32>
    %max3A_44 = arith.constant 0.000000e+00 : f32
    %max3A_45 = vector.broadcast %max3A_44 : f32 to vector<64x2048xf32>
    %max3A_46 = arith.maximumf %add3A_43, %max3A_45 : vector<64x2048xf32>
    %get3A_47 = arith.constant 0 : index
    %get3A_48 = arith.constant 0 : index
    %get3A_49 = vector.load %arg10[%get3A_47, %get3A_48] : memref<1x64xf32, #tpu.memory_space<vmem>>, vector<1x64xf32>
    %dot_general3A_50 = arith.constant dense<0.000000e+00> : vector<1x2048xf32>
    %dot_general3A_51 = tpu.matmul %get3A_49, %max3A_46, %dot_general3A_50 {dimension_numbers = #tpu.dot_dimension_numbers<[1], [0], [0], [1], [0, 0, 1, 1], [], []>, transpose_lhs_hint = false} : vector<1x64xf32>, vector<64x2048xf32>, vector<1x2048xf32> -> vector<1x2048xf32>
    %get3A_52 = arith.constant 0 : index
    %get3A_53 = arith.constant 0 : index
    %get3A_54 = vector.load %arg11[%get3A_52, %get3A_53] : memref<1x1xf32, #tpu.memory_space<vmem>>, vector<1x1xf32>
    %add3A_55 = vector.broadcast %get3A_54 : vector<1x1xf32> to vector<1x2048xf32>
    %add3A_56 = arith.addf %dot_general3A_51, %add3A_55 : vector<1x2048xf32>
    %slice3A = vector.extract_strided_slice %get3A_4 {offsets = [0, 0], sizes = [1, 2048], strides = [1, 1]} : vector<13x2048xf32> to vector<1x2048xf32>
    %get3A_57 = arith.constant 0 : index
    %get3A_58 = arith.constant 0 : index
    %get3A_59 = vector.load %arg12[%get3A_57, %get3A_58] : memref<1x1xf32, #tpu.memory_space<vmem>>, vector<1x1xf32>
    %get3A_60 = vector.extract %get3A_59[0, 0] : f32 from vector<1x1xf32>
    %mul3A = vector.broadcast %get3A_60 : f32 to vector<1x2048xf32>
    %mul3A_61 = arith.mulf %slice3A, %mul3A : vector<1x2048xf32>
    %add3A_62 = arith.addf %add3A_56, %mul3A_61 : vector<1x2048xf32>
    %swap3A = arith.constant 0 : index
    %swap3A_63 = arith.constant 0 : index
    %swap3A_64 = vector.load %arg13[%swap3A, %swap3A_63] : memref<1x2048xf32, #tpu.memory_space<vmem>>, vector<1x2048xf32>
    tpu.vector_store %arg13[%swap3A, %swap3A_63], %add3A_62 {strides = array<i32>} : memref<1x2048xf32, #tpu.memory_space<vmem>>, vector<1x2048xf32>,
    return
  }
  func.func @transform_0(%arg0: i32) -> (i32, i32) {
    %c0_i32 = arith.constant 0 : i32
    %c0_i32_0 = arith.constant 0 : i32
    return %c0_i32, %arg0 : i32, i32
  }
  func.func @transform_1(%arg0: i32) -> (i32, i32) {
    %c0_i32 = arith.constant 0 : i32
    %c0_i32_0 = arith.constant 0 : i32
    return %c0_i32, %arg0 : i32, i32
  }
  func.func @transform_2(%arg0: i32) -> (i32, i32) {
    %c0_i32 = arith.constant 0 : i32
    %c0_i32_0 = arith.constant 0 : i32
    %c0_i32_1 = arith.constant 0 : i32
    return %c0_i32, %c0_i32_0 : i32, i32
  }
  func.func @transform_3(%arg0: i32) -> (i32, i32) {
    %c0_i32 = arith.constant 0 : i32
    %c0_i32_0 = arith.constant 0 : i32
    %c0_i32_1 = arith.constant 0 : i32
    return %c0_i32, %c0_i32_0 : i32, i32
  }
  func.func @transform_4(%arg0: i32) -> (i32, i32) {
    %c0_i32 = arith.constant 0 : i32
    %c0_i32_0 = arith.constant 0 : i32
    %c0_i32_1 = arith.constant 0 : i32
    return %c0_i32, %c0_i32_0 : i32, i32
  }
  func.func @transform_5(%arg0: i32) -> (i32, i32) {
    %c0_i32 = arith.constant 0 : i32
    %c0_i32_0 = arith.constant 0 : i32
    %c0_i32_1 = arith.constant 0 : i32
    return %c0_i32, %c0_i32_0 : i32, i32
  }
  func.func @transform_6(%arg0: i32) -> (i32, i32) {
    %c0_i32 = arith.constant 0 : i32
    %c0_i32_0 = arith.constant 0 : i32
    %c0_i32_1 = arith.constant 0 : i32
    return %c0_i32, %c0_i32_0 : i32, i32
  }
  func.func @transform_7(%arg0: i32) -> (i32, i32) {
    %c0_i32 = arith.constant 0 : i32
    %c0_i32_0 = arith.constant 0 : i32
    %c0_i32_1 = arith.constant 0 : i32
    return %c0_i32, %c0_i32_0 : i32, i32
  }
  func.func @transform_8(%arg0: i32) -> (i32, i32) {
    %c0_i32 = arith.constant 0 : i32
    %c0_i32_0 = arith.constant 0 : i32
    %c0_i32_1 = arith.constant 0 : i32
    return %c0_i32, %c0_i32_0 : i32, i32
  }
  func.func @transform_9(%arg0: i32) -> (i32, i32) {
    %c0_i32 = arith.constant 0 : i32
    %c0_i32_0 = arith.constant 0 : i32
    %c0_i32_1 = arith.constant 0 : i32
    return %c0_i32, %c0_i32_0 : i32, i32
  }
  func.func @transform_10(%arg0: i32) -> (i32, i32) {
    %c0_i32 = arith.constant 0 : i32
    %c0_i32_0 = arith.constant 0 : i32
    %c0_i32_1 = arith.constant 0 : i32
    return %c0_i32, %c0_i32_0 : i32, i32
  }
  func.func @transform_11(%arg0: i32) -> (i32, i32) {
    %c0_i32 = arith.constant 0 : i32
    %c0_i32_0 = arith.constant 0 : i32
    %c0_i32_1 = arith.constant 0 : i32
    return %c0_i32, %c0_i32_0 : i32, i32
  }
  func.func @transform_12(%arg0: i32) -> (i32, i32) {
    %c0_i32 = arith.constant 0 : i32
    %c0_i32_0 = arith.constant 0 : i32
    return %c0_i32, %arg0 : i32, i32
  }
}

</mosaic_0001>

<sc_bundles>
// kernel: kernel.4.cloned.1.call-start
scs
__scs_entry_jumppad:
0x0: {  	(pc) =	sbr.rel $0x88, $3  }
0x1: {  	(tag) =	ssettag $0x0;
	lr =	simm.s32 $0x1  }
0x2: {  	[smem:$0x3F95] =	sst lr;
	_ =	strace $0xD0000000  }
0x3: {  	_ = 	snop  }
0x4: {  	_ = 	snop  }
0x5: {  	_ = 	snop  }
0x6: {  	_ = 	snop  }
0x7: {  	_ = 	snop  }
__scs_overlays_trampoline_lowered:
0x8: {  	[smem:$0x3FA4] =	sst s0  }
0x9: {  	[smem:$0x3FA5] =	sst s1  }
0xa: {  	[smem:$0x3FA6] =	sst s2  }
0xb: {  	[smem:$0x3FA7] =	sst s3  }
0xc: {  	[smem:$0x3FA8] =	sst s4  }
0xd: {  	[smem:$0x3FA9] =	sst s5  }
0xe: {  	[smem:$0x3FAA] =	sst s6  }
0xf: {  	[smem:$0x3FAB] =	sst s7  }
0x10: {  	[smem:$0x3FAC] =	sst s8  }
0x11: {  	[smem:$0x3FAD] =	sst s9;
	s0 =	simm.s32 @!p0 $0x0  }
0x12: {  	s1 =	sld [smem:$0x3F93];
	s0 =	simm.s32 @p0 $0x1  }
0x13: {  	[smem:$0x3FAE] =	sst s0;
	s0 =	simm.s32 @!p1 $0x0  }
0x14: {  	s2 =	sld [smem:$0x3F92];
	s0 =	simm.s32 @p1 $0x1  }
0x15: {  	[smem:$0x3FAF] =	sst s0;
	s0 =	simm.s32 @!p2 $0x0  }
0x16: {  	s3 =	sld [smem:$0x3FDB];
	s0 =	simm.s32 @p2 $0x1  }
0x17: {  	s4 =	simm.s32 $0x1BF5;
	[smem:$0x3FB1] =	sst s0  }
0x18: {  	s0 =	sld [smem:$0x3F94];
	_ =	swait.ge [sflag:s4], $0x0  }
0x19: {  	s7 =	sld [smem:$0x3F95]  }
0x1a: {  	s8 =	sadd.s32 $0xFFFFE003, lr  }
0x1b: {  	s9 =	sadd.s32 $0xFFFFFEF7, lr;
	s5 =	simm.s32 $0xFFFFFFFF;
	p2 =	slt.u32 s8, $0xFFFFF086  }
0x1c: {  	p1 =	slt.u32 s9, $0xF7A;
	s5 =	simm.s32 @!p2 $0x0  }
0x1d: {  	s5 =	simm.s32 @p1 $0x1;
	p0 =	seq.s32 s7, s2  }
0x1e: {  	s7 =	smul.u32 @!p0 $0xF7A, s2;
	p2 =	seq.s32 @!p0 s5, $0x0  }
0x1f: {  	s9 =	smul.u32 $0xF7A, s1;
	s8 =	simm.s32 @!p0 $0x1BF5;
	p2 =	por !p2, p0  }
0x20: {  	[sflag:s8] =	ssyncset.s32 @!p0 $0xFFFFF086;
	s6 =	sadd.s32 @!p0 s3, s7;
	s7 =	simm.s32 @!p0 $0x108  }
0x21: {  	s3 =	sadd.s32 s3, s9;
	s6 =	sadd.s32 @!p0 $0x88, s6;
	s7 =	simm.s32 @p2 $0x1082  }
0x22: {  	[simem:s7], [sflag:s8] =	dma.local @!p0 [hbm:s6], $0xF7A  }
0x23: {  	s9 =	sor.u32 $0xD0000000, s2;
	s6 =	simm.s32 $0x108;
	_ =	swait.ge @!p0 [sflag:s8], $0x0  }
0x24: {  	s3 =	sadd.s32 $0x88, s3;
	s6 =	simm.s32 @!p1 $0x1082;
	[sflag:s4] =	ssyncset.s32 $0xFFFFF086  }
0x25: {  	[simem:s6], [sflag:s4] =	dma.local [hbm:s3], $0xF7A  }
0x26: {  	[smem:$0x3F95] =	sst s1;
	(tag) =	ssettag s2;
	_ =	strace s9  }
0x27: {  	s1 =	sld [smem:$0x3FA5]  }
0x28: {  	s2 =	sld [smem:$0x3FA6]  }
0x29: {  	s4 =	sld [smem:$0x3FA8]  }
0x2a: {  	p0 =	seq.s32 s5, $0x0;
	s5 =	sld [smem:$0x3FA9]  }
0x2b: {  	s6 =	sld [smem:$0x3FAA]  }
0x2c: {  	s7 =	sld [smem:$0x3FAB]  }
0x2d: {  	s3 =	simm.s32 $0x108;
	s8 =	sld [smem:$0x3FAC]  }
0x2e: {  	s3 =	simm.s32 @!p0 $0x1082;
	s9 =	sld [smem:$0x3FAD]  }
0x2f: {  	lr =	sadd.s32 s0, s3;
	s0 =	sld [smem:$0x3FA4]  }
0x30: {  	s3 =	sld [smem:$0x3FA7]  }
0x31: {  	[smem:$0x3FB0] =	sst s10  }
0x32: {  	s10 =	sld [smem:$0x3FAE];
	_ =	sdelay $0x3  }
0x33: {  	p0 =	seq.s32 s10, $0x1;
	s10 =	sld [smem:$0x3FB0];
	_ =	sdelay $0x3  }
0x34: {  	[smem:$0x3FB0] =	sst s10  }
0x35: {  	s10 =	sld [smem:$0x3FAF];
	_ =	sdelay $0x3  }
0x36: {  	p1 =	seq.s32 s10, $0x1;
	s10 =	sld [smem:$0x3FB0];
	_ =	sdelay $0x3  }
0x37: {  	[smem:$0x3FB0] =	sst s10  }
0x38: {  	s10 =	sld [smem:$0x3FB1]  }
0x39: {  	_ = 	snop;
	(pc) =	sbr.ind lr, $3  }
0x3a: {  	_ = 	snop  }
0x3b: {  	_ = 	snop  }
0x3c: {  	p2 =	seq.s32 s10, $0x1;
	s10 =	sld [smem:$0x3FB0]  }
0x3d: {  	_ =	shalt  }
0x3e: {  	_ =	shalt  }
0x3f: {  	_ =	shalt  }
0x40: {  	_ =	shalt  }
0x41: {  	_ =	shalt  }
0x42: {  	_ =	shalt  }
0x43: {  	_ =	shalt  }
0x44: {  	_ =	shalt  }
0x45: {  	_ =	shalt  }
0x46: {  	_ =	shalt  }
0x47: {  	_ =	shalt  }
0x48: {  	_ =	shalt  }
0x49: {  	_ =	shalt  }
0x4a: {  	_ =	shalt  }
0x4b: {  	_ =	shalt  }
0x4c: {  	_ =	shalt  }
0x4d: {  	_ =	shalt  }
0x4e: {  	_ =	shalt  }
0x4f: {  	_ =	shalt  }
0x50: {  	_ =	shalt  }
0x51: {  	_ =	shalt  }
0x52: {  	_ =	shalt  }
0x53: {  	_ =	shalt  }
0x54: {  	_ =	shalt  }
0x55: {  	_ =	shalt  }
0x56: {  	_ =	shalt  }
0x57: {  	_ =	shalt  }
0x58: {  	_ =	shalt  }
0x59: {  	_ =	shalt  }
0x5a: {  	_ =	shalt  }
0x5b: {  	_ =	shalt  }
0x5c: {  	_ =	shalt  }
0x5d: {  	_ =	shalt  }
0x5e: {  	_ =	shalt  }
0x5f: {  	_ =	shalt  }
0x60: {  	_ =	shalt  }
0x61: {  	_ =	shalt  }
0x62: {  	_ =	shalt  }
0x63: {  	_ =	shalt  }
0x64: {  	_ =	shalt  }
0x65: {  	_ =	shalt  }
0x66: {  	_ =	shalt  }
0x67: {  	_ =	shalt  }
0x68: {  	_ =	shalt  }
0x69: {  	_ =	shalt  }
0x6a: {  	_ =	shalt  }
0x6b: {  	_ =	shalt  }
0x6c: {  	_ =	shalt  }
0x6d: {  	_ =	shalt  }
0x6e: {  	_ =	shalt  }
0x6f: {  	_ =	shalt  }
0x70: {  	_ =	shalt  }
0x71: {  	_ =	shalt  }
0x72: {  	_ =	shalt  }
0x73: {  	_ =	shalt  }
0x74: {  	_ =	shalt  }
0x75: {  	_ =	shalt  }
0x76: {  	_ =	shalt  }
0x77: {  	_ =	shalt  }
0x78: {  	_ =	shalt  }
0x79: {  	_ =	shalt  }
0x7a: {  	_ =	shalt  }
0x7b: {  	_ =	shalt  }
0x7c: {  	_ =	shalt  }
0x7d: {  	_ =	shalt  }
0x7e: {  	_ =	shalt  }
0x7f: {  	_ =	shalt  }
0x80: {  	_ =	shalt  }
0x81: {  	_ =	shalt  }
0x82: {  	_ =	shalt  }
0x83: {  	_ =	shalt  }
0x84: {  	_ =	shalt  }
0x85: {  	_ =	shalt  }
0x86: {  	_ =	shalt  }
0x87: {  	_ =	shalt  }
.Lfunc_end0:
.L_simem_size_0:
called_computation_lowered:
.L_overlay_start_0:
0x88: {  	s2 =	sld [smem:$0x3FD9]  }
0x89: {  	s3 =	sld [smem:$0x3FFE];
	_ =	sdelay $0x1  }
0x8a: {  	s1 =	srdreg.scid  }
0x8b: {  	s0 =	sand.u32 $0x1, s1  }
0x8c: {  	s17 =	sshll.u32 s0, $0xA;
	s2 =	sadd.s32 s3, s2  }
0x8d: {  	s2 =	sadd.s32 s2, s17  }
0x8e: {  	[smem:$0x3FBC] =	sst s2  }
0x8f: {  	_ = 	snop  }
0x90: {  	s2 =	sld [smem:$0x3FC9]  }
0x91: {  	s18 =	sld [smem:$0x3FC7];
	(tm) =	ssettm $0x1  }
0x92: {  	s4 =	sld [smem:$0x3FFB];
	_ =	sdelay $0x3  }
0x93: {  	_ =	strace s4  }
0x94: {  	s4 =	sld [smem:$0x3FFC];
	_ =	sdelay $0x3  }
0x95: {  	_ =	strace s4  }
0x96: {  	s4 =	sld [smem:$0x3FFD];
	_ =	sdelay $0x3  }
0x97: {  	_ =	strace s4  }
0x98: {  	_ =	strace $0x8FFFFFFF  }
0x99: {  	s19 =	sld [smem:$0x3FDB];
	_ =	sdelay $0x1  }
0x9a: {  	s5 =	simm.s32 $_scs_section_size  }
0x9b: {  	s6 =	simm.s32 $_size__tile_overlayer_lowered;
	s7 =	simm.s32 $_tile_overlayer_lowered  }
0x9c: {  	s22 =	simm.s32 $0x1BFF;
	s21 =	sshll.u32 s7, $0x1;
	s4 =	sadd.s32 s5, s19  }
0x9d: {  	s8 =	simm.s32 $0x0;
	s20 =	sshll.u32 s6, $0x1;
	s6 =	sadd.s32 s21, s4  }
0x9e: {  	[timem:s8], [sflag:s22] =	dma.local [hbm:s6], s20  }
0x9f: {  	_ =	swait.ge [sflag:s22], s20  }
0xa0: {  	s5 =	ssub.s32 $0x0, s20;
	[sflag:s22] =	ssyncset.done $0x0  }
0xa1: {  	[sflag:s22] =	ssyncadd.s32 s5;
	_ =	sdelay $0x1  }
0xa2: {  	s23 =	simm.s32 $0x1B8B  }
0xa3: {  	_ =	swait.ge [sflag:s23], $0x1  }
0xa4: {  	[sflag:s23] =	ssyncset.done $0x0  }
0xa5: {  	s25 =	simm.s32 $0x1B8E;
	s24 =	sld [smem:$0x3FFE];
	[sflag:s23] =	ssyncadd.s32 $0xFFFFFFFF  }
0xa6: {  	s26 =	simm.s32 $execute0_lowered;
	[smem:$0x3FD2] =	sst s25  }
0xa7: {  	s6 =	sshll.u32 s26, $0x1;
	_ =	strace $0x80000046;
	[dreg:$0x1] =	wrdreg $0xFFFFFFFF  }
0xa8: {  	s28 =	simm.s32 $_size_execute0_lowered;
	s4 =	sadd.s32 s4, s6;
	[dreg:$0x0] =	wrdreg $0x0  }
0xa9: {  	s6 =	sshll.u32 s28, $0x1;
	[dreg:$0x2] =	wrdreg s4  }
0xaa: {  	[dreg:$0x3] =	wrdreg s6  }
0xab: {  	[dreg:$0x4] =	wrdreg $0xC0  }
0xac: {  	_ =	task [dreg:s8], $0x5FFFF  }
0xad: {  	[dreg:$0x1] =	wrdreg $0xFFFFFFFF  }
0xae: {  	[dreg:$0x0] =	wrdreg $0x60  }
0xaf: {  	[dreg:$0x2] =	wrdreg s18  }
0xb0: {  	[dreg:$0x3] =	wrdreg s2  }
0xb1: {  	[dreg:$0x4] =	wrdreg s24  }
0xb2: {  	[dreg:$0x5] =	wrdreg $0x9  }
0xb3: {  	_ =	task.clear_ibuf [dreg:s8], $0x6FFFF;
	_ =	strace $0x90000046  }
0xb4: {  	s29 =	simm.s32 $0x9;
	_ =	strace $0x80000048  }
0xb5: {  	_ =	swait.ge [sflag:s29], $0x1  }
0xb6: {  	[sflag:s29] =	ssyncadd.s32 $0xFFFFFFFF  }
0xb7: {  	_ =	strace $0x90000048  }
0xb8: {  	_ =	sfence  }
0xb9: {  	s30 =	sld [smem:$0x0];
	_ =	sdelay $0x2  }
0xba: {  	s31 =	sshll.u32 s1, $0xD;
	s1 =	sshrl.u32 s1, $0x2  }
0xbb: {  	s3 =	sand.u32 $0x4000, s31;
	s1 =	sadd.s32 s1, s30  }
0xbc: {  	s0 =	sor.u32 s3, s0;
	s1 =	sshll.u32 s1, $0x11  }
0xbd: {  	s0 =	sor.u32 s1, s0  }
0xbe: {  	s0 =	sadd.s32 $0x8F2B, s0  }
0xbf: {  	[sflag:s0] =	ssyncadd.remote.s32 $0x1  }
0xc0: {  	_ =	sfence.sel $0xFFFF  }
0xc1: {  	[dreg:$0x0] =	wrdreg $0xFFFFFFFF;
	(pc) =	sbr.abs _section_cstart, $3  }
0xc2: {  	[dreg:$0x1] =	wrdreg $0xFFFFFFFF  }
0xc3: {  	_ =	task.clear_ibuf [dreg:s8], $0x2FFFF;
	_ =	strace $0x9FFFFFFF  }
0xc4: {  	(tm) =	ssettm $0x7FFFFFFF  }
0xc5: {  	_ =	shalt  }
tec
execute0_lowered:
.L_overlay_start_1:
0x0: {  	(tag) =	ssettag $0x1  }
0x1: {  	s0 =	srdreg.scid  }
0x2: {  	s9 =	sand.u32 $0x1, s0  }
0x3: {  	s1 =	stileid.u32;
	s0 =	sshll.u32 s9, $0x4  }
0x4: {  	s0 =	sor.u32 s1, s0  }
0x5: {  	s1 =	smul.u32 $0x28, s0  }
0x6: {  	s2 =	smin.u32 s0, $0x14;
	p0 =	slt.u32 s0, $0x14;
	s0 =	simm.s32 $0x1  }
0x7: {  	s0 =	simm.s32 @!p0 $0x0;
	s1 =	sadd.s32 s2, s1  }
0x8: {  	s10 =	sadd.s32 s0, s1  }
0x9: {  	s0 =	sadd.s32 $0x27, s10  }
0xa: {  	s0 =	sand.u32 $0xFFFE, s0  }
0xb: {  	s3 =	smul.u32 $0x51F, s1;
	s0 =	sshrl.u32 s0, $0x1  }
0xc: {  	s0 =	smul.u32 $0x147B, s0;
	_ =	sdelay $0x1  }
0xd: {  	s6 =	sshrl.u32 s3, $0x10;
	s7 =	sshrl.u32 s0, $0x11  }
0xe: {  	p0 =	sgt.u32 s6, s7  }
.Ltmp0:
0xf: {  	_ = 	snop;
	(pc) =	sbr.rel @!p0 .LBB2_1-.Ltmp0, $4  }
0x10: {  	s4 =	rddreg [dreg:$0x1]  }
0x11: {  	s13 =	rddreg [dreg:$0x2];
	s5 =	simm.s32 $0x0  }
0x12: {  	[smem:$0x7FF] =	sst s5  }
0x13: {  	s8 =	simm.s32 $0x1;
	s2 =	rddreg [dreg:$0x0];
	_ =	strace $0x80000047  }
.LBB2_24:
0x14: {  	_ =	sfence.sel $0x180000  }
0x15: {  	[bflag:$0x0] =	sbarrier.arrive $0xFFFF  }
0x16: {  	_ =	strace $0x90000047  }
0x17: {  	s0 =	stileid.u32;
	[bflag:$0x2] =	sbarrier.arrive $0xFFFF  }
0x18: {  	p0 =	sne.s32 s0, $0x0;
	s0 =	rddreg [dreg:$0x3]  }
0x19: {  	s0 =	sadd.s32 @!p0 $0x100000, s0  }
0x1a: {  	[sflag:s0] =	ssyncadd.tile.s32 @!p0 $0x1;
	_ =	shalt  }
.LBB2_1:
0x1b: {  	s0 =	ssub.s32 $0x2, s9;
	s9 =	sadd.s32 $0x1800, s13  }
.Ltmp1:
0x1c: {  	s10 =	sadd.s32 $0x28, s10;
	s11 =	sadd.s32 $0x2800, s13;
	(pc) =	sbr.rel .LBB2_2-.Ltmp1, $4  }
0x1d: {  	s12 =	sadd.s32 $0x3800, s13;
	s13 =	sadd.s32 $0x4800, s13;
	s15 =	simm.s32 $0x80  }
0x1e: {  	s16 =	simm.s32 $0x400;
	s17 =	simm.s32 $0x18700;
	s3 =	sshrl.u32 s0, $0x1  }
0x1f: {  	s18 =	simm.s32 $0x2;
	s19 =	simm.s32 $0x3;
	s0 =	ssub.s32 s0, s3  }
0x20: {  	s20 =	simm.s32 $0x4;
	s21 =	simm.s32 $0x0;
	s14 =	smax.u32 s0, $0x1  }
.LBB2_23:
0x21: {  	s21 =	sadd.s32 $0x1, s21  }
0x22: {  	p0 =	sne.s32 s21, s14  }
.Ltmp2:
0x23: {  	_ = 	snop;
	(pc) =	sbr.rel @!p0 .LBB2_24-.Ltmp2, $1  }
0x24: {  	_ =	sdelay $0x3  }
.LBB2_2:
.Ltmp3:
0x25: {  	(pc) =	sbr.rel .LBB2_3-.Ltmp3, $2  }
0x26: {  	_ =	sdelay $0x2  }
0x27: {  	s22 =	smov.u32 s6  }
.LBB2_22:
0x28: {  	p0 =	sne.s32 s22, s7  }
.Ltmp4:
0x29: {  	_ = 	snop;
	(pc) =	sbr.rel @!p0 .LBB2_23-.Ltmp4, $3  }
0x2a: {  	_ =	sdelay $0x1  }
0x2b: {  	s0 =	sadd.s32 $0x1, s22  }
0x2c: {  	s22 =	smov.u32 s0  }
.LBB2_3:
0x2d: {  	s23 =	smul.u32 $0x32, s22  }
0x2e: {  	s0 =	sshll.u32 s22, $0xE;
	s3 =	sshll.u32 s22, $0x7  }
0x2f: {  	s0 =	sand.u32 $0x7FFE0000, s0;
	s24 =	ssub.s32 s10, s23;
	s25 =	ssub.s32 s1, s23  }
0x30: {  	s3 =	sand.u32 $0x380, s3;
	p0 =	slt.s32 s24, $0x32;
	p1 =	sgt.s32 s25, $0x0  }
0x31: {  	s0 =	sor.u32 s3, s0;
	s24 =	simm.s32 @!p0 $0x32;
	s25 =	simm.s32 @!p1 $0x0  }
0x32: {  	s0 =	sshrl.u32 s0, $0x3;
	p0 =	sge.s32 s25, s24  }
.Ltmp5:
0x33: {  	s0 =	sadd.s32 s4, s0;
	(pc) =	sbr.rel @p0 .LBB2_22-.Ltmp5, $4  }
0x34: {  	[tilespmem:s17], [sflag:$0x2] =	stream.strided.gather [hbm4b:s0+s15], $0x4000, s16, s15, $0x38;
	[tilespmem:$0x1E700] =	vst v63  }
0x35: {  	_ =	swait.ge [sflag:s18], $0x4000  }
0x36: {  	[sflag:s18] =	ssyncset.done $0x0  }
0x37: {  	[sflag:s18] =	ssyncadd.s32 $0xFFFFC000  }
0x38: {  	s26 =	smul.u32 $0x558800, s22  }
.LBB2_5:
0x39: {  	s0 =	sshrl.u32 s25, $0x3  }
0x3a: {  	s0 =	smul.u32 $0xC3800, s0  }
0x3b: {  	s3 =	sshll.u32 s25, $0x7  }
0x3c: {  	s3 =	sand.u32 $0x380, s3;
	s0 =	sadd.s32 s26, s0  }
0x3d: {  	s0 =	sor.u32 s3, s0  }
0x3e: {  	s0 =	sshrl.u32 s0, $0x3  }
0x3f: {  	s28 =	simm.s32 $0x0;
	s0 =	sadd.s32 s2, s0  }
0x40: {  	[tilespmem:s28], [sflag:$0x1] =	stream.strided.gather [hbm4b:s0+s15], $0x18700, s16, s15, $0x38;
	[tilespmem:$0x1E700] =	vst v63  }
0x41: {  	_ =	swait.ge [sflag:s8], $0x18700  }
0x42: {  	[sflag:s8] =	ssyncset.done $0x0  }
0x43: {  	s29 =	simm.s32 $0x18740;
	[sflag:s8] =	ssyncadd.s32 $0xFFFE7900  }
0x44: {  	v0 =	vld [tilespmem:s29+$0xFFFFFFC0]  }
0x45: {  	s30 =	simm.s32 $0x400;
	v1 =	vld [tilespmem:s29+$0x30]  }
.LBB2_6:
0x46: {  	p0 =	sne.s32 s30, $0x7C00;
	v2 =	vld [tilespmem:s29+$0xFFFFFFD0]  }
0x47: {  	v3 =	vld [tilespmem:s29+$0xFFFFFFE0]  }
0x48: {  	v4 =	vld [tilespmem:s29+$0xFFFFFFF0]  }
0x49: {  	v5 =	vld [tilespmem:s29+$0x0]  }
0x4a: {  	v6 =	vld [tilespmem:s29+$0x10]  }
0x4b: {  	v7 =	vld [tilespmem:s29+$0x20]  }
0x4c: {  	v0 =	vld.idx.msk [tilespmem:v0+s5+$0x0], $0xffff  }
0x4d: {  	v1 =	vld.idx.msk [tilespmem:v1+s5+$0x0], $0xffff  }
0x4e: {  	v2 =	vld.idx.msk [tilespmem:v2+s5+$0x0], $0xffff  }
0x4f: {  	v3 =	vld.idx.msk [tilespmem:v3+s5+$0x0], $0xffff  }
0x50: {  	v4 =	vld.idx.msk [tilespmem:v4+s5+$0x0], $0xffff  }
0x51: {  	v5 =	vld.idx.msk [tilespmem:v5+s5+$0x0], $0xffff  }
0x52: {  	s0 =	sshra.s32 s28, $0x2;
	s28 =	smov.u32 s30;
	v6 =	vld.idx.msk [tilespmem:v6+s5+$0x0], $0xffff  }
0x53: {  	v7 =	vld.idx.msk [tilespmem:v7+s5+$0x0], $0xffff;
	[tilespmem:s0+$0x1C770] =	vst v1  }
0x54: {  	[tilespmem:s0+$0x1C700] =	vst v0  }
0x55: {  	[tilespmem:s0+$0x1C710] =	vst v2  }
0x56: {  	[tilespmem:s0+$0x1C720] =	vst v3  }
0x57: {  	[tilespmem:s0+$0x1C730] =	vst v4  }
.Ltmp6:
0x58: {  	[tilespmem:s0+$0x1C740] =	vst v5;
	(pc) =	sbr.rel @p0 .LBB2_6-.Ltmp6, $4  }
0x59: {  	[tilespmem:s0+$0x1C750] =	vst v6  }
0x5a: {  	s29 =	sadd.s32 $0x80, s29;
	[tilespmem:s0+$0x1C760] =	vst v7  }
0x5b: {  	v0 =	vld [tilespmem:s29+$0xFFFFFFC0]  }
0x5c: {  	s30 =	sadd.s32 $0x400, s30;
	v1 =	vld [tilespmem:s29+$0x30]  }
0x5d: {  	_ = 	snop  }
0x5e: {  	v2 =	vld [tilespmem:s29+$0xFFFFFFD0]  }
0x5f: {  	v3 =	vld [tilespmem:s29+$0xFFFFFFE0]  }
0x60: {  	v4 =	vld [tilespmem:s29+$0xFFFFFFF0]  }
0x61: {  	v5 =	vld [tilespmem:s29+$0x0]  }
0x62: {  	v6 =	vld [tilespmem:s29+$0x10]  }
0x63: {  	v7 =	vld [tilespmem:s29+$0x20]  }
0x64: {  	v0 =	vld.idx.msk [tilespmem:v0+s5+$0x0], $0xffff  }
0x65: {  	v1 =	vld.idx.msk [tilespmem:v1+s5+$0x0], $0xffff  }
0x66: {  	v2 =	vld.idx.msk [tilespmem:v2+s5+$0x0], $0xffff  }
0x67: {  	v3 =	vld.idx.msk [tilespmem:v3+s5+$0x0], $0xffff  }
0x68: {  	v4 =	vld.idx.msk [tilespmem:v4+s5+$0x0], $0xffff  }
0x69: {  	v5 =	vld.idx.msk [tilespmem:v5+s5+$0x0], $0xffff  }
0x6a: {  	s0 =	sshra.s32 s28, $0x2;
	v6 =	vld.idx.msk [tilespmem:v6+s5+$0x0], $0xffff  }
0x6b: {  	v7 =	vld.idx.msk [tilespmem:v7+s5+$0x0], $0xffff;
	[tilespmem:s0+$0x1C700] =	vst v0  }
0x6c: {  	[tilespmem:s0+$0x1C770] =	vst v1  }
0x6d: {  	s3 =	sadd.s32 s23, s25;
	[tilespmem:s0+$0x1C710] =	vst v2  }
0x6e: {  	s28 =	sshll.u32 s3, $0xE;
	s3 =	sshll.u32 s3, $0x7;
	[tilespmem:s0+$0x1C720] =	vst v3  }
0x6f: {  	s28 =	sand.u32 $0x7FFE0000, s28;
	s3 =	sand.u32 $0x380, s3;
	[tilespmem:s0+$0x1C730] =	vst v4  }
0x70: {  	s3 =	sor.u32 s3, s28;
	[tilespmem:s0+$0x1C740] =	vst v5  }
0x71: {  	s29 =	simm.s32 $0x0;
	s28 =	sshrl.u32 s3, $0x3;
	[tilespmem:s0+$0x1C750] =	vst v6  }
0x72: {  	s30 =	simm.s32 $0x0;
	s3 =	sadd.s32 s9, s28;
	[tilespmem:s0+$0x1C760] =	vst v7;
	s0 =	simm.s32 $0x1C700  }
.LBB2_8:
0x73: {  	p0 =	sne.s32 s30, $0xF80  }
.Ltmp7:
0x74: {  	_ = 	snop;
	(pc) =	sbr.rel @p0 .LBB2_8-.Ltmp7, $4  }
0x75: {  	_ = 	snop  }
0x76: {  	s31 =	sadd.s32 s30, s3  }
0x77: {  	[hbm4b:s31+s29] =	stream.linear.scatter [tilespmem:s0], [sflag:$0x3], $0x80, $0x38;
	[tilespmem:$0x1E700] =	vst v63  }
0x78: {  	s30 =	sadd.s32 $0x80, s30;
	s0 =	sadd.s32 $0x100, s0  }
0x79: {  	s0 =	simm.s32 $0x0  }
0x7a: {  	v0 =	vld [tilespmem:s0+$0x19700]  }
0x7b: {  	v1 =	vld [tilespmem:s0+$0x19770]  }
0x7c: {  	v2 =	vld [tilespmem:s0+$0x19710]  }
0x7d: {  	v3 =	vld [tilespmem:s0+$0x19720]  }
0x7e: {  	v4 =	vld [tilespmem:s0+$0x19730]  }
0x7f: {  	v5 =	vld [tilespmem:s0+$0x19740]  }
0x80: {  	v6 =	vld [tilespmem:s0+$0x19750]  }
0x81: {  	v7 =	vld [tilespmem:s0+$0x19760]  }
0x82: {  	v0 =	vld.idx.msk [tilespmem:v0+s5+$0x0], $0xffff  }
0x83: {  	v1 =	vld.idx.msk [tilespmem:v1+s5+$0x0], $0xffff  }
0x84: {  	v2 =	vld.idx.msk [tilespmem:v2+s5+$0x0], $0xffff  }
0x85: {  	v3 =	vld.idx.msk [tilespmem:v3+s5+$0x0], $0xffff  }
0x86: {  	v4 =	vld.idx.msk [tilespmem:v4+s5+$0x0], $0xffff  }
0x87: {  	v5 =	vld.idx.msk [tilespmem:v5+s5+$0x0], $0xffff  }
0x88: {  	s29 =	simm.s32 $0x1C7F0;
	v6 =	vld.idx.msk [tilespmem:v6+s5+$0x0], $0xffff  }
0x89: {  	v7 =	vld.idx.msk [tilespmem:v7+s5+$0x0], $0xffff;
	[tilespmem:s29+$0x0] =	vst v1  }
0x8a: {  	[tilespmem:s29+$0xFFFFFF90] =	vst v0  }
0x8b: {  	[tilespmem:s29+$0xFFFFFFA0] =	vst v2  }
0x8c: {  	[tilespmem:s29+$0xFFFFFFB0] =	vst v3  }
0x8d: {  	[tilespmem:s29+$0xFFFFFFC0] =	vst v4  }
0x8e: {  	[tilespmem:s29+$0xFFFFFFD0] =	vst v5  }
0x8f: {  	[tilespmem:s29+$0xFFFFFFE0] =	vst v6  }
0x90: {  	s31 =	simm.s32 $0x80;
	[tilespmem:s29+$0xFFFFFFF0] =	vst v7  }
0x91: {  	s30 =	simm.s32 $0x400;
	v0 =	vld [tilespmem:s31+$0x19700]  }
.LBB2_10:
0x92: {  	p0 =	sne.s32 s30, $0x3E00;
	v1 =	vld [tilespmem:s31+$0x19770]  }
0x93: {  	v2 =	vld [tilespmem:s31+$0x19710]  }
0x94: {  	v3 =	vld [tilespmem:s31+$0x19720]  }
0x95: {  	v4 =	vld [tilespmem:s31+$0x19730]  }
0x96: {  	v5 =	vld [tilespmem:s31+$0x19740]  }
0x97: {  	v6 =	vld [tilespmem:s31+$0x19750]  }
0x98: {  	v7 =	vld [tilespmem:s31+$0x19760]  }
0x99: {  	v0 =	vld.idx.msk [tilespmem:v0+s5+$0x0], $0xffff  }
0x9a: {  	v1 =	vld.idx.msk [tilespmem:v1+s5+$0x0], $0xffff  }
0x9b: {  	v2 =	vld.idx.msk [tilespmem:v2+s5+$0x0], $0xffff  }
0x9c: {  	v3 =	vld.idx.msk [tilespmem:v3+s5+$0x0], $0xffff  }
0x9d: {  	v4 =	vld.idx.msk [tilespmem:v4+s5+$0x0], $0xffff  }
0x9e: {  	v5 =	vld.idx.msk [tilespmem:v5+s5+$0x0], $0xffff  }
0x9f: {  	s29 =	sadd.s32 $0x100, s29;
	v6 =	vld.idx.msk [tilespmem:v6+s5+$0x0], $0xffff  }
0xa0: {  	v7 =	vld.idx.msk [tilespmem:v7+s5+$0x0], $0xffff;
	[tilespmem:s29+$0x0] =	vst v1  }
0xa1: {  	[tilespmem:s29+$0xFFFFFF90] =	vst v0  }
0xa2: {  	[tilespmem:s29+$0xFFFFFFA0] =	vst v2  }
0xa3: {  	[tilespmem:s29+$0xFFFFFFB0] =	vst v3  }
.Ltmp8:
0xa4: {  	[tilespmem:s29+$0xFFFFFFC0] =	vst v4;
	(pc) =	sbr.rel @p0 .LBB2_10-.Ltmp8, $4  }
0xa5: {  	[tilespmem:s29+$0xFFFFFFD0] =	vst v5  }
0xa6: {  	[tilespmem:s29+$0xFFFFFFE0] =	vst v6  }
0xa7: {  	s31 =	sshra.s32 s30, $0x2;
	[tilespmem:s29+$0xFFFFFFF0] =	vst v7  }
0xa8: {  	s30 =	sadd.s32 $0x200, s30;
	v0 =	vld [tilespmem:s31+$0x19700]  }
0xa9: {  	_ = 	snop  }
0xaa: {  	v1 =	vld [tilespmem:s31+$0x19770]  }
0xab: {  	v2 =	vld [tilespmem:s31+$0x19710]  }
0xac: {  	v3 =	vld [tilespmem:s31+$0x19720]  }
0xad: {  	v4 =	vld [tilespmem:s31+$0x19730]  }
0xae: {  	v5 =	vld [tilespmem:s31+$0x19740]  }
0xaf: {  	v6 =	vld [tilespmem:s31+$0x19750]  }
0xb0: {  	v7 =	vld [tilespmem:s31+$0x19760]  }
0xb1: {  	v0 =	vld.idx.msk [tilespmem:v0+s5+$0x0], $0xffff  }
0xb2: {  	v1 =	vld.idx.msk [tilespmem:v1+s5+$0x0], $0xffff  }
0xb3: {  	v2 =	vld.idx.msk [tilespmem:v2+s5+$0x0], $0xffff  }
0xb4: {  	v3 =	vld.idx.msk [tilespmem:v3+s5+$0x0], $0xffff  }
0xb5: {  	v4 =	vld.idx.msk [tilespmem:v4+s5+$0x0], $0xffff  }
0xb6: {  	v5 =	vld.idx.msk [tilespmem:v5+s5+$0x0], $0xffff  }
0xb7: {  	s0 =	sadd.s32 $0x100, s29;
	v6 =	vld.idx.msk [tilespmem:v6+s5+$0x0], $0xffff  }
0xb8: {  	v7 =	vld.idx.msk [tilespmem:v7+s5+$0x0], $0xffff;
	[tilespmem:s0+$0xFFFFFF90] =	vst v0  }
0xb9: {  	[tilespmem:s0+$0x0] =	vst v1  }
0xba: {  	[tilespmem:s0+$0xFFFFFFA0] =	vst v2  }
0xbb: {  	[tilespmem:s0+$0xFFFFFFB0] =	vst v3  }
0xbc: {  	[tilespmem:s0+$0xFFFFFFC0] =	vst v4  }
0xbd: {  	[tilespmem:s0+$0xFFFFFFD0] =	vst v5  }
0xbe: {  	s29 =	sadd.s32 s28, s11;
	s30 =	simm.s32 $0x1C780;
	[tilespmem:s0+$0xFFFFFFE0] =	vst v6  }
0xbf: {  	s31 =	simm.s32 $0x80;
	s3 =	simm.s32 $0x1C880;
	[tilespmem:s0+$0xFFFFFFF0] =	vst v7;
	s0 =	sadd.s32 $0x0, s29  }
.LBB2_12:
0xc0: {  	[hbm4b:s0+s5] =	stream.linear.scatter [tilespmem:s30], [sflag:$0x4], $0x80, $0x38;
	[tilespmem:$0x1E700] =	vst v63  }
0xc1: {  	s0 =	smov.u32 s31;
	s30 =	smov.u32 s3;
	p0 =	sne.s32 s31, $0xF80  }
.Ltmp9:
0xc2: {  	s31 =	sadd.s32 $0x80, s31;
	(pc) =	sbr.rel @p0 .LBB2_12-.Ltmp9, $2  }
0xc3: {  	_ =	sdelay $0x2  }
0xc4: {  	s3 =	sadd.s32 $0x100, s3;
	s0 =	sadd.s32 s0, s29  }
0xc5: {  	[hbm4b:s0+s5] =	stream.linear.scatter [tilespmem:s30], [sflag:$0x4], $0x80, $0x38;
	[tilespmem:$0x1E700] =	vst v63  }
0xc6: {  	_ =	swait.ge [sflag:s19], $0x1000  }
0xc7: {  	[sflag:s19] =	ssyncset.done $0x0  }
0xc8: {  	s30 =	simm.s32 $0x1A770;
	[sflag:s19] =	ssyncadd.s32 $0xFFFFF000  }
0xc9: {  	v0 =	vld [tilespmem:s30+$0xFFFFFF90]  }
0xca: {  	s29 =	simm.s32 $0x0;
	s31 =	simm.s32 $0x400;
	v1 =	vld [tilespmem:s30+$0x0]  }
.LBB2_14:
0xcb: {  	p0 =	sne.s32 s31, $0x7C00;
	v2 =	vld [tilespmem:s30+$0xFFFFFFA0]  }
0xcc: {  	v3 =	vld [tilespmem:s30+$0xFFFFFFB0]  }
0xcd: {  	v4 =	vld [tilespmem:s30+$0xFFFFFFC0]  }
0xce: {  	v5 =	vld [tilespmem:s30+$0xFFFFFFD0]  }
0xcf: {  	v6 =	vld [tilespmem:s30+$0xFFFFFFE0]  }
0xd0: {  	v7 =	vld [tilespmem:s30+$0xFFFFFFF0]  }
0xd1: {  	v0 =	vld.idx.msk [tilespmem:v0+s5+$0x0], $0xffff  }
0xd2: {  	v1 =	vld.idx.msk [tilespmem:v1+s5+$0x0], $0xffff  }
0xd3: {  	v2 =	vld.idx.msk [tilespmem:v2+s5+$0x0], $0xffff  }
0xd4: {  	v3 =	vld.idx.msk [tilespmem:v3+s5+$0x0], $0xffff  }
0xd5: {  	v4 =	vld.idx.msk [tilespmem:v4+s5+$0x0], $0xffff  }
0xd6: {  	v5 =	vld.idx.msk [tilespmem:v5+s5+$0x0], $0xffff  }
0xd7: {  	s0 =	sshra.s32 s29, $0x2;
	s29 =	smov.u32 s31;
	v6 =	vld.idx.msk [tilespmem:v6+s5+$0x0], $0xffff  }
0xd8: {  	v7 =	vld.idx.msk [tilespmem:v7+s5+$0x0], $0xffff;
	[tilespmem:s0+$0x1C770] =	vst v1  }
0xd9: {  	[tilespmem:s0+$0x1C700] =	vst v0  }
0xda: {  	[tilespmem:s0+$0x1C710] =	vst v2  }
0xdb: {  	[tilespmem:s0+$0x1C720] =	vst v3  }
0xdc: {  	[tilespmem:s0+$0x1C730] =	vst v4  }
.Ltmp10:
0xdd: {  	[tilespmem:s0+$0x1C740] =	vst v5;
	(pc) =	sbr.rel @p0 .LBB2_14-.Ltmp10, $4  }
0xde: {  	[tilespmem:s0+$0x1C750] =	vst v6  }
0xdf: {  	s30 =	sadd.s32 $0x80, s30;
	[tilespmem:s0+$0x1C760] =	vst v7  }
0xe0: {  	v0 =	vld [tilespmem:s30+$0xFFFFFF90]  }
0xe1: {  	s31 =	sadd.s32 $0x400, s31;
	v1 =	vld [tilespmem:s30+$0x0]  }
0xe2: {  	_ = 	snop  }
0xe3: {  	v2 =	vld [tilespmem:s30+$0xFFFFFFA0]  }
0xe4: {  	v3 =	vld [tilespmem:s30+$0xFFFFFFB0]  }
0xe5: {  	v4 =	vld [tilespmem:s30+$0xFFFFFFC0]  }
0xe6: {  	v5 =	vld [tilespmem:s30+$0xFFFFFFD0]  }
0xe7: {  	v6 =	vld [tilespmem:s30+$0xFFFFFFE0]  }
0xe8: {  	v7 =	vld [tilespmem:s30+$0xFFFFFFF0]  }
0xe9: {  	v0 =	vld.idx.msk [tilespmem:v0+s5+$0x0], $0xffff  }
0xea: {  	v1 =	vld.idx.msk [tilespmem:v1+s5+$0x0], $0xffff  }
0xeb: {  	v2 =	vld.idx.msk [tilespmem:v2+s5+$0x0], $0xffff  }
0xec: {  	v3 =	vld.idx.msk [tilespmem:v3+s5+$0x0], $0xffff  }
0xed: {  	v4 =	vld.idx.msk [tilespmem:v4+s5+$0x0], $0xffff  }
0xee: {  	v5 =	vld.idx.msk [tilespmem:v5+s5+$0x0], $0xffff  }
0xef: {  	s0 =	sshra.s32 s29, $0x2;
	v6 =	vld.idx.msk [tilespmem:v6+s5+$0x0], $0xffff  }
0xf0: {  	v7 =	vld.idx.msk [tilespmem:v7+s5+$0x0], $0xffff;
	[tilespmem:s0+$0x1C700] =	vst v0  }
0xf1: {  	[tilespmem:s0+$0x1C770] =	vst v1  }
0xf2: {  	[tilespmem:s0+$0x1C710] =	vst v2  }
0xf3: {  	[tilespmem:s0+$0x1C720] =	vst v3  }
0xf4: {  	[tilespmem:s0+$0x1C730] =	vst v4  }
0xf5: {  	[tilespmem:s0+$0x1C740] =	vst v5  }
0xf6: {  	s29 =	sadd.s32 s28, s12;
	s30 =	simm.s32 $0x1C700;
	[tilespmem:s0+$0x1C750] =	vst v6  }
0xf7: {  	s31 =	simm.s32 $0x80;
	s3 =	simm.s32 $0x1C800;
	[tilespmem:s0+$0x1C760] =	vst v7;
	s0 =	sadd.s32 $0x0, s29  }
.LBB2_16:
0xf8: {  	[hbm4b:s0+s5] =	stream.linear.scatter [tilespmem:s30], [sflag:$0x3], $0x80, $0x38;
	[tilespmem:$0x1E700] =	vst v63  }
0xf9: {  	s0 =	smov.u32 s31;
	s30 =	smov.u32 s3;
	p0 =	sne.s32 s31, $0xF80  }
.Ltmp11:
0xfa: {  	s31 =	sadd.s32 $0x80, s31;
	(pc) =	sbr.rel @p0 .LBB2_16-.Ltmp11, $2  }
0xfb: {  	_ =	sdelay $0x2  }
0xfc: {  	s3 =	sadd.s32 $0x100, s3;
	s0 =	sadd.s32 s0, s29  }
0xfd: {  	[hbm4b:s0+s5] =	stream.linear.scatter [tilespmem:s30], [sflag:$0x3], $0x80, $0x38;
	[tilespmem:$0x1E700] =	vst v63  }
0xfe: {  	_ =	swait.ge [sflag:s20], $0x1000  }
0xff: {  	[sflag:s20] =	ssyncset.done $0x0  }
0x100: {  	s3 =	simm.s32 $0x0;
	[sflag:s20] =	ssyncadd.s32 $0xFFFFF000  }
0x101: {  	v0 =	vld [tilespmem:s3+$0x1B700]  }
0x102: {  	v1 =	vld [tilespmem:s3+$0x1B770]  }
0x103: {  	v2 =	vld [tilespmem:s3+$0x1B710]  }
0x104: {  	v3 =	vld [tilespmem:s3+$0x1B720]  }
0x105: {  	v4 =	vld [tilespmem:s3+$0x1B730]  }
0x106: {  	v5 =	vld [tilespmem:s3+$0x1B740]  }
0x107: {  	v6 =	vld [tilespmem:s3+$0x1B750]  }
0x108: {  	v7 =	vld [tilespmem:s3+$0x1B760]  }
0x109: {  	v0 =	vld.idx.msk [tilespmem:v0+s5+$0x0], $0xffff  }
0x10a: {  	v1 =	vld.idx.msk [tilespmem:v1+s5+$0x0], $0xffff  }
0x10b: {  	v2 =	vld.idx.msk [tilespmem:v2+s5+$0x0], $0xffff  }
0x10c: {  	v3 =	vld.idx.msk [tilespmem:v3+s5+$0x0], $0xffff  }
0x10d: {  	v4 =	vld.idx.msk [tilespmem:v4+s5+$0x0], $0xffff  }
0x10e: {  	v5 =	vld.idx.msk [tilespmem:v5+s5+$0x0], $0xffff  }
0x10f: {  	s29 =	simm.s32 $0x1C7F0;
	v6 =	vld.idx.msk [tilespmem:v6+s5+$0x0], $0xffff  }
0x110: {  	v7 =	vld.idx.msk [tilespmem:v7+s5+$0x0], $0xffff;
	[tilespmem:s29+$0x0] =	vst v1  }
0x111: {  	[tilespmem:s29+$0xFFFFFF90] =	vst v0  }
0x112: {  	[tilespmem:s29+$0xFFFFFFA0] =	vst v2  }
0x113: {  	[tilespmem:s29+$0xFFFFFFB0] =	vst v3  }
0x114: {  	[tilespmem:s29+$0xFFFFFFC0] =	vst v4  }
0x115: {  	[tilespmem:s29+$0xFFFFFFD0] =	vst v5  }
0x116: {  	[tilespmem:s29+$0xFFFFFFE0] =	vst v6  }
0x117: {  	s31 =	simm.s32 $0x80;
	[tilespmem:s29+$0xFFFFFFF0] =	vst v7  }
0x118: {  	s30 =	simm.s32 $0x400;
	v0 =	vld [tilespmem:s31+$0x1B700]  }
.LBB2_18:
0x119: {  	p0 =	sne.s32 s30, $0x3E00;
	v1 =	vld [tilespmem:s31+$0x1B770]  }
0x11a: {  	v2 =	vld [tilespmem:s31+$0x1B710]  }
0x11b: {  	v3 =	vld [tilespmem:s31+$0x1B720]  }
0x11c: {  	v4 =	vld [tilespmem:s31+$0x1B730]  }
0x11d: {  	v5 =	vld [tilespmem:s31+$0x1B740]  }
0x11e: {  	v6 =	vld [tilespmem:s31+$0x1B750]  }
0x11f: {  	v7 =	vld [tilespmem:s31+$0x1B760]  }
0x120: {  	v0 =	vld.idx.msk [tilespmem:v0+s5+$0x0], $0xffff  }
0x121: {  	v1 =	vld.idx.msk [tilespmem:v1+s5+$0x0], $0xffff  }
0x122: {  	v2 =	vld.idx.msk [tilespmem:v2+s5+$0x0], $0xffff  }
0x123: {  	v3 =	vld.idx.msk [tilespmem:v3+s5+$0x0], $0xffff  }
0x124: {  	v4 =	vld.idx.msk [tilespmem:v4+s5+$0x0], $0xffff  }
0x125: {  	v5 =	vld.idx.msk [tilespmem:v5+s5+$0x0], $0xffff  }
0x126: {  	s29 =	sadd.s32 $0x100, s29;
	v6 =	vld.idx.msk [tilespmem:v6+s5+$0x0], $0xffff  }
0x127: {  	v7 =	vld.idx.msk [tilespmem:v7+s5+$0x0], $0xffff;
	[tilespmem:s29+$0x0] =	vst v1  }
0x128: {  	[tilespmem:s29+$0xFFFFFF90] =	vst v0  }
0x129: {  	[tilespmem:s29+$0xFFFFFFA0] =	vst v2  }
0x12a: {  	[tilespmem:s29+$0xFFFFFFB0] =	vst v3  }
.Ltmp12:
0x12b: {  	[tilespmem:s29+$0xFFFFFFC0] =	vst v4;
	(pc) =	sbr.rel @p0 .LBB2_18-.Ltmp12, $4  }
0x12c: {  	[tilespmem:s29+$0xFFFFFFD0] =	vst v5  }
0x12d: {  	[tilespmem:s29+$0xFFFFFFE0] =	vst v6  }
0x12e: {  	s31 =	sshra.s32 s30, $0x2;
	[tilespmem:s29+$0xFFFFFFF0] =	vst v7  }
0x12f: {  	s30 =	sadd.s32 $0x200, s30;
	v0 =	vld [tilespmem:s31+$0x1B700]  }
0x130: {  	_ = 	snop  }
0x131: {  	v1 =	vld [tilespmem:s31+$0x1B770]  }
0x132: {  	v2 =	vld [tilespmem:s31+$0x1B710]  }
0x133: {  	v3 =	vld [tilespmem:s31+$0x1B720]  }
0x134: {  	v4 =	vld [tilespmem:s31+$0x1B730]  }
0x135: {  	v5 =	vld [tilespmem:s31+$0x1B740]  }
0x136: {  	v6 =	vld [tilespmem:s31+$0x1B750]  }
0x137: {  	v7 =	vld [tilespmem:s31+$0x1B760]  }
0x138: {  	v0 =	vld.idx.msk [tilespmem:v0+s5+$0x0], $0xffff  }
0x139: {  	v1 =	vld.idx.msk [tilespmem:v1+s5+$0x0], $0xffff  }
0x13a: {  	v2 =	vld.idx.msk [tilespmem:v2+s5+$0x0], $0xffff  }
0x13b: {  	v3 =	vld.idx.msk [tilespmem:v3+s5+$0x0], $0xffff  }
0x13c: {  	v4 =	vld.idx.msk [tilespmem:v4+s5+$0x0], $0xffff  }
0x13d: {  	v5 =	vld.idx.msk [tilespmem:v5+s5+$0x0], $0xffff  }
0x13e: {  	s0 =	sadd.s32 $0x100, s29;
	v6 =	vld.idx.msk [tilespmem:v6+s5+$0x0], $0xffff  }
0x13f: {  	v7 =	vld.idx.msk [tilespmem:v7+s5+$0x0], $0xffff;
	[tilespmem:s0+$0xFFFFFF90] =	vst v0  }
0x140: {  	[tilespmem:s0+$0x0] =	vst v1  }
0x141: {  	[tilespmem:s0+$0xFFFFFFA0] =	vst v2  }
0x142: {  	[tilespmem:s0+$0xFFFFFFB0] =	vst v3  }
0x143: {  	[tilespmem:s0+$0xFFFFFFC0] =	vst v4  }
0x144: {  	[tilespmem:s0+$0xFFFFFFD0] =	vst v5  }
0x145: {  	s28 =	sadd.s32 s28, s13;
	s29 =	simm.s32 $0x1C780;
	[tilespmem:s0+$0xFFFFFFE0] =	vst v6  }
0x146: {  	s30 =	simm.s32 $0x80;
	s3 =	simm.s32 $0x1C880;
	[tilespmem:s0+$0xFFFFFFF0] =	vst v7;
	s0 =	sadd.s32 $0x0, s28  }
.LBB2_20:
0x147: {  	[hbm4b:s0+s5] =	stream.linear.scatter [tilespmem:s29], [sflag:$0x4], $0x80, $0x38;
	[tilespmem:$0x1E700] =	vst v63  }
0x148: {  	s0 =	smov.u32 s30;
	s29 =	smov.u32 s3;
	p0 =	sne.s32 s30, $0xF80  }
.Ltmp13:
0x149: {  	s30 =	sadd.s32 $0x80, s30;
	(pc) =	sbr.rel @p0 .LBB2_20-.Ltmp13, $2  }
0x14a: {  	_ =	sdelay $0x2  }
0x14b: {  	s3 =	sadd.s32 $0x100, s3;
	s0 =	sadd.s32 s0, s28  }
0x14c: {  	[hbm4b:s0+s5] =	stream.linear.scatter [tilespmem:s29], [sflag:$0x4], $0x80, $0x38;
	[tilespmem:$0x1E700] =	vst v63  }
0x14d: {  	s25 =	sadd.s32 $0x1, s25  }
0x14e: {  	_ =	swait.ge [sflag:s19], $0x1000;
	p0 =	slt.s32 s25, s24  }
.Ltmp14:
0x14f: {  	[sflag:s19] =	ssyncset.done $0x0;
	(pc) =	sbr.rel @p0 .LBB2_5-.Ltmp14, $4  }
.Ltmp15:
0x150: {  	[sflag:s19] =	ssyncadd.s32 $0xFFFFF000;
	(pc) =	sbr.rel @!p0 .LBB2_22-.Ltmp15, $4  }
0x151: {  	_ =	swait.ge [sflag:s20], $0x1000  }
0x152: {  	[sflag:s20] =	ssyncset.done $0x0  }
0x153: {  	[sflag:s20] =	ssyncadd.s32 $0xFFFFF000  }
0x154: {  	_ = 	snop  }
.Lfunc_end2:
_tile_overlayer_lowered:
.L_overlay_start_2:
0x155: {  	(tag) =	ssettag $0x2  }
0x156: {  	s0 =	rddreg [dreg:$0x0];
	s2 =	stileid.u32  }
0x157: {  	s1 =	rddreg [dreg:$0x1];
	p0 =	sne.s32 s2, $0x0  }
0x158: {  	s3 =	rddreg [dreg:$0x2];
	[bflag:$0x3] =	sbarrier.arrive $0xFFFF;
	s2 =	simm.s32 @!p0 $0x1C05  }
0x159: {  	[timem:s3], [sflag:s2] =	dma.local @!p0 [hbm:s0], s1  }
0x15a: {  	s0 =	simm.s32 @!p0 $0x5  }
0x15b: {  	_ =	swait.ge @!p0 [sflag:s0], s1  }
0x15c: {  	s1 =	ssub.s32 @!p0 $0x0, s1;
	[sflag:s0] =	ssyncset.done @!p0 $0x0  }
0x15d: {  	[sflag:s0] =	ssyncadd.s32 @!p0 s1  }
0x15e: {  	[bflag:$0x3] =	sbarrier.arrive $0xFFFF  }
0x15f: {  	_ =	shalt  }

</sc_bundles>
